<compile_context>
chip_gen: v7x
topology: tpu7x:2x2x1
jax: 0.10.2.dev20260603
libtpu: 0.0.44.dev20260713+nightly
codegen_flags: <defaults>
</compile_context>

<pallas_src>
import functools

import jax
import jax.numpy as jnp
from jax import lax
from jax.experimental import pallas as pl
from jax.experimental.pallas import tpu as pltpu
from jax.experimental.pallas import tpu_sc as plsc

N = 10000
E = 320000
D = 128
HALF_N = 5000
ACC_ROWS = 5120
TRASH = 5056
NEG_SLOPE = 0.01

CHUNK = 128
E_PAD = 327680
EPT = E_PAD // 16
KT = EPT // CHUNK
ROWS_PER_TILE = ACC_ROWS // 16

_mesh = plsc.VectorSubcoreMesh(core_axis_name="c", subcore_axis_name="s")


@functools.partial(
    pl.kernel,
    out_type=(
        jax.ShapeDtypeStruct((2, ACC_ROWS, D), jnp.float32),
        jax.ShapeDtypeStruct((2, 16, KT, CHUNK), jnp.int32),
    ),
    mesh=_mesh,
    scratch_types=[
        pltpu.VMEM((KT, CHUNK), jnp.int32),
        pltpu.VMEM((KT, CHUNK), jnp.int32),
        pltpu.VMEM((CHUNK, D), jnp.float32),
        pltpu.VMEM((CHUNK, D), jnp.float32),
        pltpu.VMEM_SHARED((ACC_ROWS, D), jnp.float32),
    ],
)
def _deg_dst2_kernel(src_hbm, dst_hbm, deg_out, dst2_out, sidx, didx, ones,
                     zeros, acc):
    c = lax.axis_index("c")
    s = lax.axis_index("s")
    base = c * HALF_N

    def _fill(i, _):
        for j in range(D // 16):
            ones[i, pl.ds(j * 16, 16)] = jnp.full((16,), 1.0, jnp.float32)
            zeros[i, pl.ds(j * 16, 16)] = jnp.zeros((16,), jnp.float32)
        return 0
    lax.fori_loop(0, CHUNK, _fill, 0)

    for j in range(ROWS_PER_TILE // CHUNK):
        pltpu.sync_copy(zeros, acc.at[pl.ds(s * ROWS_PER_TILE + j * CHUNK, CHUNK)])
    if ROWS_PER_TILE % CHUNK:
        r = ROWS_PER_TILE % CHUNK
        pltpu.sync_copy(
            zeros.at[pl.ds(0, r)],
            acc.at[pl.ds(s * ROWS_PER_TILE + ROWS_PER_TILE - r, r)])

    pltpu.sync_copy(src_hbm.at[s], sidx)
    pltpu.sync_copy(dst_hbm.at[s], didx)

    def _mask(k, _):
        for j in range(CHUNK // 16):
            sv = sidx[k, pl.ds(j * 16, 16)]
            dv = didx[k, pl.ds(j * 16, 16)]
            t = dv - base
            keep = (t >= 0) & (t < HALF_N) & (sv != dv)
            didx[k, pl.ds(j * 16, 16)] = jnp.where(keep, t, TRASH)
        return 0
    lax.fori_loop(0, KT, _mask, 0)

    pltpu.sync_copy(didx, dst2_out.at[c, s])

    plsc.subcore_barrier()

    def _scatter(k, _):
        pltpu.sync_copy(ones, acc.at[didx.at[k]], add=True)
        return 0
    lax.fori_loop(0, KT, _scatter, 0)

    plsc.subcore_barrier()

    sl = pl.ds(s * ROWS_PER_TILE, ROWS_PER_TILE)
    pltpu.sync_copy(acc.at[sl], deg_out.at[c, sl])


@functools.partial(
    pl.kernel,
    out_type=jax.ShapeDtypeStruct((2, ACC_ROWS, D), jnp.float32),
    mesh=_mesh,
    scratch_types=[
        pltpu.VMEM((KT, CHUNK), jnp.int32),
        pltpu.VMEM((KT, CHUNK), jnp.int32),
        pltpu.VMEM((CHUNK, D), jnp.float32),
        pltpu.VMEM((CHUNK, D), jnp.float32),
        pltpu.VMEM_SHARED((ACC_ROWS, D), jnp.float32),
        pltpu.SemaphoreType.DMA,
    ],
)
def _agg_kernel(y_hbm, src_hbm, dst_hbm, out_hbm, sidx, didx, rows, zbuf, acc,
                sem):
    c = lax.axis_index("c")
    s = lax.axis_index("s")

    def _zfill(i, _):
        for j in range(D // 16):
            zbuf[i, pl.ds(j * 16, 16)] = jnp.zeros((16,), jnp.float32)
        return 0
    lax.fori_loop(0, CHUNK, _zfill, 0)

    for j in range(ROWS_PER_TILE // CHUNK):
        pltpu.sync_copy(zbuf, acc.at[pl.ds(s * ROWS_PER_TILE + j * CHUNK, CHUNK)])
    if ROWS_PER_TILE % CHUNK:
        r = ROWS_PER_TILE % CHUNK
        pltpu.sync_copy(
            zbuf.at[pl.ds(0, r)],
            acc.at[pl.ds(s * ROWS_PER_TILE + ROWS_PER_TILE - r, r)])

    pltpu.sync_copy(src_hbm.at[s], sidx)
    pltpu.sync_copy(dst_hbm.at[c, s], didx)

    plsc.subcore_barrier()

    def _edge(k, _):
        pltpu.async_copy(y_hbm.at[sidx.at[k]], rows, sem).wait()
        pltpu.sync_copy(rows, acc.at[didx.at[k]], add=True)
        return 0
    lax.fori_loop(0, KT, _edge, 0)

    plsc.subcore_barrier()

    sl = pl.ds(s * ROWS_PER_TILE, ROWS_PER_TILE)
    pltpu.sync_copy(acc.at[sl], out_hbm.at[c, sl])


BN = 1000
GRID = N // BN


def _tcprep_body(deg_ref, dinv_ref):
    deg = deg_ref[0, :, 0] + 2.0
    dinv_ref[0, 0, :] = lax.rsqrt(deg)


def _tc0_body(dinv_ref, x_ref, w_ref, y_ref):
    xw = jnp.dot(x_ref[...], w_ref[...], preferred_element_type=jnp.float32)
    y_ref[...] = dinv_ref[0, 0, :][:, None] * xw


def _tcmid_body(dinv_ref, s_ref, yp_ref, w_ref, b_ref, y_ref):
    dinv = dinv_ref[0, 0, :]
    accf = s_ref[0] + 2.0 * yp_ref[...]
    h = dinv[:, None] * accf + b_ref[...]
    h = jnp.where(h > 0, h, NEG_SLOPE * h)
    y_ref[...] = dinv[:, None] * jnp.dot(h, w_ref[...],
                                         preferred_element_type=jnp.float32)


def _tcfin_body(dinv_ref, s_ref, yp_ref, b_ref, o_ref):
    dinv = dinv_ref[0, 0, :]
    accf = s_ref[0] + 2.0 * yp_ref[...]
    h = dinv[:, None] * accf + b_ref[...]
    o_ref[...] = jnp.where(h > 0, h, NEG_SLOPE * h)


_half_spec = pl.BlockSpec((1, BN, D), lambda i: (i // 5, i % 5, 0))
_dinv_spec = pl.BlockSpec((1, 1, BN), lambda i: (i, 0, 0))
_full_spec = pl.BlockSpec((BN, D), lambda i: (i, 0))
_w_spec = pl.BlockSpec((D, D), lambda i: (0, 0))
_b_spec = pl.BlockSpec((D,), lambda i: (0,))

_tcprep = pl.pallas_call(
    _tcprep_body,
    grid=(GRID,),
    in_specs=[_half_spec],
    out_specs=_dinv_spec,
    out_shape=jax.ShapeDtypeStruct((GRID, 1, BN), jnp.float32),
)

_tc0 = pl.pallas_call(
    _tc0_body,
    grid=(GRID,),
    in_specs=[_dinv_spec, _full_spec, _w_spec],
    out_specs=_full_spec,
    out_shape=jax.ShapeDtypeStruct((N, D), jnp.float32),
)

_tcmid = pl.pallas_call(
    _tcmid_body,
    grid=(GRID,),
    in_specs=[_dinv_spec, _half_spec, _full_spec, _w_spec, _b_spec],
    out_specs=_full_spec,
    out_shape=jax.ShapeDtypeStruct((N, D), jnp.float32),
)

_tcfin = pl.pallas_call(
    _tcfin_body,
    grid=(GRID,),
    in_specs=[_dinv_spec, _half_spec, _full_spec, _b_spec],
    out_specs=_full_spec,
    out_shape=jax.ShapeDtypeStruct((N, D), jnp.float32),
)


def kernel(x, edge_index, W0, b0, W1, b1, W2, b2):
    src = edge_index[0]
    dst = edge_index[1]
    pad = E_PAD - E
    src_s = jnp.concatenate([src, jnp.zeros((pad,), jnp.int32)]).reshape(
        16, KT, CHUNK)
    dst_s = jnp.concatenate([dst, jnp.full((pad,), N, jnp.int32)]).reshape(
        16, KT, CHUNK)

    deg, dst2 = _deg_dst2_kernel(src_s, dst_s)
    dinv = _tcprep(deg)

    y = _tc0(dinv, x, W0)
    s0 = _agg_kernel(y, src_s, dst2)
    y = _tcmid(dinv, s0, y, W1, b0)
    s1 = _agg_kernel(y, src_s, dst2)
    y = _tcmid(dinv, s1, y, W2, b1)
    s2 = _agg_kernel(y, src_s, dst2)
    return _tcfin(dinv, s2, y, b2)

# --- scband reference (transcript-rebuilt; emitter-appended) ---
"""Pipeline reference for scband-sparse-gcn-72756745994565 (READ-ONLY COPY).

The authoritative reference and input builder live on the scoring server;
editing this copy changes nothing except your own understanding.
"""

import jax, jax.numpy as jnp
import numpy as np

N = 10000
E = 320000
D = 128
NUM_BLOCKS = 3
NEG_SLOPE = 0.01


def setup_inputs(seed: int = 0) -> dict:
    key = jax.random.key(seed)
    ks = jax.random.split(key, 2 + 2 * NUM_BLOCKS)
    inp = {}
    inp["x"] = jax.random.normal(ks[0], (N, D), dtype=jnp.float32)
    inp["edge_index"] = jax.random.randint(ks[1], (2, E), 0, N, dtype=jnp.int32)
    for i in range(NUM_BLOCKS):
        inp[f"W{i}"] = jax.random.normal(ks[2 + 2 * i], (D, D), dtype=jnp.float32) * 0.05
        inp[f"b{i}"] = jnp.zeros((D,), dtype=jnp.float32)
    return inp


def _gcn_layer(x, src, dst, W, b):
    # GCNConv(improved=True) on adj_t built from edge_index with self loops.
    # torch_sparse gcn_norm: values filled with 1, diagonal set (fill_diag) to 2.0
    # (improved), so pre-existing self-loop edges are replaced -> mask them to 0.
    xw = x @ W
    mask = (src != dst).astype(xw.dtype)  # off-diagonal edges weight 1, self loops replaced
    deg = jax.ops.segment_sum(mask, dst, num_segments=N) + 2.0  # +2 from improved self loop
    dinv = jax.lax.rsqrt(deg)
    norm = dinv[dst] * mask * dinv[src]
    agg = jax.ops.segment_sum(norm[:, None] * xw[src], dst, num_segments=N)
    agg = agg + (2.0 * dinv * dinv)[:, None] * xw  # diagonal (self-loop, value 2) term
    return agg + b


def reference(x, edge_index, W0, b0, W1, b1, W2, b2):
    # num_node_features == num_hidden == num_outputs == 128, so pre/post are None.
    src = edge_index[0]
    dst = edge_index[1]
    h = x
    for W, b in ((W0, b0), (W1, b1), (W2, b2)):
        h = _gcn_layer(h, src, dst, W, b)
        h = jnp.where(h > 0, h, NEG_SLOPE * h)  # LeakyReLU
    return h

if __name__ == "__main__":
    import jax
    _d = setup_inputs()
    print(jax.jit(kernel)(*tuple(_d.values())))

</pallas_src>

<mosaic_0001>
#map = affine_map<(d0, d1) -> (0, 0)>
#map1 = affine_map<(d0, d1) -> (0, 0, 0)>
#map2 = affine_map<(d0, d1) -> (0, 0, 0, 0)>
module attributes {stable_mosaic.version = 14 : i64} {
  func.func @_agg_kernel(%arg0: i32, %arg1: i32, %arg2: memref<10000x128xf32, #tpu.memory_space<hbm>>, %arg3: memref<16x160x128xi32, #tpu.memory_space<hbm>>, %arg4: memref<2x16x160x128xi32, #tpu.memory_space<hbm>>, %arg5: memref<2x5120x128xf32, #tpu.memory_space<hbm>>, %arg6: memref<160x128xi32, #tpu.memory_space<vmem>>, %arg7: memref<160x128xi32, #tpu.memory_space<vmem>>, %arg8: memref<128x128xf32, #tpu.memory_space<vmem>>, %arg9: memref<128x128xf32, #tpu.memory_space<vmem>>, %arg10: memref<5120x128xf32, #tpu.memory_space<vmem_shared>>, %arg11: memref<!tpu.dma_semaphore, #tpu.memory_space<semaphore_mem>>) attributes {dimension_semantics = [#tpu.dimension_semantics<core_parallel>, #tpu.dimension_semantics<subcore_parallel>], iteration_bounds = array<i64: 2, 16>, scalar_prefetch = 0 : i64, scratch_operands = 6 : i64, tpu.core_type = #tpu.core_type<sc_vector_subcore>, window_params = [{transform_indices = #map}, {transform_indices = #map1}, {transform_indices = #map2}, {transform_indices = #map1}]} {
    %scan3A = arith.constant 0 : i32
    %scan3A_0 = arith.constant 0 : i32
    %scan3A_1 = arith.constant 128 : i32
    %scan3A_2 = arith.addi %scan3A_0, %scan3A_1 : i32
    %scan3A_3 = arith.constant 1 : i32
    %scan3A_4 = scf.for %scan3A_27 = %scan3A_0 to %scan3A_2 step %scan3A_3 iter_args(%scan3A_28 = %scan3A) -> (i32)  : i32 {
      %broadcast_in_dim3A = arith.constant 0.000000e+00 : f32
      %broadcast_in_dim3A_29 = vector.broadcast %broadcast_in_dim3A : f32 to vector<16xf32>
      %swap3A = arith.index_cast %scan3A_27 : i32 to index
      %swap3A_30 = arith.constant 0 : index
      %swap3A_31 = tpu.vector_load %arg9[%swap3A, %swap3A_30] {strides = array<i32>} : memref<128x128xf32, #tpu.memory_space<vmem>>, vector<1x16xf32>,
      %swap3A_32 = vector.shape_cast %swap3A_31 : vector<1x16xf32> to vector<16xf32>
      %swap3A_33 = vector.shape_cast %broadcast_in_dim3A_29 : vector<16xf32> to vector<1x16xf32>
      tpu.vector_store %arg9[%swap3A, %swap3A_30], %swap3A_33 {strides = array<i32>} : memref<128x128xf32, #tpu.memory_space<vmem>>, vector<1x16xf32>,
      %broadcast_in_dim3A_34 = arith.constant 0.000000e+00 : f32
      %broadcast_in_dim3A_35 = vector.broadcast %broadcast_in_dim3A_34 : f32 to vector<16xf32>
      %swap3A_36 = arith.index_cast %scan3A_27 : i32 to index
      %swap3A_37 = arith.constant 16 : index
      %swap3A_38 = tpu.vector_load %arg9[%swap3A_36, %swap3A_37] {strides = array<i32>} : memref<128x128xf32, #tpu.memory_space<vmem>>, vector<1x16xf32>,
      %swap3A_39 = vector.shape_cast %swap3A_38 : vector<1x16xf32> to vector<16xf32>
      %swap3A_40 = vector.shape_cast %broadcast_in_dim3A_35 : vector<16xf32> to vector<1x16xf32>
      tpu.vector_store %arg9[%swap3A_36, %swap3A_37], %swap3A_40 {strides = array<i32>} : memref<128x128xf32, #tpu.memory_space<vmem>>, vector<1x16xf32>,
      %broadcast_in_dim3A_41 = arith.constant 0.000000e+00 : f32
      %broadcast_in_dim3A_42 = vector.broadcast %broadcast_in_dim3A_41 : f32 to vector<16xf32>
      %swap3A_43 = arith.index_cast %scan3A_27 : i32 to index
      %swap3A_44 = arith.constant 32 : index
      %swap3A_45 = tpu.vector_load %arg9[%swap3A_43, %swap3A_44] {strides = array<i32>} : memref<128x128xf32, #tpu.memory_space<vmem>>, vector<1x16xf32>,
      %swap3A_46 = vector.shape_cast %swap3A_45 : vector<1x16xf32> to vector<16xf32>
      %swap3A_47 = vector.shape_cast %broadcast_in_dim3A_42 : vector<16xf32> to vector<1x16xf32>
      tpu.vector_store %arg9[%swap3A_43, %swap3A_44], %swap3A_47 {strides = array<i32>} : memref<128x128xf32, #tpu.memory_space<vmem>>, vector<1x16xf32>,
      %broadcast_in_dim3A_48 = arith.constant 0.000000e+00 : f32
      %broadcast_in_dim3A_49 = vector.broadcast %broadcast_in_dim3A_48 : f32 to vector<16xf32>
      %swap3A_50 = arith.index_cast %scan3A_27 : i32 to index
      %swap3A_51 = arith.constant 48 : index
      %swap3A_52 = tpu.vector_load %arg9[%swap3A_50, %swap3A_51] {strides = array<i32>} : memref<128x128xf32, #tpu.memory_space<vmem>>, vector<1x16xf32>,
      %swap3A_53 = vector.shape_cast %swap3A_52 : vector<1x16xf32> to vector<16xf32>
      %swap3A_54 = vector.shape_cast %broadcast_in_dim3A_49 : vector<16xf32> to vector<1x16xf32>
      tpu.vector_store %arg9[%swap3A_50, %swap3A_51], %swap3A_54 {strides = array<i32>} : memref<128x128xf32, #tpu.memory_space<vmem>>, vector<1x16xf32>,
      %broadcast_in_dim3A_55 = arith.constant 0.000000e+00 : f32
      %broadcast_in_dim3A_56 = vector.broadcast %broadcast_in_dim3A_55 : f32 to vector<16xf32>
      %swap3A_57 = arith.index_cast %scan3A_27 : i32 to index
      %swap3A_58 = arith.constant 64 : index
      %swap3A_59 = tpu.vector_load %arg9[%swap3A_57, %swap3A_58] {strides = array<i32>} : memref<128x128xf32, #tpu.memory_space<vmem>>, vector<1x16xf32>,
      %swap3A_60 = vector.shape_cast %swap3A_59 : vector<1x16xf32> to vector<16xf32>
      %swap3A_61 = vector.shape_cast %broadcast_in_dim3A_56 : vector<16xf32> to vector<1x16xf32>
      tpu.vector_store %arg9[%swap3A_57, %swap3A_58], %swap3A_61 {strides = array<i32>} : memref<128x128xf32, #tpu.memory_space<vmem>>, vector<1x16xf32>,
      %broadcast_in_dim3A_62 = arith.constant 0.000000e+00 : f32
      %broadcast_in_dim3A_63 = vector.broadcast %broadcast_in_dim3A_62 : f32 to vector<16xf32>
      %swap3A_64 = arith.index_cast %scan3A_27 : i32 to index
      %swap3A_65 = arith.constant 80 : index
      %swap3A_66 = tpu.vector_load %arg9[%swap3A_64, %swap3A_65] {strides = array<i32>} : memref<128x128xf32, #tpu.memory_space<vmem>>, vector<1x16xf32>,
      %swap3A_67 = vector.shape_cast %swap3A_66 : vector<1x16xf32> to vector<16xf32>
      %swap3A_68 = vector.shape_cast %broadcast_in_dim3A_63 : vector<16xf32> to vector<1x16xf32>
      tpu.vector_store %arg9[%swap3A_64, %swap3A_65], %swap3A_68 {strides = array<i32>} : memref<128x128xf32, #tpu.memory_space<vmem>>, vector<1x16xf32>,
      %broadcast_in_dim3A_69 = arith.constant 0.000000e+00 : f32
      %broadcast_in_dim3A_70 = vector.broadcast %broadcast_in_dim3A_69 : f32 to vector<16xf32>
      %swap3A_71 = arith.index_cast %scan3A_27 : i32 to index
      %swap3A_72 = arith.constant 96 : index
      %swap3A_73 = tpu.vector_load %arg9[%swap3A_71, %swap3A_72] {strides = array<i32>} : memref<128x128xf32, #tpu.memory_space<vmem>>, vector<1x16xf32>,
      %swap3A_74 = vector.shape_cast %swap3A_73 : vector<1x16xf32> to vector<16xf32>
      %swap3A_75 = vector.shape_cast %broadcast_in_dim3A_70 : vector<16xf32> to vector<1x16xf32>
      tpu.vector_store %arg9[%swap3A_71, %swap3A_72], %swap3A_75 {strides = array<i32>} : memref<128x128xf32, #tpu.memory_space<vmem>>, vector<1x16xf32>,
      %broadcast_in_dim3A_76 = arith.constant 0.000000e+00 : f32
      %broadcast_in_dim3A_77 = vector.broadcast %broadcast_in_dim3A_76 : f32 to vector<16xf32>
      %swap3A_78 = arith.index_cast %scan3A_27 : i32 to index
      %swap3A_79 = arith.constant 112 : index
      %swap3A_80 = tpu.vector_load %arg9[%swap3A_78, %swap3A_79] {strides = array<i32>} : memref<128x128xf32, #tpu.memory_space<vmem>>, vector<1x16xf32>,
      %swap3A_81 = vector.shape_cast %swap3A_80 : vector<1x16xf32> to vector<16xf32>
      %swap3A_82 = vector.shape_cast %broadcast_in_dim3A_77 : vector<16xf32> to vector<1x16xf32>
      tpu.vector_store %arg9[%swap3A_78, %swap3A_79], %swap3A_82 {strides = array<i32>} : memref<128x128xf32, #tpu.memory_space<vmem>>, vector<1x16xf32>,
      %scan3A_83 = arith.constant 0 : i32
      scf.yield %scan3A_83 : i32
    }
    %scan3A_5 = arith.constant 128 : i32
    %mul3A = arith.constant 320 : i32
    %mul3A_6 = arith.muli %arg1, %mul3A : i32
    %add3A = arith.constant 0 : i32
    %add3A_7 = arith.addi %mul3A_6, %add3A : i32
    "tpu.region"() ({
      %run_scoped3A = tpu.sem_alloc : memref<!tpu.dma_semaphore, #tpu.memory_space<semaphore_mem>>
      %dma_start3A = arith.constant 0 : i32
      %dma_start3A_27 = tpu.memref_slice %arg10[%add3A_7, %dma_start3A] : memref<5120x128xf32, #tpu.memory_space<vmem_shared>> -> memref<128x128xf32, #tpu.memory_space<vmem_shared>>
      %dma_start3A_28 = arith.constant 0 : i32
      %dma_start3A_29 = tpu.memref_slice %arg10[%add3A_7, %dma_start3A_28] : memref<5120x128xf32, #tpu.memory_space<vmem_shared>> -> memref<128x128xf32, #tpu.memory_space<vmem_shared>>
      tpu.enqueue_dma source(%arg9 : memref<128x128xf32, #tpu.memory_space<vmem>>) target(%dma_start3A_29 : memref<128x128xf32, #tpu.memory_space<vmem_shared>>) target_semaphore(%run_scoped3A : memref<!tpu.dma_semaphore, #tpu.memory_space<semaphore_mem>>)
      %dma_wait3A = arith.constant 0 : i32
      %dma_wait3A_30 = tpu.memref_slice %arg10[%add3A_7, %dma_wait3A] : memref<5120x128xf32, #tpu.memory_space<vmem_shared>> -> memref<128x128xf32, #tpu.memory_space<vmem_shared>>
      %dma_wait3A_31 = arith.constant 0 : i32
      %dma_wait3A_32 = tpu.memref_slice %arg10[%add3A_7, %dma_wait3A_31] : memref<5120x128xf32, #tpu.memory_space<vmem_shared>> -> memref<128x128xf32, #tpu.memory_space<vmem_shared>>
      tpu.wait_dma2 semaphore(%run_scoped3A : memref<!tpu.dma_semaphore, #tpu.memory_space<semaphore_mem>>) src(%arg9 : memref<128x128xf32, #tpu.memory_space<vmem>>) dst(%dma_wait3A_32 : memref<128x128xf32, #tpu.memory_space<vmem_shared>>)
      tpu.yield
    }) : () -> ()
    %mul3A_8 = arith.constant 320 : i32
    %mul3A_9 = arith.muli %arg1, %mul3A_8 : i32
    %add3A_10 = arith.constant 128 : i32
    %add3A_11 = arith.addi %mul3A_9, %add3A_10 : i32
    "tpu.region"() ({
      %run_scoped3A = tpu.sem_alloc : memref<!tpu.dma_semaphore, #tpu.memory_space<semaphore_mem>>
      %dma_start3A = arith.constant 0 : i32
      %dma_start3A_27 = tpu.memref_slice %arg10[%add3A_11, %dma_start3A] : memref<5120x128xf32, #tpu.memory_space<vmem_shared>> -> memref<128x128xf32, #tpu.memory_space<vmem_shared>>
      %dma_start3A_28 = arith.constant 0 : i32
      %dma_start3A_29 = tpu.memref_slice %arg10[%add3A_11, %dma_start3A_28] : memref<5120x128xf32, #tpu.memory_space<vmem_shared>> -> memref<128x128xf32, #tpu.memory_space<vmem_shared>>
      tpu.enqueue_dma source(%arg9 : memref<128x128xf32, #tpu.memory_space<vmem>>) target(%dma_start3A_29 : memref<128x128xf32, #tpu.memory_space<vmem_shared>>) target_semaphore(%run_scoped3A : memref<!tpu.dma_semaphore, #tpu.memory_space<semaphore_mem>>)
      %dma_wait3A = arith.constant 0 : i32
      %dma_wait3A_30 = tpu.memref_slice %arg10[%add3A_11, %dma_wait3A] : memref<5120x128xf32, #tpu.memory_space<vmem_shared>> -> memref<128x128xf32, #tpu.memory_space<vmem_shared>>
      %dma_wait3A_31 = arith.constant 0 : i32
      %dma_wait3A_32 = tpu.memref_slice %arg10[%add3A_11, %dma_wait3A_31] : memref<5120x128xf32, #tpu.memory_space<vmem_shared>> -> memref<128x128xf32, #tpu.memory_space<vmem_shared>>
      tpu.wait_dma2 semaphore(%run_scoped3A : memref<!tpu.dma_semaphore, #tpu.memory_space<semaphore_mem>>) src(%arg9 : memref<128x128xf32, #tpu.memory_space<vmem>>) dst(%dma_wait3A_32 : memref<128x128xf32, #tpu.memory_space<vmem_shared>>)
      tpu.yield
    }) : () -> ()
    %mul3A_12 = arith.constant 320 : i32
    %mul3A_13 = arith.muli %arg1, %mul3A_12 : i32
    %add3A_14 = arith.constant 320 : i32
    %add3A_15 = arith.addi %mul3A_13, %add3A_14 : i32
    %sub3A = arith.constant 64 : i32
    %sub3A_16 = arith.subi %add3A_15, %sub3A : i32
    "tpu.region"() ({
      %run_scoped3A = tpu.sem_alloc : memref<!tpu.dma_semaphore, #tpu.memory_space<semaphore_mem>>
      %dma_start3A = arith.constant 0 : i32
      %dma_start3A_27 = arith.constant 0 : i32
      %dma_start3A_28 = tpu.memref_slice %arg9[%dma_start3A, %dma_start3A_27] : memref<128x128xf32, #tpu.memory_space<vmem>> -> memref<64x128xf32, #tpu.memory_space<vmem>>
      %dma_start3A_29 = arith.constant 0 : i32
      %dma_start3A_30 = tpu.memref_slice %arg10[%sub3A_16, %dma_start3A_29] : memref<5120x128xf32, #tpu.memory_space<vmem_shared>> -> memref<64x128xf32, #tpu.memory_space<vmem_shared>>
      %dma_start3A_31 = arith.constant 0 : i32
      %dma_start3A_32 = tpu.memref_slice %arg10[%sub3A_16, %dma_start3A_31] : memref<5120x128xf32, #tpu.memory_space<vmem_shared>> -> memref<64x128xf32, #tpu.memory_space<vmem_shared>>
      %dma_start3A_33 = arith.constant 0 : i32
      %dma_start3A_34 = arith.constant 0 : i32
      %dma_start3A_35 = tpu.memref_slice %arg9[%dma_start3A_33, %dma_start3A_34] : memref<128x128xf32, #tpu.memory_space<vmem>> -> memref<64x128xf32, #tpu.memory_space<vmem>>
      tpu.enqueue_dma source(%dma_start3A_35 : memref<64x128xf32, #tpu.memory_space<vmem>>) target(%dma_start3A_32 : memref<64x128xf32, #tpu.memory_space<vmem_shared>>) target_semaphore(%run_scoped3A : memref<!tpu.dma_semaphore, #tpu.memory_space<semaphore_mem>>)
      %dma_wait3A = arith.constant 0 : i32
      %dma_wait3A_36 = arith.constant 0 : i32
      %dma_wait3A_37 = tpu.memref_slice %arg9[%dma_wait3A, %dma_wait3A_36] : memref<128x128xf32, #tpu.memory_space<vmem>> -> memref<64x128xf32, #tpu.memory_space<vmem>>
      %dma_wait3A_38 = arith.constant 0 : i32
      %dma_wait3A_39 = tpu.memref_slice %arg10[%sub3A_16, %dma_wait3A_38] : memref<5120x128xf32, #tpu.memory_space<vmem_shared>> -> memref<64x128xf32, #tpu.memory_space<vmem_shared>>
      %dma_wait3A_40 = arith.constant 0 : i32
      %dma_wait3A_41 = tpu.memref_slice %arg10[%sub3A_16, %dma_wait3A_40] : memref<5120x128xf32, #tpu.memory_space<vmem_shared>> -> memref<64x128xf32, #tpu.memory_space<vmem_shared>>
      %dma_wait3A_42 = arith.constant 0 : i32
      %dma_wait3A_43 = arith.constant 0 : i32
      %dma_wait3A_44 = tpu.memref_slice %arg9[%dma_wait3A_42, %dma_wait3A_43] : memref<128x128xf32, #tpu.memory_space<vmem>> -> memref<64x128xf32, #tpu.memory_space<vmem>>
      tpu.wait_dma2 semaphore(%run_scoped3A : memref<!tpu.dma_semaphore, #tpu.memory_space<semaphore_mem>>) src(%dma_wait3A_44 : memref<64x128xf32, #tpu.memory_space<vmem>>) dst(%dma_wait3A_41 : memref<64x128xf32, #tpu.memory_space<vmem_shared>>)
      tpu.yield
    }) : () -> ()
    "tpu.region"() ({
      %run_scoped3A = tpu.sem_alloc : memref<!tpu.dma_semaphore, #tpu.memory_space<semaphore_mem>>
      %dma_start3A = arith.constant 0 : i32
      %dma_start3A_27 = arith.constant 0 : i32
      %dma_start3A_28 = tpu.memref_slice %arg3[%arg1, %dma_start3A, %dma_start3A_27] : memref<16x160x128xi32, #tpu.memory_space<hbm>> -> memref<1x160x128xi32, #tpu.memory_space<hbm>>
      %dma_start3A_29 = tpu.memref_squeeze %dma_start3A_28 : memref<1x160x128xi32, #tpu.memory_space<hbm>> -> memref<160x128xi32, #tpu.memory_space<hbm>>
      %dma_start3A_30 = arith.constant 0 : i32
      %dma_start3A_31 = arith.constant 0 : i32
      %dma_start3A_32 = tpu.memref_slice %arg3[%arg1, %dma_start3A_30, %dma_start3A_31] : memref<16x160x128xi32, #tpu.memory_space<hbm>> -> memref<1x160x128xi32, #tpu.memory_space<hbm>>
      %dma_start3A_33 = tpu.memref_squeeze %dma_start3A_32 : memref<1x160x128xi32, #tpu.memory_space<hbm>> -> memref<160x128xi32, #tpu.memory_space<hbm>>
      tpu.enqueue_dma source(%dma_start3A_33 : memref<160x128xi32, #tpu.memory_space<hbm>>) target(%arg6 : memref<160x128xi32, #tpu.memory_space<vmem>>) target_semaphore(%run_scoped3A : memref<!tpu.dma_semaphore, #tpu.memory_space<semaphore_mem>>)
      %dma_wait3A = arith.constant 0 : i32
      %dma_wait3A_34 = arith.constant 0 : i32
      %dma_wait3A_35 = tpu.memref_slice %arg3[%arg1, %dma_wait3A, %dma_wait3A_34] : memref<16x160x128xi32, #tpu.memory_space<hbm>> -> memref<1x160x128xi32, #tpu.memory_space<hbm>>
      %dma_wait3A_36 = tpu.memref_squeeze %dma_wait3A_35 : memref<1x160x128xi32, #tpu.memory_space<hbm>> -> memref<160x128xi32, #tpu.memory_space<hbm>>
      %dma_wait3A_37 = arith.constant 0 : i32
      %dma_wait3A_38 = arith.constant 0 : i32
      %dma_wait3A_39 = tpu.memref_slice %arg3[%arg1, %dma_wait3A_37, %dma_wait3A_38] : memref<16x160x128xi32, #tpu.memory_space<hbm>> -> memref<1x160x128xi32, #tpu.memory_space<hbm>>
      %dma_wait3A_40 = tpu.memref_squeeze %dma_wait3A_39 : memref<1x160x128xi32, #tpu.memory_space<hbm>> -> memref<160x128xi32, #tpu.memory_space<hbm>>
      tpu.wait_dma2 semaphore(%run_scoped3A : memref<!tpu.dma_semaphore, #tpu.memory_space<semaphore_mem>>) src(%dma_wait3A_40 : memref<160x128xi32, #tpu.memory_space<hbm>>) dst(%arg6 : memref<160x128xi32, #tpu.memory_space<vmem>>)
      tpu.yield
    }) : () -> ()
    "tpu.region"() ({
      %run_scoped3A = tpu.sem_alloc : memref<!tpu.dma_semaphore, #tpu.memory_space<semaphore_mem>>
      %dma_start3A = arith.constant 0 : i32
      %dma_start3A_27 = arith.constant 0 : i32
      %dma_start3A_28 = tpu.memref_slice %arg4[%arg0, %arg1, %dma_start3A, %dma_start3A_27] : memref<2x16x160x128xi32, #tpu.memory_space<hbm>> -> memref<1x1x160x128xi32, #tpu.memory_space<hbm>>
      %dma_start3A_29 = tpu.memref_squeeze %dma_start3A_28 : memref<1x1x160x128xi32, #tpu.memory_space<hbm>> -> memref<160x128xi32, #tpu.memory_space<hbm>>
      %dma_start3A_30 = arith.constant 0 : i32
      %dma_start3A_31 = arith.constant 0 : i32
      %dma_start3A_32 = tpu.memref_slice %arg4[%arg0, %arg1, %dma_start3A_30, %dma_start3A_31] : memref<2x16x160x128xi32, #tpu.memory_space<hbm>> -> memref<1x1x160x128xi32, #tpu.memory_space<hbm>>
      %dma_start3A_33 = tpu.memref_squeeze %dma_start3A_32 : memref<1x1x160x128xi32, #tpu.memory_space<hbm>> -> memref<160x128xi32, #tpu.memory_space<hbm>>
      tpu.enqueue_dma source(%dma_start3A_33 : memref<160x128xi32, #tpu.memory_space<hbm>>) target(%arg7 : memref<160x128xi32, #tpu.memory_space<vmem>>) target_semaphore(%run_scoped3A : memref<!tpu.dma_semaphore, #tpu.memory_space<semaphore_mem>>)
      %dma_wait3A = arith.constant 0 : i32
      %dma_wait3A_34 = arith.constant 0 : i32
      %dma_wait3A_35 = tpu.memref_slice %arg4[%arg0, %arg1, %dma_wait3A, %dma_wait3A_34] : memref<2x16x160x128xi32, #tpu.memory_space<hbm>> -> memref<1x1x160x128xi32, #tpu.memory_space<hbm>>
      %dma_wait3A_36 = tpu.memref_squeeze %dma_wait3A_35 : memref<1x1x160x128xi32, #tpu.memory_space<hbm>> -> memref<160x128xi32, #tpu.memory_space<hbm>>
      %dma_wait3A_37 = arith.constant 0 : i32
      %dma_wait3A_38 = arith.constant 0 : i32
      %dma_wait3A_39 = tpu.memref_slice %arg4[%arg0, %arg1, %dma_wait3A_37, %dma_wait3A_38] : memref<2x16x160x128xi32, #tpu.memory_space<hbm>> -> memref<1x1x160x128xi32, #tpu.memory_space<hbm>>
      %dma_wait3A_40 = tpu.memref_squeeze %dma_wait3A_39 : memref<1x1x160x128xi32, #tpu.memory_space<hbm>> -> memref<160x128xi32, #tpu.memory_space<hbm>>
      tpu.wait_dma2 semaphore(%run_scoped3A : memref<!tpu.dma_semaphore, #tpu.memory_space<semaphore_mem>>) src(%dma_wait3A_40 : memref<160x128xi32, #tpu.memory_space<hbm>>) dst(%arg7 : memref<160x128xi32, #tpu.memory_space<vmem>>)
      tpu.yield
    }) : () -> ()
    %barrier3A = arith.constant 0 : index
    tpu.barrier barrier_id(%barrier3A)
    %scan3A_17 = arith.constant 0 : i32
    %scan3A_18 = arith.constant 0 : i32
    %scan3A_19 = arith.constant 160 : i32
    %scan3A_20 = arith.addi %scan3A_18, %scan3A_19 : i32
    %scan3A_21 = arith.constant 1 : i32
    %scan3A_22 = scf.for %scan3A_27 = %scan3A_18 to %scan3A_20 step %scan3A_21 iter_args(%scan3A_28 = %scan3A_17) -> (i32)  : i32 {
      %dma_start3A = arith.constant 0 : i32
      %dma_start3A_29 = tpu.memref_slice %arg6[%scan3A_27, %dma_start3A] : memref<160x128xi32, #tpu.memory_space<vmem>> -> memref<1x128xi32, #tpu.memory_space<vmem>>
      %dma_start3A_30 = tpu.memref_squeeze %dma_start3A_29 : memref<1x128xi32, #tpu.memory_space<vmem>> -> memref<128xi32, #tpu.memory_space<vmem>>
      %dma_start3A_31 = arith.constant 0 : i32
      %dma_start3A_32 = arith.constant 0 : i32
      %dma_start3A_33 = tpu.memref_slice %arg2[%dma_start3A_31, %dma_start3A_32] : memref<10000x128xf32, #tpu.memory_space<hbm>> -> memref<10000x128xf32, #tpu.memory_space<hbm>>
      tpu.enqueue_indirect_dma source(%dma_start3A_33 : memref<10000x128xf32, #tpu.memory_space<hbm>>) target(%arg8 : memref<128x128xf32, #tpu.memory_space<vmem>>) offsets(%dma_start3A_30 : memref<128xi32, #tpu.memory_space<vmem>>) semaphore(%arg11 : memref<!tpu.dma_semaphore, #tpu.memory_space<semaphore_mem>>)
      %dma_wait3A = arith.constant 0 : i32
      %dma_wait3A_34 = tpu.memref_slice %arg6[%scan3A_27, %dma_wait3A] : memref<160x128xi32, #tpu.memory_space<vmem>> -> memref<1x128xi32, #tpu.memory_space<vmem>>
      %dma_wait3A_35 = tpu.memref_squeeze %dma_wait3A_34 : memref<1x128xi32, #tpu.memory_space<vmem>> -> memref<128xi32, #tpu.memory_space<vmem>>
      %dma_wait3A_36 = arith.constant 0 : i32
      %dma_wait3A_37 = arith.constant 0 : i32
      %dma_wait3A_38 = tpu.memref_slice %arg2[%dma_wait3A_36, %dma_wait3A_37] : memref<10000x128xf32, #tpu.memory_space<hbm>> -> memref<10000x128xf32, #tpu.memory_space<hbm>>
      tpu.wait_indirect_dma semaphore(%arg11 : memref<!tpu.dma_semaphore, #tpu.memory_space<semaphore_mem>>) src(%dma_wait3A_38 : memref<10000x128xf32, #tpu.memory_space<hbm>>) dst(%arg8 : memref<128x128xf32, #tpu.memory_space<vmem>>)
      "tpu.region"() ({
        %run_scoped3A = tpu.sem_alloc : memref<!tpu.dma_semaphore, #tpu.memory_space<semaphore_mem>>
        %dma_start3A_40 = arith.constant 0 : i32
        %dma_start3A_41 = tpu.memref_slice %arg7[%scan3A_27, %dma_start3A_40] : memref<160x128xi32, #tpu.memory_space<vmem>> -> memref<1x128xi32, #tpu.memory_space<vmem>>
        %dma_start3A_42 = tpu.memref_squeeze %dma_start3A_41 : memref<1x128xi32, #tpu.memory_space<vmem>> -> memref<128xi32, #tpu.memory_space<vmem>>
        %dma_start3A_43 = arith.constant 0 : i32
        %dma_start3A_44 = arith.constant 0 : i32
        %dma_start3A_45 = tpu.memref_slice %arg10[%dma_start3A_43, %dma_start3A_44] : memref<5120x128xf32, #tpu.memory_space<vmem_shared>> -> memref<5120x128xf32, #tpu.memory_space<vmem_shared>>
        tpu.enqueue_indirect_dma source(%arg8 : memref<128x128xf32, #tpu.memory_space<vmem>>) target(%dma_start3A_45 : memref<5120x128xf32, #tpu.memory_space<vmem_shared>>) offsets(%dma_start3A_42 : memref<128xi32, #tpu.memory_space<vmem>>) semaphore(%run_scoped3A : memref<!tpu.dma_semaphore, #tpu.memory_space<semaphore_mem>>) {add = true}
        %dma_wait3A_46 = arith.constant 0 : i32
        %dma_wait3A_47 = tpu.memref_slice %arg7[%scan3A_27, %dma_wait3A_46] : memref<160x128xi32, #tpu.memory_space<vmem>> -> memref<1x128xi32, #tpu.memory_space<vmem>>
        %dma_wait3A_48 = tpu.memref_squeeze %dma_wait3A_47 : memref<1x128xi32, #tpu.memory_space<vmem>> -> memref<128xi32, #tpu.memory_space<vmem>>
        %dma_wait3A_49 = arith.constant 0 : i32
        %dma_wait3A_50 = arith.constant 0 : i32
        %dma_wait3A_51 = tpu.memref_slice %arg10[%dma_wait3A_49, %dma_wait3A_50] : memref<5120x128xf32, #tpu.memory_space<vmem_shared>> -> memref<5120x128xf32, #tpu.memory_space<vmem_shared>>
        tpu.wait_indirect_dma semaphore(%run_scoped3A : memref<!tpu.dma_semaphore, #tpu.memory_space<semaphore_mem>>) src(%arg8 : memref<128x128xf32, #tpu.memory_space<vmem>>) dst(%dma_wait3A_51 : memref<5120x128xf32, #tpu.memory_space<vmem_shared>>)
        tpu.yield
      }) : () -> ()
      %scan3A_39 = arith.constant 0 : i32
      scf.yield %scan3A_39 : i32
    }
    %scan3A_23 = arith.constant 160 : i32
    %barrier3A_24 = arith.constant 0 : index
    tpu.barrier barrier_id(%barrier3A_24)
    %mul3A_25 = arith.constant 320 : i32
    %mul3A_26 = arith.muli %arg1, %mul3A_25 : i32
    "tpu.region"() ({
      %run_scoped3A = tpu.sem_alloc : memref<!tpu.dma_semaphore, #tpu.memory_space<semaphore_mem>>
      %dma_start3A = arith.constant 0 : i32
      %dma_start3A_27 = tpu.memref_slice %arg5[%arg0, %mul3A_26, %dma_start3A] : memref<2x5120x128xf32, #tpu.memory_space<hbm>> -> memref<1x320x128xf32, #tpu.memory_space<hbm>>
      %dma_start3A_28 = tpu.memref_squeeze %dma_start3A_27 : memref<1x320x128xf32, #tpu.memory_space<hbm>> -> memref<320x128xf32, #tpu.memory_space<hbm>>
      %dma_start3A_29 = arith.constant 0 : i32
      %dma_start3A_30 = tpu.memref_slice %arg10[%mul3A_26, %dma_start3A_29] : memref<5120x128xf32, #tpu.memory_space<vmem_shared>> -> memref<320x128xf32, #tpu.memory_space<vmem_shared>>
      tpu.enqueue_dma source(%dma_start3A_30 : memref<320x128xf32, #tpu.memory_space<vmem_shared>>) target(%dma_start3A_28 : memref<320x128xf32, #tpu.memory_space<hbm>>) target_semaphore(%run_scoped3A : memref<!tpu.dma_semaphore, #tpu.memory_space<semaphore_mem>>)
      %dma_wait3A = arith.constant 0 : i32
      %dma_wait3A_31 = tpu.memref_slice %arg5[%arg0, %mul3A_26, %dma_wait3A] : memref<2x5120x128xf32, #tpu.memory_space<hbm>> -> memref<1x320x128xf32, #tpu.memory_space<hbm>>
      %dma_wait3A_32 = tpu.memref_squeeze %dma_wait3A_31 : memref<1x320x128xf32, #tpu.memory_space<hbm>> -> memref<320x128xf32, #tpu.memory_space<hbm>>
      %dma_wait3A_33 = arith.constant 0 : i32
      %dma_wait3A_34 = tpu.memref_slice %arg10[%mul3A_26, %dma_wait3A_33] : memref<5120x128xf32, #tpu.memory_space<vmem_shared>> -> memref<320x128xf32, #tpu.memory_space<vmem_shared>>
      tpu.wait_dma2 semaphore(%run_scoped3A : memref<!tpu.dma_semaphore, #tpu.memory_space<semaphore_mem>>) src(%dma_wait3A_34 : memref<320x128xf32, #tpu.memory_space<vmem_shared>>) dst(%dma_wait3A_32 : memref<320x128xf32, #tpu.memory_space<hbm>>)
      tpu.yield
    }) : () -> ()
    return
  }
}

#map = affine_map<(d0, d1) -> (0, 0)>
#map1 = affine_map<(d0, d1) -> (0, 0, 0)>
#map2 = affine_map<(d0, d1) -> (0, 0, 0, 0)>
module attributes {stable_mosaic.version = 14 : i64} {
  func.func @_agg_kernel(%arg0: i32, %arg1: i32, %arg2: memref<10000x128xf32, #tpu.memory_space<hbm>>, %arg3: memref<16x160x128xi32, #tpu.memory_space<hbm>>, %arg4: memref<2x16x160x128xi32, #tpu.memory_space<hbm>>, %arg5: memref<2x5120x128xf32, #tpu.memory_space<hbm>>, %arg6: memref<160x128xi32, #tpu.memory_space<vmem>>, %arg7: memref<160x128xi32, #tpu.memory_space<vmem>>, %arg8: memref<128x128xf32, #tpu.memory_space<vmem>>, %arg9: memref<128x128xf32, #tpu.memory_space<vmem>>, %arg10: memref<5120x128xf32, #tpu.memory_space<vmem_shared>>, %arg11: memref<!tpu.dma_semaphore, #tpu.memory_space<semaphore_mem>>) attributes {dimension_semantics = [#tpu.dimension_semantics<core_parallel>, #tpu.dimension_semantics<subcore_parallel>], iteration_bounds = array<i64: 2, 16>, scalar_prefetch = 0 : i64, scratch_operands = 6 : i64, tpu.core_type = #tpu.core_type<sc_vector_subcore>, window_params = [{transform_indices = #map}, {transform_indices = #map1}, {transform_indices = #map2}, {transform_indices = #map1}]} {
    %scan3A = arith.constant 0 : i32
    %scan3A_0 = arith.constant 0 : i32
    %scan3A_1 = arith.constant 128 : i32
    %scan3A_2 = arith.addi %scan3A_0, %scan3A_1 : i32
    %scan3A_3 = arith.constant 1 : i32
    %scan3A_4 = scf.for %scan3A_27 = %scan3A_0 to %scan3A_2 step %scan3A_3 iter_args(%scan3A_28 = %scan3A) -> (i32)  : i32 {
      %broadcast_in_dim3A = arith.constant 0.000000e+00 : f32
      %broadcast_in_dim3A_29 = vector.broadcast %broadcast_in_dim3A : f32 to vector<16xf32>
      %swap3A = arith.index_cast %scan3A_27 : i32 to index
      %swap3A_30 = arith.constant 0 : index
      %swap3A_31 = tpu.vector_load %arg9[%swap3A, %swap3A_30] {strides = array<i32>} : memref<128x128xf32, #tpu.memory_space<vmem>>, vector<1x16xf32>,
      %swap3A_32 = vector.shape_cast %swap3A_31 : vector<1x16xf32> to vector<16xf32>
      %swap3A_33 = vector.shape_cast %broadcast_in_dim3A_29 : vector<16xf32> to vector<1x16xf32>
      tpu.vector_store %arg9[%swap3A, %swap3A_30], %swap3A_33 {strides = array<i32>} : memref<128x128xf32, #tpu.memory_space<vmem>>, vector<1x16xf32>,
      %broadcast_in_dim3A_34 = arith.constant 0.000000e+00 : f32
      %broadcast_in_dim3A_35 = vector.broadcast %broadcast_in_dim3A_34 : f32 to vector<16xf32>
      %swap3A_36 = arith.index_cast %scan3A_27 : i32 to index
      %swap3A_37 = arith.constant 16 : index
      %swap3A_38 = tpu.vector_load %arg9[%swap3A_36, %swap3A_37] {strides = array<i32>} : memref<128x128xf32, #tpu.memory_space<vmem>>, vector<1x16xf32>,
      %swap3A_39 = vector.shape_cast %swap3A_38 : vector<1x16xf32> to vector<16xf32>
      %swap3A_40 = vector.shape_cast %broadcast_in_dim3A_35 : vector<16xf32> to vector<1x16xf32>
      tpu.vector_store %arg9[%swap3A_36, %swap3A_37], %swap3A_40 {strides = array<i32>} : memref<128x128xf32, #tpu.memory_space<vmem>>, vector<1x16xf32>,
      %broadcast_in_dim3A_41 = arith.constant 0.000000e+00 : f32
      %broadcast_in_dim3A_42 = vector.broadcast %broadcast_in_dim3A_41 : f32 to vector<16xf32>
      %swap3A_43 = arith.index_cast %scan3A_27 : i32 to index
      %swap3A_44 = arith.constant 32 : index
      %swap3A_45 = tpu.vector_load %arg9[%swap3A_43, %swap3A_44] {strides = array<i32>} : memref<128x128xf32, #tpu.memory_space<vmem>>, vector<1x16xf32>,
      %swap3A_46 = vector.shape_cast %swap3A_45 : vector<1x16xf32> to vector<16xf32>
      %swap3A_47 = vector.shape_cast %broadcast_in_dim3A_42 : vector<16xf32> to vector<1x16xf32>
      tpu.vector_store %arg9[%swap3A_43, %swap3A_44], %swap3A_47 {strides = array<i32>} : memref<128x128xf32, #tpu.memory_space<vmem>>, vector<1x16xf32>,
      %broadcast_in_dim3A_48 = arith.constant 0.000000e+00 : f32
      %broadcast_in_dim3A_49 = vector.broadcast %broadcast_in_dim3A_48 : f32 to vector<16xf32>
      %swap3A_50 = arith.index_cast %scan3A_27 : i32 to index
      %swap3A_51 = arith.constant 48 : index
      %swap3A_52 = tpu.vector_load %arg9[%swap3A_50, %swap3A_51] {strides = array<i32>} : memref<128x128xf32, #tpu.memory_space<vmem>>, vector<1x16xf32>,
      %swap3A_53 = vector.shape_cast %swap3A_52 : vector<1x16xf32> to vector<16xf32>
      %swap3A_54 = vector.shape_cast %broadcast_in_dim3A_49 : vector<16xf32> to vector<1x16xf32>
      tpu.vector_store %arg9[%swap3A_50, %swap3A_51], %swap3A_54 {strides = array<i32>} : memref<128x128xf32, #tpu.memory_space<vmem>>, vector<1x16xf32>,
      %broadcast_in_dim3A_55 = arith.constant 0.000000e+00 : f32
      %broadcast_in_dim3A_56 = vector.broadcast %broadcast_in_dim3A_55 : f32 to vector<16xf32>
      %swap3A_57 = arith.index_cast %scan3A_27 : i32 to index
      %swap3A_58 = arith.constant 64 : index
      %swap3A_59 = tpu.vector_load %arg9[%swap3A_57, %swap3A_58] {strides = array<i32>} : memref<128x128xf32, #tpu.memory_space<vmem>>, vector<1x16xf32>,
      %swap3A_60 = vector.shape_cast %swap3A_59 : vector<1x16xf32> to vector<16xf32>
      %swap3A_61 = vector.shape_cast %broadcast_in_dim3A_56 : vector<16xf32> to vector<1x16xf32>
      tpu.vector_store %arg9[%swap3A_57, %swap3A_58], %swap3A_61 {strides = array<i32>} : memref<128x128xf32, #tpu.memory_space<vmem>>, vector<1x16xf32>,
      %broadcast_in_dim3A_62 = arith.constant 0.000000e+00 : f32
      %broadcast_in_dim3A_63 = vector.broadcast %broadcast_in_dim3A_62 : f32 to vector<16xf32>
      %swap3A_64 = arith.index_cast %scan3A_27 : i32 to index
      %swap3A_65 = arith.constant 80 : index
      %swap3A_66 = tpu.vector_load %arg9[%swap3A_64, %swap3A_65] {strides = array<i32>} : memref<128x128xf32, #tpu.memory_space<vmem>>, vector<1x16xf32>,
      %swap3A_67 = vector.shape_cast %swap3A_66 : vector<1x16xf32> to vector<16xf32>
      %swap3A_68 = vector.shape_cast %broadcast_in_dim3A_63 : vector<16xf32> to vector<1x16xf32>
      tpu.vector_store %arg9[%swap3A_64, %swap3A_65], %swap3A_68 {strides = array<i32>} : memref<128x128xf32, #tpu.memory_space<vmem>>, vector<1x16xf32>,
      %broadcast_in_dim3A_69 = arith.constant 0.000000e+00 : f32
      %broadcast_in_dim3A_70 = vector.broadcast %broadcast_in_dim3A_69 : f32 to vector<16xf32>
      %swap3A_71 = arith.index_cast %scan3A_27 : i32 to index
      %swap3A_72 = arith.constant 96 : index
      %swap3A_73 = tpu.vector_load %arg9[%swap3A_71, %swap3A_72] {strides = array<i32>} : memref<128x128xf32, #tpu.memory_space<vmem>>, vector<1x16xf32>,
      %swap3A_74 = vector.shape_cast %swap3A_73 : vector<1x16xf32> to vector<16xf32>
      %swap3A_75 = vector.shape_cast %broadcast_in_dim3A_70 : vector<16xf32> to vector<1x16xf32>
      tpu.vector_store %arg9[%swap3A_71, %swap3A_72], %swap3A_75 {strides = array<i32>} : memref<128x128xf32, #tpu.memory_space<vmem>>, vector<1x16xf32>,
      %broadcast_in_dim3A_76 = arith.constant 0.000000e+00 : f32
      %broadcast_in_dim3A_77 = vector.broadcast %broadcast_in_dim3A_76 : f32 to vector<16xf32>
      %swap3A_78 = arith.index_cast %scan3A_27 : i32 to index
      %swap3A_79 = arith.constant 112 : index
      %swap3A_80 = tpu.vector_load %arg9[%swap3A_78, %swap3A_79] {strides = array<i32>} : memref<128x128xf32, #tpu.memory_space<vmem>>, vector<1x16xf32>,
      %swap3A_81 = vector.shape_cast %swap3A_80 : vector<1x16xf32> to vector<16xf32>
      %swap3A_82 = vector.shape_cast %broadcast_in_dim3A_77 : vector<16xf32> to vector<1x16xf32>
      tpu.vector_store %arg9[%swap3A_78, %swap3A_79], %swap3A_82 {strides = array<i32>} : memref<128x128xf32, #tpu.memory_space<vmem>>, vector<1x16xf32>,
      %scan3A_83 = arith.constant 0 : i32
      scf.yield %scan3A_83 : i32
    }
    %scan3A_5 = arith.constant 128 : i32
    %mul3A = arith.constant 320 : i32
    %mul3A_6 = arith.muli %arg1, %mul3A : i32
    %add3A = arith.constant 0 : i32
    %add3A_7 = arith.addi %mul3A_6, %add3A : i32
    "tpu.region"() ({
      %run_scoped3A = tpu.sem_alloc : memref<!tpu.dma_semaphore, #tpu.memory_space<semaphore_mem>>
      %dma_start3A = arith.constant 0 : i32
      %dma_start3A_27 = tpu.memref_slice %arg10[%add3A_7, %dma_start3A] : memref<5120x128xf32, #tpu.memory_space<vmem_shared>> -> memref<128x128xf32, #tpu.memory_space<vmem_shared>>
      %dma_start3A_28 = arith.constant 0 : i32
      %dma_start3A_29 = tpu.memref_slice %arg10[%add3A_7, %dma_start3A_28] : memref<5120x128xf32, #tpu.memory_space<vmem_shared>> -> memref<128x128xf32, #tpu.memory_space<vmem_shared>>
      tpu.enqueue_dma source(%arg9 : memref<128x128xf32, #tpu.memory_space<vmem>>) target(%dma_start3A_29 : memref<128x128xf32, #tpu.memory_space<vmem_shared>>) target_semaphore(%run_scoped3A : memref<!tpu.dma_semaphore, #tpu.memory_space<semaphore_mem>>)
      %dma_wait3A = arith.constant 0 : i32
      %dma_wait3A_30 = tpu.memref_slice %arg10[%add3A_7, %dma_wait3A] : memref<5120x128xf32, #tpu.memory_space<vmem_shared>> -> memref<128x128xf32, #tpu.memory_space<vmem_shared>>
      %dma_wait3A_31 = arith.constant 0 : i32
      %dma_wait3A_32 = tpu.memref_slice %arg10[%add3A_7, %dma_wait3A_31] : memref<5120x128xf32, #tpu.memory_space<vmem_shared>> -> memref<128x128xf32, #tpu.memory_space<vmem_shared>>
      tpu.wait_dma2 semaphore(%run_scoped3A : memref<!tpu.dma_semaphore, #tpu.memory_space<semaphore_mem>>) src(%arg9 : memref<128x128xf32, #tpu.memory_space<vmem>>) dst(%dma_wait3A_32 : memref<128x128xf32, #tpu.memory_space<vmem_shared>>)
      tpu.yield
    }) : () -> ()
    %mul3A_8 = arith.constant 320 : i32
    %mul3A_9 = arith.muli %arg1, %mul3A_8 : i32
    %add3A_10 = arith.constant 128 : i32
    %add3A_11 = arith.addi %mul3A_9, %add3A_10 : i32
    "tpu.region"() ({
      %run_scoped3A = tpu.sem_alloc : memref<!tpu.dma_semaphore, #tpu.memory_space<semaphore_mem>>
      %dma_start3A = arith.constant 0 : i32
      %dma_start3A_27 = tpu.memref_slice %arg10[%add3A_11, %dma_start3A] : memref<5120x128xf32, #tpu.memory_space<vmem_shared>> -> memref<128x128xf32, #tpu.memory_space<vmem_shared>>
      %dma_start3A_28 = arith.constant 0 : i32
      %dma_start3A_29 = tpu.memref_slice %arg10[%add3A_11, %dma_start3A_28] : memref<5120x128xf32, #tpu.memory_space<vmem_shared>> -> memref<128x128xf32, #tpu.memory_space<vmem_shared>>
      tpu.enqueue_dma source(%arg9 : memref<128x128xf32, #tpu.memory_space<vmem>>) target(%dma_start3A_29 : memref<128x128xf32, #tpu.memory_space<vmem_shared>>) target_semaphore(%run_scoped3A : memref<!tpu.dma_semaphore, #tpu.memory_space<semaphore_mem>>)
      %dma_wait3A = arith.constant 0 : i32
      %dma_wait3A_30 = tpu.memref_slice %arg10[%add3A_11, %dma_wait3A] : memref<5120x128xf32, #tpu.memory_space<vmem_shared>> -> memref<128x128xf32, #tpu.memory_space<vmem_shared>>
      %dma_wait3A_31 = arith.constant 0 : i32
      %dma_wait3A_32 = tpu.memref_slice %arg10[%add3A_11, %dma_wait3A_31] : memref<5120x128xf32, #tpu.memory_space<vmem_shared>> -> memref<128x128xf32, #tpu.memory_space<vmem_shared>>
      tpu.wait_dma2 semaphore(%run_scoped3A : memref<!tpu.dma_semaphore, #tpu.memory_space<semaphore_mem>>) src(%arg9 : memref<128x128xf32, #tpu.memory_space<vmem>>) dst(%dma_wait3A_32 : memref<128x128xf32, #tpu.memory_space<vmem_shared>>)
      tpu.yield
    }) : () -> ()
    %mul3A_12 = arith.constant 320 : i32
    %mul3A_13 = arith.muli %arg1, %mul3A_12 : i32
    %add3A_14 = arith.constant 320 : i32
    %add3A_15 = arith.addi %mul3A_13, %add3A_14 : i32
    %sub3A = arith.constant 64 : i32
    %sub3A_16 = arith.subi %add3A_15, %sub3A : i32
    "tpu.region"() ({
      %run_scoped3A = tpu.sem_alloc : memref<!tpu.dma_semaphore, #tpu.memory_space<semaphore_mem>>
      %dma_start3A = arith.constant 0 : i32
      %dma_start3A_27 = arith.constant 0 : i32
      %dma_start3A_28 = tpu.memref_slice %arg9[%dma_start3A, %dma_start3A_27] : memref<128x128xf32, #tpu.memory_space<vmem>> -> memref<64x128xf32, #tpu.memory_space<vmem>>
      %dma_start3A_29 = arith.constant 0 : i32
      %dma_start3A_30 = tpu.memref_slice %arg10[%sub3A_16, %dma_start3A_29] : memref<5120x128xf32, #tpu.memory_space<vmem_shared>> -> memref<64x128xf32, #tpu.memory_space<vmem_shared>>
      %dma_start3A_31 = arith.constant 0 : i32
      %dma_start3A_32 = tpu.memref_slice %arg10[%sub3A_16, %dma_start3A_31] : memref<5120x128xf32, #tpu.memory_space<vmem_shared>> -> memref<64x128xf32, #tpu.memory_space<vmem_shared>>
      %dma_start3A_33 = arith.constant 0 : i32
      %dma_start3A_34 = arith.constant 0 : i32
      %dma_start3A_35 = tpu.memref_slice %arg9[%dma_start3A_33, %dma_start3A_34] : memref<128x128xf32, #tpu.memory_space<vmem>> -> memref<64x128xf32, #tpu.memory_space<vmem>>
      tpu.enqueue_dma source(%dma_start3A_35 : memref<64x128xf32, #tpu.memory_space<vmem>>) target(%dma_start3A_32 : memref<64x128xf32, #tpu.memory_space<vmem_shared>>) target_semaphore(%run_scoped3A : memref<!tpu.dma_semaphore, #tpu.memory_space<semaphore_mem>>)
      %dma_wait3A = arith.constant 0 : i32
      %dma_wait3A_36 = arith.constant 0 : i32
      %dma_wait3A_37 = tpu.memref_slice %arg9[%dma_wait3A, %dma_wait3A_36] : memref<128x128xf32, #tpu.memory_space<vmem>> -> memref<64x128xf32, #tpu.memory_space<vmem>>
      %dma_wait3A_38 = arith.constant 0 : i32
      %dma_wait3A_39 = tpu.memref_slice %arg10[%sub3A_16, %dma_wait3A_38] : memref<5120x128xf32, #tpu.memory_space<vmem_shared>> -> memref<64x128xf32, #tpu.memory_space<vmem_shared>>
      %dma_wait3A_40 = arith.constant 0 : i32
      %dma_wait3A_41 = tpu.memref_slice %arg10[%sub3A_16, %dma_wait3A_40] : memref<5120x128xf32, #tpu.memory_space<vmem_shared>> -> memref<64x128xf32, #tpu.memory_space<vmem_shared>>
      %dma_wait3A_42 = arith.constant 0 : i32
      %dma_wait3A_43 = arith.constant 0 : i32
      %dma_wait3A_44 = tpu.memref_slice %arg9[%dma_wait3A_42, %dma_wait3A_43] : memref<128x128xf32, #tpu.memory_space<vmem>> -> memref<64x128xf32, #tpu.memory_space<vmem>>
      tpu.wait_dma2 semaphore(%run_scoped3A : memref<!tpu.dma_semaphore, #tpu.memory_space<semaphore_mem>>) src(%dma_wait3A_44 : memref<64x128xf32, #tpu.memory_space<vmem>>) dst(%dma_wait3A_41 : memref<64x128xf32, #tpu.memory_space<vmem_shared>>)
      tpu.yield
    }) : () -> ()
    "tpu.region"() ({
      %run_scoped3A = tpu.sem_alloc : memref<!tpu.dma_semaphore, #tpu.memory_space<semaphore_mem>>
      %dma_start3A = arith.constant 0 : i32
      %dma_start3A_27 = arith.constant 0 : i32
      %dma_start3A_28 = tpu.memref_slice %arg3[%arg1, %dma_start3A, %dma_start3A_27] : memref<16x160x128xi32, #tpu.memory_space<hbm>> -> memref<1x160x128xi32, #tpu.memory_space<hbm>>
      %dma_start3A_29 = tpu.memref_squeeze %dma_start3A_28 : memref<1x160x128xi32, #tpu.memory_space<hbm>> -> memref<160x128xi32, #tpu.memory_space<hbm>>
      %dma_start3A_30 = arith.constant 0 : i32
      %dma_start3A_31 = arith.constant 0 : i32
      %dma_start3A_32 = tpu.memref_slice %arg3[%arg1, %dma_start3A_30, %dma_start3A_31] : memref<16x160x128xi32, #tpu.memory_space<hbm>> -> memref<1x160x128xi32, #tpu.memory_space<hbm>>
      %dma_start3A_33 = tpu.memref_squeeze %dma_start3A_32 : memref<1x160x128xi32, #tpu.memory_space<hbm>> -> memref<160x128xi32, #tpu.memory_space<hbm>>
      tpu.enqueue_dma source(%dma_start3A_33 : memref<160x128xi32, #tpu.memory_space<hbm>>) target(%arg6 : memref<160x128xi32, #tpu.memory_space<vmem>>) target_semaphore(%run_scoped3A : memref<!tpu.dma_semaphore, #tpu.memory_space<semaphore_mem>>)
      %dma_wait3A = arith.constant 0 : i32
      %dma_wait3A_34 = arith.constant 0 : i32
      %dma_wait3A_35 = tpu.memref_slice %arg3[%arg1, %dma_wait3A, %dma_wait3A_34] : memref<16x160x128xi32, #tpu.memory_space<hbm>> -> memref<1x160x128xi32, #tpu.memory_space<hbm>>
      %dma_wait3A_36 = tpu.memref_squeeze %dma_wait3A_35 : memref<1x160x128xi32, #tpu.memory_space<hbm>> -> memref<160x128xi32, #tpu.memory_space<hbm>>
      %dma_wait3A_37 = arith.constant 0 : i32
      %dma_wait3A_38 = arith.constant 0 : i32
      %dma_wait3A_39 = tpu.memref_slice %arg3[%arg1, %dma_wait3A_37, %dma_wait3A_38] : memref<16x160x128xi32, #tpu.memory_space<hbm>> -> memref<1x160x128xi32, #tpu.memory_space<hbm>>
      %dma_wait3A_40 = tpu.memref_squeeze %dma_wait3A_39 : memref<1x160x128xi32, #tpu.memory_space<hbm>> -> memref<160x128xi32, #tpu.memory_space<hbm>>
      tpu.wait_dma2 semaphore(%run_scoped3A : memref<!tpu.dma_semaphore, #tpu.memory_space<semaphore_mem>>) src(%dma_wait3A_40 : memref<160x128xi32, #tpu.memory_space<hbm>>) dst(%arg6 : memref<160x128xi32, #tpu.memory_space<vmem>>)
      tpu.yield
    }) : () -> ()
    "tpu.region"() ({
      %run_scoped3A = tpu.sem_alloc : memref<!tpu.dma_semaphore, #tpu.memory_space<semaphore_mem>>
      %dma_start3A = arith.constant 0 : i32
      %dma_start3A_27 = arith.constant 0 : i32
      %dma_start3A_28 = tpu.memref_slice %arg4[%arg0, %arg1, %dma_start3A, %dma_start3A_27] : memref<2x16x160x128xi32, #tpu.memory_space<hbm>> -> memref<1x1x160x128xi32, #tpu.memory_space<hbm>>
      %dma_start3A_29 = tpu.memref_squeeze %dma_start3A_28 : memref<1x1x160x128xi32, #tpu.memory_space<hbm>> -> memref<160x128xi32, #tpu.memory_space<hbm>>
      %dma_start3A_30 = arith.constant 0 : i32
      %dma_start3A_31 = arith.constant 0 : i32
      %dma_start3A_32 = tpu.memref_slice %arg4[%arg0, %arg1, %dma_start3A_30, %dma_start3A_31] : memref<2x16x160x128xi32, #tpu.memory_space<hbm>> -> memref<1x1x160x128xi32, #tpu.memory_space<hbm>>
      %dma_start3A_33 = tpu.memref_squeeze %dma_start3A_32 : memref<1x1x160x128xi32, #tpu.memory_space<hbm>> -> memref<160x128xi32, #tpu.memory_space<hbm>>
      tpu.enqueue_dma source(%dma_start3A_33 : memref<160x128xi32, #tpu.memory_space<hbm>>) target(%arg7 : memref<160x128xi32, #tpu.memory_space<vmem>>) target_semaphore(%run_scoped3A : memref<!tpu.dma_semaphore, #tpu.memory_space<semaphore_mem>>)
      %dma_wait3A = arith.constant 0 : i32
      %dma_wait3A_34 = arith.constant 0 : i32
      %dma_wait3A_35 = tpu.memref_slice %arg4[%arg0, %arg1, %dma_wait3A, %dma_wait3A_34] : memref<2x16x160x128xi32, #tpu.memory_space<hbm>> -> memref<1x1x160x128xi32, #tpu.memory_space<hbm>>
      %dma_wait3A_36 = tpu.memref_squeeze %dma_wait3A_35 : memref<1x1x160x128xi32, #tpu.memory_space<hbm>> -> memref<160x128xi32, #tpu.memory_space<hbm>>
      %dma_wait3A_37 = arith.constant 0 : i32
      %dma_wait3A_38 = arith.constant 0 : i32
      %dma_wait3A_39 = tpu.memref_slice %arg4[%arg0, %arg1, %dma_wait3A_37, %dma_wait3A_38] : memref<2x16x160x128xi32, #tpu.memory_space<hbm>> -> memref<1x1x160x128xi32, #tpu.memory_space<hbm>>
      %dma_wait3A_40 = tpu.memref_squeeze %dma_wait3A_39 : memref<1x1x160x128xi32, #tpu.memory_space<hbm>> -> memref<160x128xi32, #tpu.memory_space<hbm>>
      tpu.wait_dma2 semaphore(%run_scoped3A : memref<!tpu.dma_semaphore, #tpu.memory_space<semaphore_mem>>) src(%dma_wait3A_40 : memref<160x128xi32, #tpu.memory_space<hbm>>) dst(%arg7 : memref<160x128xi32, #tpu.memory_space<vmem>>)
      tpu.yield
    }) : () -> ()
    %barrier3A = arith.constant 0 : index
    tpu.barrier barrier_id(%barrier3A)
    %scan3A_17 = arith.constant 0 : i32
    %scan3A_18 = arith.constant 0 : i32
    %scan3A_19 = arith.constant 160 : i32
    %scan3A_20 = arith.addi %scan3A_18, %scan3A_19 : i32
    %scan3A_21 = arith.constant 1 : i32
    %scan3A_22 = scf.for %scan3A_27 = %scan3A_18 to %scan3A_20 step %scan3A_21 iter_args(%scan3A_28 = %scan3A_17) -> (i32)  : i32 {
      %dma_start3A = arith.constant 0 : i32
      %dma_start3A_29 = tpu.memref_slice %arg6[%scan3A_27, %dma_start3A] : memref<160x128xi32, #tpu.memory_space<vmem>> -> memref<1x128xi32, #tpu.memory_space<vmem>>
      %dma_start3A_30 = tpu.memref_squeeze %dma_start3A_29 : memref<1x128xi32, #tpu.memory_space<vmem>> -> memref<128xi32, #tpu.memory_space<vmem>>
      %dma_start3A_31 = arith.constant 0 : i32
      %dma_start3A_32 = arith.constant 0 : i32
      %dma_start3A_33 = tpu.memref_slice %arg2[%dma_start3A_31, %dma_start3A_32] : memref<10000x128xf32, #tpu.memory_space<hbm>> -> memref<10000x128xf32, #tpu.memory_space<hbm>>
      tpu.enqueue_indirect_dma source(%dma_start3A_33 : memref<10000x128xf32, #tpu.memory_space<hbm>>) target(%arg8 : memref<128x128xf32, #tpu.memory_space<vmem>>) offsets(%dma_start3A_30 : memref<128xi32, #tpu.memory_space<vmem>>) semaphore(%arg11 : memref<!tpu.dma_semaphore, #tpu.memory_space<semaphore_mem>>)
      %dma_wait3A = arith.constant 0 : i32
      %dma_wait3A_34 = tpu.memref_slice %arg6[%scan3A_27, %dma_wait3A] : memref<160x128xi32, #tpu.memory_space<vmem>> -> memref<1x128xi32, #tpu.memory_space<vmem>>
      %dma_wait3A_35 = tpu.memref_squeeze %dma_wait3A_34 : memref<1x128xi32, #tpu.memory_space<vmem>> -> memref<128xi32, #tpu.memory_space<vmem>>
      %dma_wait3A_36 = arith.constant 0 : i32
      %dma_wait3A_37 = arith.constant 0 : i32
      %dma_wait3A_38 = tpu.memref_slice %arg2[%dma_wait3A_36, %dma_wait3A_37] : memref<10000x128xf32, #tpu.memory_space<hbm>> -> memref<10000x128xf32, #tpu.memory_space<hbm>>
      tpu.wait_indirect_dma semaphore(%arg11 : memref<!tpu.dma_semaphore, #tpu.memory_space<semaphore_mem>>) src(%dma_wait3A_38 : memref<10000x128xf32, #tpu.memory_space<hbm>>) dst(%arg8 : memref<128x128xf32, #tpu.memory_space<vmem>>)
      "tpu.region"() ({
        %run_scoped3A = tpu.sem_alloc : memref<!tpu.dma_semaphore, #tpu.memory_space<semaphore_mem>>
        %dma_start3A_40 = arith.constant 0 : i32
        %dma_start3A_41 = tpu.memref_slice %arg7[%scan3A_27, %dma_start3A_40] : memref<160x128xi32, #tpu.memory_space<vmem>> -> memref<1x128xi32, #tpu.memory_space<vmem>>
        %dma_start3A_42 = tpu.memref_squeeze %dma_start3A_41 : memref<1x128xi32, #tpu.memory_space<vmem>> -> memref<128xi32, #tpu.memory_space<vmem>>
        %dma_start3A_43 = arith.constant 0 : i32
        %dma_start3A_44 = arith.constant 0 : i32
        %dma_start3A_45 = tpu.memref_slice %arg10[%dma_start3A_43, %dma_start3A_44] : memref<5120x128xf32, #tpu.memory_space<vmem_shared>> -> memref<5120x128xf32, #tpu.memory_space<vmem_shared>>
        tpu.enqueue_indirect_dma source(%arg8 : memref<128x128xf32, #tpu.memory_space<vmem>>) target(%dma_start3A_45 : memref<5120x128xf32, #tpu.memory_space<vmem_shared>>) offsets(%dma_start3A_42 : memref<128xi32, #tpu.memory_space<vmem>>) semaphore(%run_scoped3A : memref<!tpu.dma_semaphore, #tpu.memory_space<semaphore_mem>>) {add = true}
        %dma_wait3A_46 = arith.constant 0 : i32
        %dma_wait3A_47 = tpu.memref_slice %arg7[%scan3A_27, %dma_wait3A_46] : memref<160x128xi32, #tpu.memory_space<vmem>> -> memref<1x128xi32, #tpu.memory_space<vmem>>
        %dma_wait3A_48 = tpu.memref_squeeze %dma_wait3A_47 : memref<1x128xi32, #tpu.memory_space<vmem>> -> memref<128xi32, #tpu.memory_space<vmem>>
        %dma_wait3A_49 = arith.constant 0 : i32
        %dma_wait3A_50 = arith.constant 0 : i32
        %dma_wait3A_51 = tpu.memref_slice %arg10[%dma_wait3A_49, %dma_wait3A_50] : memref<5120x128xf32, #tpu.memory_space<vmem_shared>> -> memref<5120x128xf32, #tpu.memory_space<vmem_shared>>
        tpu.wait_indirect_dma semaphore(%run_scoped3A : memref<!tpu.dma_semaphore, #tpu.memory_space<semaphore_mem>>) src(%arg8 : memref<128x128xf32, #tpu.memory_space<vmem>>) dst(%dma_wait3A_51 : memref<5120x128xf32, #tpu.memory_space<vmem_shared>>)
        tpu.yield
      }) : () -> ()
      %scan3A_39 = arith.constant 0 : i32
      scf.yield %scan3A_39 : i32
    }
    %scan3A_23 = arith.constant 160 : i32
    %barrier3A_24 = arith.constant 0 : index
    tpu.barrier barrier_id(%barrier3A_24)
    %mul3A_25 = arith.constant 320 : i32
    %mul3A_26 = arith.muli %arg1, %mul3A_25 : i32
    "tpu.region"() ({
      %run_scoped3A = tpu.sem_alloc : memref<!tpu.dma_semaphore, #tpu.memory_space<semaphore_mem>>
      %dma_start3A = arith.constant 0 : i32
      %dma_start3A_27 = tpu.memref_slice %arg5[%arg0, %mul3A_26, %dma_start3A] : memref<2x5120x128xf32, #tpu.memory_space<hbm>> -> memref<1x320x128xf32, #tpu.memory_space<hbm>>
      %dma_start3A_28 = tpu.memref_squeeze %dma_start3A_27 : memref<1x320x128xf32, #tpu.memory_space<hbm>> -> memref<320x128xf32, #tpu.memory_space<hbm>>
      %dma_start3A_29 = arith.constant 0 : i32
      %dma_start3A_30 = tpu.memref_slice %arg10[%mul3A_26, %dma_start3A_29] : memref<5120x128xf32, #tpu.memory_space<vmem_shared>> -> memref<320x128xf32, #tpu.memory_space<vmem_shared>>
      tpu.enqueue_dma source(%dma_start3A_30 : memref<320x128xf32, #tpu.memory_space<vmem_shared>>) target(%dma_start3A_28 : memref<320x128xf32, #tpu.memory_space<hbm>>) target_semaphore(%run_scoped3A : memref<!tpu.dma_semaphore, #tpu.memory_space<semaphore_mem>>)
      %dma_wait3A = arith.constant 0 : i32
      %dma_wait3A_31 = tpu.memref_slice %arg5[%arg0, %mul3A_26, %dma_wait3A] : memref<2x5120x128xf32, #tpu.memory_space<hbm>> -> memref<1x320x128xf32, #tpu.memory_space<hbm>>
      %dma_wait3A_32 = tpu.memref_squeeze %dma_wait3A_31 : memref<1x320x128xf32, #tpu.memory_space<hbm>> -> memref<320x128xf32, #tpu.memory_space<hbm>>
      %dma_wait3A_33 = arith.constant 0 : i32
      %dma_wait3A_34 = tpu.memref_slice %arg10[%mul3A_26, %dma_wait3A_33] : memref<5120x128xf32, #tpu.memory_space<vmem_shared>> -> memref<320x128xf32, #tpu.memory_space<vmem_shared>>
      tpu.wait_dma2 semaphore(%run_scoped3A : memref<!tpu.dma_semaphore, #tpu.memory_space<semaphore_mem>>) src(%dma_wait3A_34 : memref<320x128xf32, #tpu.memory_space<vmem_shared>>) dst(%dma_wait3A_32 : memref<320x128xf32, #tpu.memory_space<hbm>>)
      tpu.yield
    }) : () -> ()
    return
  }
}

#map = affine_map<(d0, d1) -> (0, 0, 0)>
#map1 = affine_map<(d0, d1) -> (0, 0, 0, 0)>
module attributes {stable_mosaic.version = 14 : i64} {
  func.func @_deg_dst2_kernel(%arg0: i32, %arg1: i32, %arg2: memref<16x160x128xi32, #tpu.memory_space<hbm>>, %arg3: memref<16x160x128xi32, #tpu.memory_space<hbm>>, %arg4: memref<2x5120x128xf32, #tpu.memory_space<hbm>>, %arg5: memref<2x16x160x128xi32, #tpu.memory_space<hbm>>, %arg6: memref<160x128xi32, #tpu.memory_space<vmem>>, %arg7: memref<160x128xi32, #tpu.memory_space<vmem>>, %arg8: memref<128x128xf32, #tpu.memory_space<vmem>>, %arg9: memref<128x128xf32, #tpu.memory_space<vmem>>, %arg10: memref<5120x128xf32, #tpu.memory_space<vmem_shared>>) attributes {dimension_semantics = [#tpu.dimension_semantics<core_parallel>, #tpu.dimension_semantics<subcore_parallel>], iteration_bounds = array<i64: 2, 16>, scalar_prefetch = 0 : i64, scratch_operands = 5 : i64, tpu.core_type = #tpu.core_type<sc_vector_subcore>, window_params = [{transform_indices = #map}, {transform_indices = #map}, {transform_indices = #map}, {transform_indices = #map1}]} {
    %mul3A = arith.constant 5000 : i32
    %mul3A_0 = arith.muli %arg0, %mul3A : i32
    %scan3A = arith.constant 0 : i32
    %scan3A_1 = arith.constant 0 : i32
    %scan3A_2 = arith.constant 128 : i32
    %scan3A_3 = arith.addi %scan3A_1, %scan3A_2 : i32
    %scan3A_4 = arith.constant 1 : i32
    %scan3A_5 = scf.for %scan3A_36 = %scan3A_1 to %scan3A_3 step %scan3A_4 iter_args(%scan3A_37 = %scan3A) -> (i32)  : i32 {
      %broadcast_in_dim3A = arith.constant 1.000000e+00 : f32
      %broadcast_in_dim3A_38 = vector.broadcast %broadcast_in_dim3A : f32 to vector<16xf32>
      %swap3A = arith.index_cast %scan3A_36 : i32 to index
      %swap3A_39 = arith.constant 0 : index
      %swap3A_40 = tpu.vector_load %arg8[%swap3A, %swap3A_39] {strides = array<i32>} : memref<128x128xf32, #tpu.memory_space<vmem>>, vector<1x16xf32>,
      %swap3A_41 = vector.shape_cast %swap3A_40 : vector<1x16xf32> to vector<16xf32>
      %swap3A_42 = vector.shape_cast %broadcast_in_dim3A_38 : vector<16xf32> to vector<1x16xf32>
      tpu.vector_store %arg8[%swap3A, %swap3A_39], %swap3A_42 {strides = array<i32>} : memref<128x128xf32, #tpu.memory_space<vmem>>, vector<1x16xf32>,
      %broadcast_in_dim3A_43 = arith.constant 0.000000e+00 : f32
      %broadcast_in_dim3A_44 = vector.broadcast %broadcast_in_dim3A_43 : f32 to vector<16xf32>
      %swap3A_45 = arith.index_cast %scan3A_36 : i32 to index
      %swap3A_46 = arith.constant 0 : index
      %swap3A_47 = tpu.vector_load %arg9[%swap3A_45, %swap3A_46] {strides = array<i32>} : memref<128x128xf32, #tpu.memory_space<vmem>>, vector<1x16xf32>,
      %swap3A_48 = vector.shape_cast %swap3A_47 : vector<1x16xf32> to vector<16xf32>
      %swap3A_49 = vector.shape_cast %broadcast_in_dim3A_44 : vector<16xf32> to vector<1x16xf32>
      tpu.vector_store %arg9[%swap3A_45, %swap3A_46], %swap3A_49 {strides = array<i32>} : memref<128x128xf32, #tpu.memory_space<vmem>>, vector<1x16xf32>,
      %broadcast_in_dim3A_50 = arith.constant 1.000000e+00 : f32
      %broadcast_in_dim3A_51 = vector.broadcast %broadcast_in_dim3A_50 : f32 to vector<16xf32>
      %swap3A_52 = arith.index_cast %scan3A_36 : i32 to index
      %swap3A_53 = arith.constant 16 : index
      %swap3A_54 = tpu.vector_load %arg8[%swap3A_52, %swap3A_53] {strides = array<i32>} : memref<128x128xf32, #tpu.memory_space<vmem>>, vector<1x16xf32>,
      %swap3A_55 = vector.shape_cast %swap3A_54 : vector<1x16xf32> to vector<16xf32>
      %swap3A_56 = vector.shape_cast %broadcast_in_dim3A_51 : vector<16xf32> to vector<1x16xf32>
      tpu.vector_store %arg8[%swap3A_52, %swap3A_53], %swap3A_56 {strides = array<i32>} : memref<128x128xf32, #tpu.memory_space<vmem>>, vector<1x16xf32>,
      %broadcast_in_dim3A_57 = arith.constant 0.000000e+00 : f32
      %broadcast_in_dim3A_58 = vector.broadcast %broadcast_in_dim3A_57 : f32 to vector<16xf32>
      %swap3A_59 = arith.index_cast %scan3A_36 : i32 to index
      %swap3A_60 = arith.constant 16 : index
      %swap3A_61 = tpu.vector_load %arg9[%swap3A_59, %swap3A_60] {strides = array<i32>} : memref<128x128xf32, #tpu.memory_space<vmem>>, vector<1x16xf32>,
      %swap3A_62 = vector.shape_cast %swap3A_61 : vector<1x16xf32> to vector<16xf32>
      %swap3A_63 = vector.shape_cast %broadcast_in_dim3A_58 : vector<16xf32> to vector<1x16xf32>
      tpu.vector_store %arg9[%swap3A_59, %swap3A_60], %swap3A_63 {strides = array<i32>} : memref<128x128xf32, #tpu.memory_space<vmem>>, vector<1x16xf32>,
      %broadcast_in_dim3A_64 = arith.constant 1.000000e+00 : f32
      %broadcast_in_dim3A_65 = vector.broadcast %broadcast_in_dim3A_64 : f32 to vector<16xf32>
      %swap3A_66 = arith.index_cast %scan3A_36 : i32 to index
      %swap3A_67 = arith.constant 32 : index
      %swap3A_68 = tpu.vector_load %arg8[%swap3A_66, %swap3A_67] {strides = array<i32>} : memref<128x128xf32, #tpu.memory_space<vmem>>, vector<1x16xf32>,
      %swap3A_69 = vector.shape_cast %swap3A_68 : vector<1x16xf32> to vector<16xf32>
      %swap3A_70 = vector.shape_cast %broadcast_in_dim3A_65 : vector<16xf32> to vector<1x16xf32>
      tpu.vector_store %arg8[%swap3A_66, %swap3A_67], %swap3A_70 {strides = array<i32>} : memref<128x128xf32, #tpu.memory_space<vmem>>, vector<1x16xf32>,
      %broadcast_in_dim3A_71 = arith.constant 0.000000e+00 : f32
      %broadcast_in_dim3A_72 = vector.broadcast %broadcast_in_dim3A_71 : f32 to vector<16xf32>
      %swap3A_73 = arith.index_cast %scan3A_36 : i32 to index
      %swap3A_74 = arith.constant 32 : index
      %swap3A_75 = tpu.vector_load %arg9[%swap3A_73, %swap3A_74] {strides = array<i32>} : memref<128x128xf32, #tpu.memory_space<vmem>>, vector<1x16xf32>,
      %swap3A_76 = vector.shape_cast %swap3A_75 : vector<1x16xf32> to vector<16xf32>
      %swap3A_77 = vector.shape_cast %broadcast_in_dim3A_72 : vector<16xf32> to vector<1x16xf32>
      tpu.vector_store %arg9[%swap3A_73, %swap3A_74], %swap3A_77 {strides = array<i32>} : memref<128x128xf32, #tpu.memory_space<vmem>>, vector<1x16xf32>,
      %broadcast_in_dim3A_78 = arith.constant 1.000000e+00 : f32
      %broadcast_in_dim3A_79 = vector.broadcast %broadcast_in_dim3A_78 : f32 to vector<16xf32>
      %swap3A_80 = arith.index_cast %scan3A_36 : i32 to index
      %swap3A_81 = arith.constant 48 : index
      %swap3A_82 = tpu.vector_load %arg8[%swap3A_80, %swap3A_81] {strides = array<i32>} : memref<128x128xf32, #tpu.memory_space<vmem>>, vector<1x16xf32>,
      %swap3A_83 = vector.shape_cast %swap3A_82 : vector<1x16xf32> to vector<16xf32>
      %swap3A_84 = vector.shape_cast %broadcast_in_dim3A_79 : vector<16xf32> to vector<1x16xf32>
      tpu.vector_store %arg8[%swap3A_80, %swap3A_81], %swap3A_84 {strides = array<i32>} : memref<128x128xf32, #tpu.memory_space<vmem>>, vector<1x16xf32>,
      %broadcast_in_dim3A_85 = arith.constant 0.000000e+00 : f32
      %broadcast_in_dim3A_86 = vector.broadcast %broadcast_in_dim3A_85 : f32 to vector<16xf32>
      %swap3A_87 = arith.index_cast %scan3A_36 : i32 to index
      %swap3A_88 = arith.constant 48 : index
      %swap3A_89 = tpu.vector_load %arg9[%swap3A_87, %swap3A_88] {strides = array<i32>} : memref<128x128xf32, #tpu.memory_space<vmem>>, vector<1x16xf32>,
      %swap3A_90 = vector.shape_cast %swap3A_89 : vector<1x16xf32> to vector<16xf32>
      %swap3A_91 = vector.shape_cast %broadcast_in_dim3A_86 : vector<16xf32> to vector<1x16xf32>
      tpu.vector_store %arg9[%swap3A_87, %swap3A_88], %swap3A_91 {strides = array<i32>} : memref<128x128xf32, #tpu.memory_space<vmem>>, vector<1x16xf32>,
      %broadcast_in_dim3A_92 = arith.constant 1.000000e+00 : f32
      %broadcast_in_dim3A_93 = vector.broadcast %broadcast_in_dim3A_92 : f32 to vector<16xf32>
      %swap3A_94 = arith.index_cast %scan3A_36 : i32 to index
      %swap3A_95 = arith.constant 64 : index
      %swap3A_96 = tpu.vector_load %arg8[%swap3A_94, %swap3A_95] {strides = array<i32>} : memref<128x128xf32, #tpu.memory_space<vmem>>, vector<1x16xf32>,
      %swap3A_97 = vector.shape_cast %swap3A_96 : vector<1x16xf32> to vector<16xf32>
      %swap3A_98 = vector.shape_cast %broadcast_in_dim3A_93 : vector<16xf32> to vector<1x16xf32>
      tpu.vector_store %arg8[%swap3A_94, %swap3A_95], %swap3A_98 {strides = array<i32>} : memref<128x128xf32, #tpu.memory_space<vmem>>, vector<1x16xf32>,
      %broadcast_in_dim3A_99 = arith.constant 0.000000e+00 : f32
      %broadcast_in_dim3A_100 = vector.broadcast %broadcast_in_dim3A_99 : f32 to vector<16xf32>
      %swap3A_101 = arith.index_cast %scan3A_36 : i32 to index
      %swap3A_102 = arith.constant 64 : index
      %swap3A_103 = tpu.vector_load %arg9[%swap3A_101, %swap3A_102] {strides = array<i32>} : memref<128x128xf32, #tpu.memory_space<vmem>>, vector<1x16xf32>,
      %swap3A_104 = vector.shape_cast %swap3A_103 : vector<1x16xf32> to vector<16xf32>
      %swap3A_105 = vector.shape_cast %broadcast_in_dim3A_100 : vector<16xf32> to vector<1x16xf32>
      tpu.vector_store %arg9[%swap3A_101, %swap3A_102], %swap3A_105 {strides = array<i32>} : memref<128x128xf32, #tpu.memory_space<vmem>>, vector<1x16xf32>,
      %broadcast_in_dim3A_106 = arith.constant 1.000000e+00 : f32
      %broadcast_in_dim3A_107 = vector.broadcast %broadcast_in_dim3A_106 : f32 to vector<16xf32>
      %swap3A_108 = arith.index_cast %scan3A_36 : i32 to index
      %swap3A_109 = arith.constant 80 : index
      %swap3A_110 = tpu.vector_load %arg8[%swap3A_108, %swap3A_109] {strides = array<i32>} : memref<128x128xf32, #tpu.memory_space<vmem>>, vector<1x16xf32>,
      %swap3A_111 = vector.shape_cast %swap3A_110 : vector<1x16xf32> to vector<16xf32>
      %swap3A_112 = vector.shape_cast %broadcast_in_dim3A_107 : vector<16xf32> to vector<1x16xf32>
      tpu.vector_store %arg8[%swap3A_108, %swap3A_109], %swap3A_112 {strides = array<i32>} : memref<128x128xf32, #tpu.memory_space<vmem>>, vector<1x16xf32>,
      %broadcast_in_dim3A_113 = arith.constant 0.000000e+00 : f32
      %broadcast_in_dim3A_114 = vector.broadcast %broadcast_in_dim3A_113 : f32 to vector<16xf32>
      %swap3A_115 = arith.index_cast %scan3A_36 : i32 to index
      %swap3A_116 = arith.constant 80 : index
      %swap3A_117 = tpu.vector_load %arg9[%swap3A_115, %swap3A_116] {strides = array<i32>} : memref<128x128xf32, #tpu.memory_space<vmem>>, vector<1x16xf32>,
      %swap3A_118 = vector.shape_cast %swap3A_117 : vector<1x16xf32> to vector<16xf32>
      %swap3A_119 = vector.shape_cast %broadcast_in_dim3A_114 : vector<16xf32> to vector<1x16xf32>
      tpu.vector_store %arg9[%swap3A_115, %swap3A_116], %swap3A_119 {strides = array<i32>} : memref<128x128xf32, #tpu.memory_space<vmem>>, vector<1x16xf32>,
      %broadcast_in_dim3A_120 = arith.constant 1.000000e+00 : f32
      %broadcast_in_dim3A_121 = vector.broadcast %broadcast_in_dim3A_120 : f32 to vector<16xf32>
      %swap3A_122 = arith.index_cast %scan3A_36 : i32 to index
      %swap3A_123 = arith.constant 96 : index
      %swap3A_124 = tpu.vector_load %arg8[%swap3A_122, %swap3A_123] {strides = array<i32>} : memref<128x128xf32, #tpu.memory_space<vmem>>, vector<1x16xf32>,
      %swap3A_125 = vector.shape_cast %swap3A_124 : vector<1x16xf32> to vector<16xf32>
      %swap3A_126 = vector.shape_cast %broadcast_in_dim3A_121 : vector<16xf32> to vector<1x16xf32>
      tpu.vector_store %arg8[%swap3A_122, %swap3A_123], %swap3A_126 {strides = array<i32>} : memref<128x128xf32, #tpu.memory_space<vmem>>, vector<1x16xf32>,
      %broadcast_in_dim3A_127 = arith.constant 0.000000e+00 : f32
      %broadcast_in_dim3A_128 = vector.broadcast %broadcast_in_dim3A_127 : f32 to vector<16xf32>
      %swap3A_129 = arith.index_cast %scan3A_36 : i32 to index
      %swap3A_130 = arith.constant 96 : index
      %swap3A_131 = tpu.vector_load %arg9[%swap3A_129, %swap3A_130] {strides = array<i32>} : memref<128x128xf32, #tpu.memory_space<vmem>>, vector<1x16xf32>,
      %swap3A_132 = vector.shape_cast %swap3A_131 : vector<1x16xf32> to vector<16xf32>
      %swap3A_133 = vector.shape_cast %broadcast_in_dim3A_128 : vector<16xf32> to vector<1x16xf32>
      tpu.vector_store %arg9[%swap3A_129, %swap3A_130], %swap3A_133 {strides = array<i32>} : memref<128x128xf32, #tpu.memory_space<vmem>>, vector<1x16xf32>,
      %broadcast_in_dim3A_134 = arith.constant 1.000000e+00 : f32
      %broadcast_in_dim3A_135 = vector.broadcast %broadcast_in_dim3A_134 : f32 to vector<16xf32>
      %swap3A_136 = arith.index_cast %scan3A_36 : i32 to index
      %swap3A_137 = arith.constant 112 : index
      %swap3A_138 = tpu.vector_load %arg8[%swap3A_136, %swap3A_137] {strides = array<i32>} : memref<128x128xf32, #tpu.memory_space<vmem>>, vector<1x16xf32>,
      %swap3A_139 = vector.shape_cast %swap3A_138 : vector<1x16xf32> to vector<16xf32>
      %swap3A_140 = vector.shape_cast %broadcast_in_dim3A_135 : vector<16xf32> to vector<1x16xf32>
      tpu.vector_store %arg8[%swap3A_136, %swap3A_137], %swap3A_140 {strides = array<i32>} : memref<128x128xf32, #tpu.memory_space<vmem>>, vector<1x16xf32>,
      %broadcast_in_dim3A_141 = arith.constant 0.000000e+00 : f32
      %broadcast_in_dim3A_142 = vector.broadcast %broadcast_in_dim3A_141 : f32 to vector<16xf32>
      %swap3A_143 = arith.index_cast %scan3A_36 : i32 to index
      %swap3A_144 = arith.constant 112 : index
      %swap3A_145 = tpu.vector_load %arg9[%swap3A_143, %swap3A_144] {strides = array<i32>} : memref<128x128xf32, #tpu.memory_space<vmem>>, vector<1x16xf32>,
      %swap3A_146 = vector.shape_cast %swap3A_145 : vector<1x16xf32> to vector<16xf32>
      %swap3A_147 = vector.shape_cast %broadcast_in_dim3A_142 : vector<16xf32> to vector<1x16xf32>
      tpu.vector_store %arg9[%swap3A_143, %swap3A_144], %swap3A_147 {strides = array<i32>} : memref<128x128xf32, #tpu.memory_space<vmem>>, vector<1x16xf32>,
      %scan3A_148 = arith.constant 0 : i32
      scf.yield %scan3A_148 : i32
    }
    %scan3A_6 = arith.constant 128 : i32
    %mul3A_7 = arith.constant 320 : i32
    %mul3A_8 = arith.muli %arg1, %mul3A_7 : i32
    %add3A = arith.constant 0 : i32
    %add3A_9 = arith.addi %mul3A_8, %add3A : i32
    "tpu.region"() ({
      %run_scoped3A = tpu.sem_alloc : memref<!tpu.dma_semaphore, #tpu.memory_space<semaphore_mem>>
      %dma_start3A = arith.constant 0 : i32
      %dma_start3A_36 = tpu.memref_slice %arg10[%add3A_9, %dma_start3A] : memref<5120x128xf32, #tpu.memory_space<vmem_shared>> -> memref<128x128xf32, #tpu.memory_space<vmem_shared>>
      %dma_start3A_37 = arith.constant 0 : i32
      %dma_start3A_38 = tpu.memref_slice %arg10[%add3A_9, %dma_start3A_37] : memref<5120x128xf32, #tpu.memory_space<vmem_shared>> -> memref<128x128xf32, #tpu.memory_space<vmem_shared>>
      tpu.enqueue_dma source(%arg9 : memref<128x128xf32, #tpu.memory_space<vmem>>) target(%dma_start3A_38 : memref<128x128xf32, #tpu.memory_space<vmem_shared>>) target_semaphore(%run_scoped3A : memref<!tpu.dma_semaphore, #tpu.memory_space<semaphore_mem>>)
      %dma_wait3A = arith.constant 0 : i32
      %dma_wait3A_39 = tpu.memref_slice %arg10[%add3A_9, %dma_wait3A] : memref<5120x128xf32, #tpu.memory_space<vmem_shared>> -> memref<128x128xf32, #tpu.memory_space<vmem_shared>>
      %dma_wait3A_40 = arith.constant 0 : i32
      %dma_wait3A_41 = tpu.memref_slice %arg10[%add3A_9, %dma_wait3A_40] : memref<5120x128xf32, #tpu.memory_space<vmem_shared>> -> memref<128x128xf32, #tpu.memory_space<vmem_shared>>
      tpu.wait_dma2 semaphore(%run_scoped3A : memref<!tpu.dma_semaphore, #tpu.memory_space<semaphore_mem>>) src(%arg9 : memref<128x128xf32, #tpu.memory_space<vmem>>) dst(%dma_wait3A_41 : memref<128x128xf32, #tpu.memory_space<vmem_shared>>)
      tpu.yield
    }) : () -> ()
    %mul3A_10 = arith.constant 320 : i32
    %mul3A_11 = arith.muli %arg1, %mul3A_10 : i32
    %add3A_12 = arith.constant 128 : i32
    %add3A_13 = arith.addi %mul3A_11, %add3A_12 : i32
    "tpu.region"() ({
      %run_scoped3A = tpu.sem_alloc : memref<!tpu.dma_semaphore, #tpu.memory_space<semaphore_mem>>
      %dma_start3A = arith.constant 0 : i32
      %dma_start3A_36 = tpu.memref_slice %arg10[%add3A_13, %dma_start3A] : memref<5120x128xf32, #tpu.memory_space<vmem_shared>> -> memref<128x128xf32, #tpu.memory_space<vmem_shared>>
      %dma_start3A_37 = arith.constant 0 : i32
      %dma_start3A_38 = tpu.memref_slice %arg10[%add3A_13, %dma_start3A_37] : memref<5120x128xf32, #tpu.memory_space<vmem_shared>> -> memref<128x128xf32, #tpu.memory_space<vmem_shared>>
      tpu.enqueue_dma source(%arg9 : memref<128x128xf32, #tpu.memory_space<vmem>>) target(%dma_start3A_38 : memref<128x128xf32, #tpu.memory_space<vmem_shared>>) target_semaphore(%run_scoped3A : memref<!tpu.dma_semaphore, #tpu.memory_space<semaphore_mem>>)
      %dma_wait3A = arith.constant 0 : i32
      %dma_wait3A_39 = tpu.memref_slice %arg10[%add3A_13, %dma_wait3A] : memref<5120x128xf32, #tpu.memory_space<vmem_shared>> -> memref<128x128xf32, #tpu.memory_space<vmem_shared>>
      %dma_wait3A_40 = arith.constant 0 : i32
      %dma_wait3A_41 = tpu.memref_slice %arg10[%add3A_13, %dma_wait3A_40] : memref<5120x128xf32, #tpu.memory_space<vmem_shared>> -> memref<128x128xf32, #tpu.memory_space<vmem_shared>>
      tpu.wait_dma2 semaphore(%run_scoped3A : memref<!tpu.dma_semaphore, #tpu.memory_space<semaphore_mem>>) src(%arg9 : memref<128x128xf32, #tpu.memory_space<vmem>>) dst(%dma_wait3A_41 : memref<128x128xf32, #tpu.memory_space<vmem_shared>>)
      tpu.yield
    }) : () -> ()
    %mul3A_14 = arith.constant 320 : i32
    %mul3A_15 = arith.muli %arg1, %mul3A_14 : i32
    %add3A_16 = arith.constant 320 : i32
    %add3A_17 = arith.addi %mul3A_15, %add3A_16 : i32
    %sub3A = arith.constant 64 : i32
    %sub3A_18 = arith.subi %add3A_17, %sub3A : i32
    "tpu.region"() ({
      %run_scoped3A = tpu.sem_alloc : memref<!tpu.dma_semaphore, #tpu.memory_space<semaphore_mem>>
      %dma_start3A = arith.constant 0 : i32
      %dma_start3A_36 = arith.constant 0 : i32
      %dma_start3A_37 = tpu.memref_slice %arg9[%dma_start3A, %dma_start3A_36] : memref<128x128xf32, #tpu.memory_space<vmem>> -> memref<64x128xf32, #tpu.memory_space<vmem>>
      %dma_start3A_38 = arith.constant 0 : i32
      %dma_start3A_39 = tpu.memref_slice %arg10[%sub3A_18, %dma_start3A_38] : memref<5120x128xf32, #tpu.memory_space<vmem_shared>> -> memref<64x128xf32, #tpu.memory_space<vmem_shared>>
      %dma_start3A_40 = arith.constant 0 : i32
      %dma_start3A_41 = tpu.memref_slice %arg10[%sub3A_18, %dma_start3A_40] : memref<5120x128xf32, #tpu.memory_space<vmem_shared>> -> memref<64x128xf32, #tpu.memory_space<vmem_shared>>
      %dma_start3A_42 = arith.constant 0 : i32
      %dma_start3A_43 = arith.constant 0 : i32
      %dma_start3A_44 = tpu.memref_slice %arg9[%dma_start3A_42, %dma_start3A_43] : memref<128x128xf32, #tpu.memory_space<vmem>> -> memref<64x128xf32, #tpu.memory_space<vmem>>
      tpu.enqueue_dma source(%dma_start3A_44 : memref<64x128xf32, #tpu.memory_space<vmem>>) target(%dma_start3A_41 : memref<64x128xf32, #tpu.memory_space<vmem_shared>>) target_semaphore(%run_scoped3A : memref<!tpu.dma_semaphore, #tpu.memory_space<semaphore_mem>>)
      %dma_wait3A = arith.constant 0 : i32
      %dma_wait3A_45 = arith.constant 0 : i32
      %dma_wait3A_46 = tpu.memref_slice %arg9[%dma_wait3A, %dma_wait3A_45] : memref<128x128xf32, #tpu.memory_space<vmem>> -> memref<64x128xf32, #tpu.memory_space<vmem>>
      %dma_wait3A_47 = arith.constant 0 : i32
      %dma_wait3A_48 = tpu.memref_slice %arg10[%sub3A_18, %dma_wait3A_47] : memref<5120x128xf32, #tpu.memory_space<vmem_shared>> -> memref<64x128xf32, #tpu.memory_space<vmem_shared>>
      %dma_wait3A_49 = arith.constant 0 : i32
      %dma_wait3A_50 = tpu.memref_slice %arg10[%sub3A_18, %dma_wait3A_49] : memref<5120x128xf32, #tpu.memory_space<vmem_shared>> -> memref<64x128xf32, #tpu.memory_space<vmem_shared>>
      %dma_wait3A_51 = arith.constant 0 : i32
      %dma_wait3A_52 = arith.constant 0 : i32
      %dma_wait3A_53 = tpu.memref_slice %arg9[%dma_wait3A_51, %dma_wait3A_52] : memref<128x128xf32, #tpu.memory_space<vmem>> -> memref<64x128xf32, #tpu.memory_space<vmem>>
      tpu.wait_dma2 semaphore(%run_scoped3A : memref<!tpu.dma_semaphore, #tpu.memory_space<semaphore_mem>>) src(%dma_wait3A_53 : memref<64x128xf32, #tpu.memory_space<vmem>>) dst(%dma_wait3A_50 : memref<64x128xf32, #tpu.memory_space<vmem_shared>>)
      tpu.yield
    }) : () -> ()
    "tpu.region"() ({
      %run_scoped3A = tpu.sem_alloc : memref<!tpu.dma_semaphore, #tpu.memory_space<semaphore_mem>>
      %dma_start3A = arith.constant 0 : i32
      %dma_start3A_36 = arith.constant 0 : i32
      %dma_start3A_37 = tpu.memref_slice %arg2[%arg1, %dma_start3A, %dma_start3A_36] : memref<16x160x128xi32, #tpu.memory_space<hbm>> -> memref<1x160x128xi32, #tpu.memory_space<hbm>>
      %dma_start3A_38 = tpu.memref_squeeze %dma_start3A_37 : memref<1x160x128xi32, #tpu.memory_space<hbm>> -> memref<160x128xi32, #tpu.memory_space<hbm>>
      %dma_start3A_39 = arith.constant 0 : i32
      %dma_start3A_40 = arith.constant 0 : i32
      %dma_start3A_41 = tpu.memref_slice %arg2[%arg1, %dma_start3A_39, %dma_start3A_40] : memref<16x160x128xi32, #tpu.memory_space<hbm>> -> memref<1x160x128xi32, #tpu.memory_space<hbm>>
      %dma_start3A_42 = tpu.memref_squeeze %dma_start3A_41 : memref<1x160x128xi32, #tpu.memory_space<hbm>> -> memref<160x128xi32, #tpu.memory_space<hbm>>
      tpu.enqueue_dma source(%dma_start3A_42 : memref<160x128xi32, #tpu.memory_space<hbm>>) target(%arg6 : memref<160x128xi32, #tpu.memory_space<vmem>>) target_semaphore(%run_scoped3A : memref<!tpu.dma_semaphore, #tpu.memory_space<semaphore_mem>>)
      %dma_wait3A = arith.constant 0 : i32
      %dma_wait3A_43 = arith.constant 0 : i32
      %dma_wait3A_44 = tpu.memref_slice %arg2[%arg1, %dma_wait3A, %dma_wait3A_43] : memref<16x160x128xi32, #tpu.memory_space<hbm>> -> memref<1x160x128xi32, #tpu.memory_space<hbm>>
      %dma_wait3A_45 = tpu.memref_squeeze %dma_wait3A_44 : memref<1x160x128xi32, #tpu.memory_space<hbm>> -> memref<160x128xi32, #tpu.memory_space<hbm>>
      %dma_wait3A_46 = arith.constant 0 : i32
      %dma_wait3A_47 = arith.constant 0 : i32
      %dma_wait3A_48 = tpu.memref_slice %arg2[%arg1, %dma_wait3A_46, %dma_wait3A_47] : memref<16x160x128xi32, #tpu.memory_space<hbm>> -> memref<1x160x128xi32, #tpu.memory_space<hbm>>
      %dma_wait3A_49 = tpu.memref_squeeze %dma_wait3A_48 : memref<1x160x128xi32, #tpu.memory_space<hbm>> -> memref<160x128xi32, #tpu.memory_space<hbm>>
      tpu.wait_dma2 semaphore(%run_scoped3A : memref<!tpu.dma_semaphore, #tpu.memory_space<semaphore_mem>>) src(%dma_wait3A_49 : memref<160x128xi32, #tpu.memory_space<hbm>>) dst(%arg6 : memref<160x128xi32, #tpu.memory_space<vmem>>)
      tpu.yield
    }) : () -> ()
    "tpu.region"() ({
      %run_scoped3A = tpu.sem_alloc : memref<!tpu.dma_semaphore, #tpu.memory_space<semaphore_mem>>
      %dma_start3A = arith.constant 0 : i32
      %dma_start3A_36 = arith.constant 0 : i32
      %dma_start3A_37 = tpu.memref_slice %arg3[%arg1, %dma_start3A, %dma_start3A_36] : memref<16x160x128xi32, #tpu.memory_space<hbm>> -> memref<1x160x128xi32, #tpu.memory_space<hbm>>
      %dma_start3A_38 = tpu.memref_squeeze %dma_start3A_37 : memref<1x160x128xi32, #tpu.memory_space<hbm>> -> memref<160x128xi32, #tpu.memory_space<hbm>>
      %dma_start3A_39 = arith.constant 0 : i32
      %dma_start3A_40 = arith.constant 0 : i32
      %dma_start3A_41 = tpu.memref_slice %arg3[%arg1, %dma_start3A_39, %dma_start3A_40] : memref<16x160x128xi32, #tpu.memory_space<hbm>> -> memref<1x160x128xi32, #tpu.memory_space<hbm>>
      %dma_start3A_42 = tpu.memref_squeeze %dma_start3A_41 : memref<1x160x128xi32, #tpu.memory_space<hbm>> -> memref<160x128xi32, #tpu.memory_space<hbm>>
      tpu.enqueue_dma source(%dma_start3A_42 : memref<160x128xi32, #tpu.memory_space<hbm>>) target(%arg7 : memref<160x128xi32, #tpu.memory_space<vmem>>) target_semaphore(%run_scoped3A : memref<!tpu.dma_semaphore, #tpu.memory_space<semaphore_mem>>)
      %dma_wait3A = arith.constant 0 : i32
      %dma_wait3A_43 = arith.constant 0 : i32
      %dma_wait3A_44 = tpu.memref_slice %arg3[%arg1, %dma_wait3A, %dma_wait3A_43] : memref<16x160x128xi32, #tpu.memory_space<hbm>> -> memref<1x160x128xi32, #tpu.memory_space<hbm>>
      %dma_wait3A_45 = tpu.memref_squeeze %dma_wait3A_44 : memref<1x160x128xi32, #tpu.memory_space<hbm>> -> memref<160x128xi32, #tpu.memory_space<hbm>>
      %dma_wait3A_46 = arith.constant 0 : i32
      %dma_wait3A_47 = arith.constant 0 : i32
      %dma_wait3A_48 = tpu.memref_slice %arg3[%arg1, %dma_wait3A_46, %dma_wait3A_47] : memref<16x160x128xi32, #tpu.memory_space<hbm>> -> memref<1x160x128xi32, #tpu.memory_space<hbm>>
      %dma_wait3A_49 = tpu.memref_squeeze %dma_wait3A_48 : memref<1x160x128xi32, #tpu.memory_space<hbm>> -> memref<160x128xi32, #tpu.memory_space<hbm>>
      tpu.wait_dma2 semaphore(%run_scoped3A : memref<!tpu.dma_semaphore, #tpu.memory_space<semaphore_mem>>) src(%dma_wait3A_49 : memref<160x128xi32, #tpu.memory_space<hbm>>) dst(%arg7 : memref<160x128xi32, #tpu.memory_space<vmem>>)
      tpu.yield
    }) : () -> ()
    %scan3A_19 = arith.constant 0 : i32
    %scan3A_20 = arith.constant 0 : i32
    %scan3A_21 = arith.constant 160 : i32
    %scan3A_22 = arith.addi %scan3A_20, %scan3A_21 : i32
    %scan3A_23 = arith.constant 1 : i32
    %scan3A_24 = scf.for %scan3A_36 = %scan3A_20 to %scan3A_22 step %scan3A_23 iter_args(%scan3A_37 = %scan3A_19) -> (i32)  : i32 {
      %get3A = arith.index_cast %scan3A_36 : i32 to index
      %get3A_38 = arith.constant 0 : index
      %get3A_39 = tpu.vector_load %arg6[%get3A, %get3A_38] {strides = array<i32>} : memref<160x128xi32, #tpu.memory_space<vmem>>, vector<1x16xi32>,
      %get3A_40 = vector.shape_cast %get3A_39 : vector<1x16xi32> to vector<16xi32>
      %get3A_41 = arith.index_cast %scan3A_36 : i32 to index
      %get3A_42 = arith.constant 0 : index
      %get3A_43 = tpu.vector_load %arg7[%get3A_41, %get3A_42] {strides = array<i32>} : memref<160x128xi32, #tpu.memory_space<vmem>>, vector<1x16xi32>,
      %get3A_44 = vector.shape_cast %get3A_43 : vector<1x16xi32> to vector<16xi32>
      %sub3A_45 = vector.broadcast %mul3A_0 : i32 to vector<16xi32>
      %sub3A_46 = arith.subi %get3A_44, %sub3A_45 : vector<16xi32>
      %ge3A = arith.constant 0 : i32
      %ge3A_47 = vector.broadcast %ge3A : i32 to vector<16xi32>
      %ge3A_48 = arith.cmpi sge, %sub3A_46, %ge3A_47 : vector<16xi32>
      %lt3A = arith.constant 5000 : i32
      %lt3A_49 = vector.broadcast %lt3A : i32 to vector<16xi32>
      %lt3A_50 = arith.cmpi slt, %sub3A_46, %lt3A_49 : vector<16xi32>
      %and3A = arith.andi %ge3A_48, %lt3A_50 : vector<16xi1>
      %ne3A = arith.cmpi ne, %get3A_40, %get3A_44 : vector<16xi32>
      %and3A_51 = arith.andi %and3A, %ne3A : vector<16xi1>
      %jit3A = arith.constant 5056 : i32
      %broadcast_in_dim3A = vector.broadcast %jit3A : i32 to vector<16xi32>
      %select_n3A = arith.select %and3A_51, %sub3A_46, %broadcast_in_dim3A : vector<16xi1>, vector<16xi32>
      %swap3A = arith.index_cast %scan3A_36 : i32 to index
      %swap3A_52 = arith.constant 0 : index
      %swap3A_53 = tpu.vector_load %arg7[%swap3A, %swap3A_52] {strides = array<i32>} : memref<160x128xi32, #tpu.memory_space<vmem>>, vector<1x16xi32>,
      %swap3A_54 = vector.shape_cast %swap3A_53 : vector<1x16xi32> to vector<16xi32>
      %swap3A_55 = vector.shape_cast %select_n3A : vector<16xi32> to vector<1x16xi32>
      tpu.vector_store %arg7[%swap3A, %swap3A_52], %swap3A_55 {strides = array<i32>} : memref<160x128xi32, #tpu.memory_space<vmem>>, vector<1x16xi32>,
      %get3A_56 = arith.index_cast %scan3A_36 : i32 to index
      %get3A_57 = arith.constant 16 : index
      %get3A_58 = tpu.vector_load %arg6[%get3A_56, %get3A_57] {strides = array<i32>} : memref<160x128xi32, #tpu.memory_space<vmem>>, vector<1x16xi32>,
      %get3A_59 = vector.shape_cast %get3A_58 : vector<1x16xi32> to vector<16xi32>
      %get3A_60 = arith.index_cast %scan3A_36 : i32 to index
      %get3A_61 = arith.constant 16 : index
      %get3A_62 = tpu.vector_load %arg7[%get3A_60, %get3A_61] {strides = array<i32>} : memref<160x128xi32, #tpu.memory_space<vmem>>, vector<1x16xi32>,
      %get3A_63 = vector.shape_cast %get3A_62 : vector<1x16xi32> to vector<16xi32>
      %sub3A_64 = vector.broadcast %mul3A_0 : i32 to vector<16xi32>
      %sub3A_65 = arith.subi %get3A_63, %sub3A_64 : vector<16xi32>
      %ge3A_66 = arith.constant 0 : i32
      %ge3A_67 = vector.broadcast %ge3A_66 : i32 to vector<16xi32>
      %ge3A_68 = arith.cmpi sge, %sub3A_65, %ge3A_67 : vector<16xi32>
      %lt3A_69 = arith.constant 5000 : i32
      %lt3A_70 = vector.broadcast %lt3A_69 : i32 to vector<16xi32>
      %lt3A_71 = arith.cmpi slt, %sub3A_65, %lt3A_70 : vector<16xi32>
      %and3A_72 = arith.andi %ge3A_68, %lt3A_71 : vector<16xi1>
      %ne3A_73 = arith.cmpi ne, %get3A_59, %get3A_63 : vector<16xi32>
      %and3A_74 = arith.andi %and3A_72, %ne3A_73 : vector<16xi1>
      %jit3A_75 = arith.constant 5056 : i32
      %broadcast_in_dim3A_76 = vector.broadcast %jit3A_75 : i32 to vector<16xi32>
      %select_n3A_77 = arith.select %and3A_74, %sub3A_65, %broadcast_in_dim3A_76 : vector<16xi1>, vector<16xi32>
      %swap3A_78 = arith.index_cast %scan3A_36 : i32 to index
      %swap3A_79 = arith.constant 16 : index
      %swap3A_80 = tpu.vector_load %arg7[%swap3A_78, %swap3A_79] {strides = array<i32>} : memref<160x128xi32, #tpu.memory_space<vmem>>, vector<1x16xi32>,
      %swap3A_81 = vector.shape_cast %swap3A_80 : vector<1x16xi32> to vector<16xi32>
      %swap3A_82 = vector.shape_cast %select_n3A_77 : vector<16xi32> to vector<1x16xi32>
      tpu.vector_store %arg7[%swap3A_78, %swap3A_79], %swap3A_82 {strides = array<i32>} : memref<160x128xi32, #tpu.memory_space<vmem>>, vector<1x16xi32>,
      %get3A_83 = arith.index_cast %scan3A_36 : i32 to index
      %get3A_84 = arith.constant 32 : index
      %get3A_85 = tpu.vector_load %arg6[%get3A_83, %get3A_84] {strides = array<i32>} : memref<160x128xi32, #tpu.memory_space<vmem>>, vector<1x16xi32>,
      %get3A_86 = vector.shape_cast %get3A_85 : vector<1x16xi32> to vector<16xi32>
      %get3A_87 = arith.index_cast %scan3A_36 : i32 to index
      %get3A_88 = arith.constant 32 : index
      %get3A_89 = tpu.vector_load %arg7[%get3A_87, %get3A_88] {strides = array<i32>} : memref<160x128xi32, #tpu.memory_space<vmem>>, vector<1x16xi32>,
      %get3A_90 = vector.shape_cast %get3A_89 : vector<1x16xi32> to vector<16xi32>
      %sub3A_91 = vector.broadcast %mul3A_0 : i32 to vector<16xi32>
      %sub3A_92 = arith.subi %get3A_90, %sub3A_91 : vector<16xi32>
      %ge3A_93 = arith.constant 0 : i32
      %ge3A_94 = vector.broadcast %ge3A_93 : i32 to vector<16xi32>
      %ge3A_95 = arith.cmpi sge, %sub3A_92, %ge3A_94 : vector<16xi32>
      %lt3A_96 = arith.constant 5000 : i32
      %lt3A_97 = vector.broadcast %lt3A_96 : i32 to vector<16xi32>
      %lt3A_98 = arith.cmpi slt, %sub3A_92, %lt3A_97 : vector<16xi32>
      %and3A_99 = arith.andi %ge3A_95, %lt3A_98 : vector<16xi1>
      %ne3A_100 = arith.cmpi ne, %get3A_86, %get3A_90 : vector<16xi32>
      %and3A_101 = arith.andi %and3A_99, %ne3A_100 : vector<16xi1>
      %jit3A_102 = arith.constant 5056 : i32
      %broadcast_in_dim3A_103 = vector.broadcast %jit3A_102 : i32 to vector<16xi32>
      %select_n3A_104 = arith.select %and3A_101, %sub3A_92, %broadcast_in_dim3A_103 : vector<16xi1>, vector<16xi32>
      %swap3A_105 = arith.index_cast %scan3A_36 : i32 to index
      %swap3A_106 = arith.constant 32 : index
      %swap3A_107 = tpu.vector_load %arg7[%swap3A_105, %swap3A_106] {strides = array<i32>} : memref<160x128xi32, #tpu.memory_space<vmem>>, vector<1x16xi32>,
      %swap3A_108 = vector.shape_cast %swap3A_107 : vector<1x16xi32> to vector<16xi32>
      %swap3A_109 = vector.shape_cast %select_n3A_104 : vector<16xi32> to vector<1x16xi32>
      tpu.vector_store %arg7[%swap3A_105, %swap3A_106], %swap3A_109 {strides = array<i32>} : memref<160x128xi32, #tpu.memory_space<vmem>>, vector<1x16xi32>,
      %get3A_110 = arith.index_cast %scan3A_36 : i32 to index
      %get3A_111 = arith.constant 48 : index
      %get3A_112 = tpu.vector_load %arg6[%get3A_110, %get3A_111] {strides = array<i32>} : memref<160x128xi32, #tpu.memory_space<vmem>>, vector<1x16xi32>,
      %get3A_113 = vector.shape_cast %get3A_112 : vector<1x16xi32> to vector<16xi32>
      %get3A_114 = arith.index_cast %scan3A_36 : i32 to index
      %get3A_115 = arith.constant 48 : index
      %get3A_116 = tpu.vector_load %arg7[%get3A_114, %get3A_115] {strides = array<i32>} : memref<160x128xi32, #tpu.memory_space<vmem>>, vector<1x16xi32>,
      %get3A_117 = vector.shape_cast %get3A_116 : vector<1x16xi32> to vector<16xi32>
      %sub3A_118 = vector.broadcast %mul3A_0 : i32 to vector<16xi32>
      %sub3A_119 = arith.subi %get3A_117, %sub3A_118 : vector<16xi32>
      %ge3A_120 = arith.constant 0 : i32
      %ge3A_121 = vector.broadcast %ge3A_120 : i32 to vector<16xi32>
      %ge3A_122 = arith.cmpi sge, %sub3A_119, %ge3A_121 : vector<16xi32>
      %lt3A_123 = arith.constant 5000 : i32
      %lt3A_124 = vector.broadcast %lt3A_123 : i32 to vector<16xi32>
      %lt3A_125 = arith.cmpi slt, %sub3A_119, %lt3A_124 : vector<16xi32>
      %and3A_126 = arith.andi %ge3A_122, %lt3A_125 : vector<16xi1>
      %ne3A_127 = arith.cmpi ne, %get3A_113, %get3A_117 : vector<16xi32>
      %and3A_128 = arith.andi %and3A_126, %ne3A_127 : vector<16xi1>
      %jit3A_129 = arith.constant 5056 : i32
      %broadcast_in_dim3A_130 = vector.broadcast %jit3A_129 : i32 to vector<16xi32>
      %select_n3A_131 = arith.select %and3A_128, %sub3A_119, %broadcast_in_dim3A_130 : vector<16xi1>, vector<16xi32>
      %swap3A_132 = arith.index_cast %scan3A_36 : i32 to index
      %swap3A_133 = arith.constant 48 : index
      %swap3A_134 = tpu.vector_load %arg7[%swap3A_132, %swap3A_133] {strides = array<i32>} : memref<160x128xi32, #tpu.memory_space<vmem>>, vector<1x16xi32>,
      %swap3A_135 = vector.shape_cast %swap3A_134 : vector<1x16xi32> to vector<16xi32>
      %swap3A_136 = vector.shape_cast %select_n3A_131 : vector<16xi32> to vector<1x16xi32>
      tpu.vector_store %arg7[%swap3A_132, %swap3A_133], %swap3A_136 {strides = array<i32>} : memref<160x128xi32, #tpu.memory_space<vmem>>, vector<1x16xi32>,
      %get3A_137 = arith.index_cast %scan3A_36 : i32 to index
      %get3A_138 = arith.constant 64 : index
      %get3A_139 = tpu.vector_load %arg6[%get3A_137, %get3A_138] {strides = array<i32>} : memref<160x128xi32, #tpu.memory_space<vmem>>, vector<1x16xi32>,
      %get3A_140 = vector.shape_cast %get3A_139 : vector<1x16xi32> to vector<16xi32>
      %get3A_141 = arith.index_cast %scan3A_36 : i32 to index
      %get3A_142 = arith.constant 64 : index
      %get3A_143 = tpu.vector_load %arg7[%get3A_141, %get3A_142] {strides = array<i32>} : memref<160x128xi32, #tpu.memory_space<vmem>>, vector<1x16xi32>,
      %get3A_144 = vector.shape_cast %get3A_143 : vector<1x16xi32> to vector<16xi32>
      %sub3A_145 = vector.broadcast %mul3A_0 : i32 to vector<16xi32>
      %sub3A_146 = arith.subi %get3A_144, %sub3A_145 : vector<16xi32>
      %ge3A_147 = arith.constant 0 : i32
      %ge3A_148 = vector.broadcast %ge3A_147 : i32 to vector<16xi32>
      %ge3A_149 = arith.cmpi sge, %sub3A_146, %ge3A_148 : vector<16xi32>
      %lt3A_150 = arith.constant 5000 : i32
      %lt3A_151 = vector.broadcast %lt3A_150 : i32 to vector<16xi32>
      %lt3A_152 = arith.cmpi slt, %sub3A_146, %lt3A_151 : vector<16xi32>
      %and3A_153 = arith.andi %ge3A_149, %lt3A_152 : vector<16xi1>
      %ne3A_154 = arith.cmpi ne, %get3A_140, %get3A_144 : vector<16xi32>
      %and3A_155 = arith.andi %and3A_153, %ne3A_154 : vector<16xi1>
      %jit3A_156 = arith.constant 5056 : i32
      %broadcast_in_dim3A_157 = vector.broadcast %jit3A_156 : i32 to vector<16xi32>
      %select_n3A_158 = arith.select %and3A_155, %sub3A_146, %broadcast_in_dim3A_157 : vector<16xi1>, vector<16xi32>
      %swap3A_159 = arith.index_cast %scan3A_36 : i32 to index
      %swap3A_160 = arith.constant 64 : index
      %swap3A_161 = tpu.vector_load %arg7[%swap3A_159, %swap3A_160] {strides = array<i32>} : memref<160x128xi32, #tpu.memory_space<vmem>>, vector<1x16xi32>,
      %swap3A_162 = vector.shape_cast %swap3A_161 : vector<1x16xi32> to vector<16xi32>
      %swap3A_163 = vector.shape_cast %select_n3A_158 : vector<16xi32> to vector<1x16xi32>
      tpu.vector_store %arg7[%swap3A_159, %swap3A_160], %swap3A_163 {strides = array<i32>} : memref<160x128xi32, #tpu.memory_space<vmem>>, vector<1x16xi32>,
      %get3A_164 = arith.index_cast %scan3A_36 : i32 to index
      %get3A_165 = arith.constant 80 : index
      %get3A_166 = tpu.vector_load %arg6[%get3A_164, %get3A_165] {strides = array<i32>} : memref<160x128xi32, #tpu.memory_space<vmem>>, vector<1x16xi32>,
      %get3A_167 = vector.shape_cast %get3A_166 : vector<1x16xi32> to vector<16xi32>
      %get3A_168 = arith.index_cast %scan3A_36 : i32 to index
      %get3A_169 = arith.constant 80 : index
      %get3A_170 = tpu.vector_load %arg7[%get3A_168, %get3A_169] {strides = array<i32>} : memref<160x128xi32, #tpu.memory_space<vmem>>, vector<1x16xi32>,
      %get3A_171 = vector.shape_cast %get3A_170 : vector<1x16xi32> to vector<16xi32>
      %sub3A_172 = vector.broadcast %mul3A_0 : i32 to vector<16xi32>
      %sub3A_173 = arith.subi %get3A_171, %sub3A_172 : vector<16xi32>
      %ge3A_174 = arith.constant 0 : i32
      %ge3A_175 = vector.broadcast %ge3A_174 : i32 to vector<16xi32>
      %ge3A_176 = arith.cmpi sge, %sub3A_173, %ge3A_175 : vector<16xi32>
      %lt3A_177 = arith.constant 5000 : i32
      %lt3A_178 = vector.broadcast %lt3A_177 : i32 to vector<16xi32>
      %lt3A_179 = arith.cmpi slt, %sub3A_173, %lt3A_178 : vector<16xi32>
      %and3A_180 = arith.andi %ge3A_176, %lt3A_179 : vector<16xi1>
      %ne3A_181 = arith.cmpi ne, %get3A_167, %get3A_171 : vector<16xi32>
      %and3A_182 = arith.andi %and3A_180, %ne3A_181 : vector<16xi1>
      %jit3A_183 = arith.constant 5056 : i32
      %broadcast_in_dim3A_184 = vector.broadcast %jit3A_183 : i32 to vector<16xi32>
      %select_n3A_185 = arith.select %and3A_182, %sub3A_173, %broadcast_in_dim3A_184 : vector<16xi1>, vector<16xi32>
      %swap3A_186 = arith.index_cast %scan3A_36 : i32 to index
      %swap3A_187 = arith.constant 80 : index
      %swap3A_188 = tpu.vector_load %arg7[%swap3A_186, %swap3A_187] {strides = array<i32>} : memref<160x128xi32, #tpu.memory_space<vmem>>, vector<1x16xi32>,
      %swap3A_189 = vector.shape_cast %swap3A_188 : vector<1x16xi32> to vector<16xi32>
      %swap3A_190 = vector.shape_cast %select_n3A_185 : vector<16xi32> to vector<1x16xi32>
      tpu.vector_store %arg7[%swap3A_186, %swap3A_187], %swap3A_190 {strides = array<i32>} : memref<160x128xi32, #tpu.memory_space<vmem>>, vector<1x16xi32>,
      %get3A_191 = arith.index_cast %scan3A_36 : i32 to index
      %get3A_192 = arith.constant 96 : index
      %get3A_193 = tpu.vector_load %arg6[%get3A_191, %get3A_192] {strides = array<i32>} : memref<160x128xi32, #tpu.memory_space<vmem>>, vector<1x16xi32>,
      %get3A_194 = vector.shape_cast %get3A_193 : vector<1x16xi32> to vector<16xi32>
      %get3A_195 = arith.index_cast %scan3A_36 : i32 to index
      %get3A_196 = arith.constant 96 : index
      %get3A_197 = tpu.vector_load %arg7[%get3A_195, %get3A_196] {strides = array<i32>} : memref<160x128xi32, #tpu.memory_space<vmem>>, vector<1x16xi32>,
      %get3A_198 = vector.shape_cast %get3A_197 : vector<1x16xi32> to vector<16xi32>
      %sub3A_199 = vector.broadcast %mul3A_0 : i32 to vector<16xi32>
      %sub3A_200 = arith.subi %get3A_198, %sub3A_199 : vector<16xi32>
      %ge3A_201 = arith.constant 0 : i32
      %ge3A_202 = vector.broadcast %ge3A_201 : i32 to vector<16xi32>
      %ge3A_203 = arith.cmpi sge, %sub3A_200, %ge3A_202 : vector<16xi32>
      %lt3A_204 = arith.constant 5000 : i32
      %lt3A_205 = vector.broadcast %lt3A_204 : i32 to vector<16xi32>
      %lt3A_206 = arith.cmpi slt, %sub3A_200, %lt3A_205 : vector<16xi32>
      %and3A_207 = arith.andi %ge3A_203, %lt3A_206 : vector<16xi1>
      %ne3A_208 = arith.cmpi ne, %get3A_194, %get3A_198 : vector<16xi32>
      %and3A_209 = arith.andi %and3A_207, %ne3A_208 : vector<16xi1>
      %jit3A_210 = arith.constant 5056 : i32
      %broadcast_in_dim3A_211 = vector.broadcast %jit3A_210 : i32 to vector<16xi32>
      %select_n3A_212 = arith.select %and3A_209, %sub3A_200, %broadcast_in_dim3A_211 : vector<16xi1>, vector<16xi32>
      %swap3A_213 = arith.index_cast %scan3A_36 : i32 to index
      %swap3A_214 = arith.constant 96 : index
      %swap3A_215 = tpu.vector_load %arg7[%swap3A_213, %swap3A_214] {strides = array<i32>} : memref<160x128xi32, #tpu.memory_space<vmem>>, vector<1x16xi32>,
      %swap3A_216 = vector.shape_cast %swap3A_215 : vector<1x16xi32> to vector<16xi32>
      %swap3A_217 = vector.shape_cast %select_n3A_212 : vector<16xi32> to vector<1x16xi32>
      tpu.vector_store %arg7[%swap3A_213, %swap3A_214], %swap3A_217 {strides = array<i32>} : memref<160x128xi32, #tpu.memory_space<vmem>>, vector<1x16xi32>,
      %get3A_218 = arith.index_cast %scan3A_36 : i32 to index
      %get3A_219 = arith.constant 112 : index
      %get3A_220 = tpu.vector_load %arg6[%get3A_218, %get3A_219] {strides = array<i32>} : memref<160x128xi32, #tpu.memory_space<vmem>>, vector<1x16xi32>,
      %get3A_221 = vector.shape_cast %get3A_220 : vector<1x16xi32> to vector<16xi32>
      %get3A_222 = arith.index_cast %scan3A_36 : i32 to index
      %get3A_223 = arith.constant 112 : index
      %get3A_224 = tpu.vector_load %arg7[%get3A_222, %get3A_223] {strides = array<i32>} : memref<160x128xi32, #tpu.memory_space<vmem>>, vector<1x16xi32>,
      %get3A_225 = vector.shape_cast %get3A_224 : vector<1x16xi32> to vector<16xi32>
      %sub3A_226 = vector.broadcast %mul3A_0 : i32 to vector<16xi32>
      %sub3A_227 = arith.subi %get3A_225, %sub3A_226 : vector<16xi32>
      %ge3A_228 = arith.constant 0 : i32
      %ge3A_229 = vector.broadcast %ge3A_228 : i32 to vector<16xi32>
      %ge3A_230 = arith.cmpi sge, %sub3A_227, %ge3A_229 : vector<16xi32>
      %lt3A_231 = arith.constant 5000 : i32
      %lt3A_232 = vector.broadcast %lt3A_231 : i32 to vector<16xi32>
      %lt3A_233 = arith.cmpi slt, %sub3A_227, %lt3A_232 : vector<16xi32>
      %and3A_234 = arith.andi %ge3A_230, %lt3A_233 : vector<16xi1>
      %ne3A_235 = arith.cmpi ne, %get3A_221, %get3A_225 : vector<16xi32>
      %and3A_236 = arith.andi %and3A_234, %ne3A_235 : vector<16xi1>
      %jit3A_237 = arith.constant 5056 : i32
      %broadcast_in_dim3A_238 = vector.broadcast %jit3A_237 : i32 to vector<16xi32>
      %select_n3A_239 = arith.select %and3A_236, %sub3A_227, %broadcast_in_dim3A_238 : vector<16xi1>, vector<16xi32>
      %swap3A_240 = arith.index_cast %scan3A_36 : i32 to index
      %swap3A_241 = arith.constant 112 : index
      %swap3A_242 = tpu.vector_load %arg7[%swap3A_240, %swap3A_241] {strides = array<i32>} : memref<160x128xi32, #tpu.memory_space<vmem>>, vector<1x16xi32>,
      %swap3A_243 = vector.shape_cast %swap3A_242 : vector<1x16xi32> to vector<16xi32>
      %swap3A_244 = vector.shape_cast %select_n3A_239 : vector<16xi32> to vector<1x16xi32>
      tpu.vector_store %arg7[%swap3A_240, %swap3A_241], %swap3A_244 {strides = array<i32>} : memref<160x128xi32, #tpu.memory_space<vmem>>, vector<1x16xi32>,
      %scan3A_245 = arith.constant 0 : i32
      scf.yield %scan3A_245 : i32
    }
    %scan3A_25 = arith.constant 160 : i32
    "tpu.region"() ({
      %run_scoped3A = tpu.sem_alloc : memref<!tpu.dma_semaphore, #tpu.memory_space<semaphore_mem>>
      %dma_start3A = arith.constant 0 : i32
      %dma_start3A_36 = arith.constant 0 : i32
      %dma_start3A_37 = tpu.memref_slice %arg5[%arg0, %arg1, %dma_start3A, %dma_start3A_36] : memref<2x16x160x128xi32, #tpu.memory_space<hbm>> -> memref<1x1x160x128xi32, #tpu.memory_space<hbm>>
      %dma_start3A_38 = tpu.memref_squeeze %dma_start3A_37 : memref<1x1x160x128xi32, #tpu.memory_space<hbm>> -> memref<160x128xi32, #tpu.memory_space<hbm>>
      %dma_start3A_39 = arith.constant 0 : i32
      %dma_start3A_40 = arith.constant 0 : i32
      %dma_start3A_41 = tpu.memref_slice %arg5[%arg0, %arg1, %dma_start3A_39, %dma_start3A_40] : memref<2x16x160x128xi32, #tpu.memory_space<hbm>> -> memref<1x1x160x128xi32, #tpu.memory_space<hbm>>
      %dma_start3A_42 = tpu.memref_squeeze %dma_start3A_41 : memref<1x1x160x128xi32, #tpu.memory_space<hbm>> -> memref<160x128xi32, #tpu.memory_space<hbm>>
      tpu.enqueue_dma source(%arg7 : memref<160x128xi32, #tpu.memory_space<vmem>>) target(%dma_start3A_42 : memref<160x128xi32, #tpu.memory_space<hbm>>) target_semaphore(%run_scoped3A : memref<!tpu.dma_semaphore, #tpu.memory_space<semaphore_mem>>)
      %dma_wait3A = arith.constant 0 : i32
      %dma_wait3A_43 = arith.constant 0 : i32
      %dma_wait3A_44 = tpu.memref_slice %arg5[%arg0, %arg1, %dma_wait3A, %dma_wait3A_43] : memref<2x16x160x128xi32, #tpu.memory_space<hbm>> -> memref<1x1x160x128xi32, #tpu.memory_space<hbm>>
      %dma_wait3A_45 = tpu.memref_squeeze %dma_wait3A_44 : memref<1x1x160x128xi32, #tpu.memory_space<hbm>> -> memref<160x128xi32, #tpu.memory_space<hbm>>
      %dma_wait3A_46 = arith.constant 0 : i32
      %dma_wait3A_47 = arith.constant 0 : i32
      %dma_wait3A_48 = tpu.memref_slice %arg5[%arg0, %arg1, %dma_wait3A_46, %dma_wait3A_47] : memref<2x16x160x128xi32, #tpu.memory_space<hbm>> -> memref<1x1x160x128xi32, #tpu.memory_space<hbm>>
      %dma_wait3A_49 = tpu.memref_squeeze %dma_wait3A_48 : memref<1x1x160x128xi32, #tpu.memory_space<hbm>> -> memref<160x128xi32, #tpu.memory_space<hbm>>
      tpu.wait_dma2 semaphore(%run_scoped3A : memref<!tpu.dma_semaphore, #tpu.memory_space<semaphore_mem>>) src(%arg7 : memref<160x128xi32, #tpu.memory_space<vmem>>) dst(%dma_wait3A_49 : memref<160x128xi32, #tpu.memory_space<hbm>>)
      tpu.yield
    }) : () -> ()
    %barrier3A = arith.constant 0 : index
    tpu.barrier barrier_id(%barrier3A)
    %scan3A_26 = arith.constant 0 : i32
    %scan3A_27 = arith.constant 0 : i32
    %scan3A_28 = arith.constant 160 : i32
    %scan3A_29 = arith.addi %scan3A_27, %scan3A_28 : i32
    %scan3A_30 = arith.constant 1 : i32
    %scan3A_31 = scf.for %scan3A_36 = %scan3A_27 to %scan3A_29 step %scan3A_30 iter_args(%scan3A_37 = %scan3A_26) -> (i32)  : i32 {
      "tpu.region"() ({
        %run_scoped3A = tpu.sem_alloc : memref<!tpu.dma_semaphore, #tpu.memory_space<semaphore_mem>>
        %dma_start3A = arith.constant 0 : i32
        %dma_start3A_39 = tpu.memref_slice %arg7[%scan3A_36, %dma_start3A] : memref<160x128xi32, #tpu.memory_space<vmem>> -> memref<1x128xi32, #tpu.memory_space<vmem>>
        %dma_start3A_40 = tpu.memref_squeeze %dma_start3A_39 : memref<1x128xi32, #tpu.memory_space<vmem>> -> memref<128xi32, #tpu.memory_space<vmem>>
        %dma_start3A_41 = arith.constant 0 : i32
        %dma_start3A_42 = arith.constant 0 : i32
        %dma_start3A_43 = tpu.memref_slice %arg10[%dma_start3A_41, %dma_start3A_42] : memref<5120x128xf32, #tpu.memory_space<vmem_shared>> -> memref<5120x128xf32, #tpu.memory_space<vmem_shared>>
        tpu.enqueue_indirect_dma source(%arg8 : memref<128x128xf32, #tpu.memory_space<vmem>>) target(%dma_start3A_43 : memref<5120x128xf32, #tpu.memory_space<vmem_shared>>) offsets(%dma_start3A_40 : memref<128xi32, #tpu.memory_space<vmem>>) semaphore(%run_scoped3A : memref<!tpu.dma_semaphore, #tpu.memory_space<semaphore_mem>>) {add = true}
        %dma_wait3A = arith.constant 0 : i32
        %dma_wait3A_44 = tpu.memref_slice %arg7[%scan3A_36, %dma_wait3A] : memref<160x128xi32, #tpu.memory_space<vmem>> -> memref<1x128xi32, #tpu.memory_space<vmem>>
        %dma_wait3A_45 = tpu.memref_squeeze %dma_wait3A_44 : memref<1x128xi32, #tpu.memory_space<vmem>> -> memref<128xi32, #tpu.memory_space<vmem>>
        %dma_wait3A_46 = arith.constant 0 : i32
        %dma_wait3A_47 = arith.constant 0 : i32
        %dma_wait3A_48 = tpu.memref_slice %arg10[%dma_wait3A_46, %dma_wait3A_47] : memref<5120x128xf32, #tpu.memory_space<vmem_shared>> -> memref<5120x128xf32, #tpu.memory_space<vmem_shared>>
        tpu.wait_indirect_dma semaphore(%run_scoped3A : memref<!tpu.dma_semaphore, #tpu.memory_space<semaphore_mem>>) src(%arg8 : memref<128x128xf32, #tpu.memory_space<vmem>>) dst(%dma_wait3A_48 : memref<5120x128xf32, #tpu.memory_space<vmem_shared>>)
        tpu.yield
      }) : () -> ()
      %scan3A_38 = arith.constant 0 : i32
      scf.yield %scan3A_38 : i32
    }
    %scan3A_32 = arith.constant 160 : i32
    %barrier3A_33 = arith.constant 0 : index
    tpu.barrier barrier_id(%barrier3A_33)
    %mul3A_34 = arith.constant 320 : i32
    %mul3A_35 = arith.muli %arg1, %mul3A_34 : i32
    "tpu.region"() ({
      %run_scoped3A = tpu.sem_alloc : memref<!tpu.dma_semaphore, #tpu.memory_space<semaphore_mem>>
      %dma_start3A = arith.constant 0 : i32
      %dma_start3A_36 = tpu.memref_slice %arg4[%arg0, %mul3A_35, %dma_start3A] : memref<2x5120x128xf32, #tpu.memory_space<hbm>> -> memref<1x320x128xf32, #tpu.memory_space<hbm>>
      %dma_start3A_37 = tpu.memref_squeeze %dma_start3A_36 : memref<1x320x128xf32, #tpu.memory_space<hbm>> -> memref<320x128xf32, #tpu.memory_space<hbm>>
      %dma_start3A_38 = arith.constant 0 : i32
      %dma_start3A_39 = tpu.memref_slice %arg10[%mul3A_35, %dma_start3A_38] : memref<5120x128xf32, #tpu.memory_space<vmem_shared>> -> memref<320x128xf32, #tpu.memory_space<vmem_shared>>
      tpu.enqueue_dma source(%dma_start3A_39 : memref<320x128xf32, #tpu.memory_space<vmem_shared>>) target(%dma_start3A_37 : memref<320x128xf32, #tpu.memory_space<hbm>>) target_semaphore(%run_scoped3A : memref<!tpu.dma_semaphore, #tpu.memory_space<semaphore_mem>>)
      %dma_wait3A = arith.constant 0 : i32
      %dma_wait3A_40 = tpu.memref_slice %arg4[%arg0, %mul3A_35, %dma_wait3A] : memref<2x5120x128xf32, #tpu.memory_space<hbm>> -> memref<1x320x128xf32, #tpu.memory_space<hbm>>
      %dma_wait3A_41 = tpu.memref_squeeze %dma_wait3A_40 : memref<1x320x128xf32, #tpu.memory_space<hbm>> -> memref<320x128xf32, #tpu.memory_space<hbm>>
      %dma_wait3A_42 = arith.constant 0 : i32
      %dma_wait3A_43 = tpu.memref_slice %arg10[%mul3A_35, %dma_wait3A_42] : memref<5120x128xf32, #tpu.memory_space<vmem_shared>> -> memref<320x128xf32, #tpu.memory_space<vmem_shared>>
      tpu.wait_dma2 semaphore(%run_scoped3A : memref<!tpu.dma_semaphore, #tpu.memory_space<semaphore_mem>>) src(%dma_wait3A_43 : memref<320x128xf32, #tpu.memory_space<vmem_shared>>) dst(%dma_wait3A_41 : memref<320x128xf32, #tpu.memory_space<hbm>>)
      tpu.yield
    }) : () -> ()
    return
  }
}

#map = affine_map<(d0, d1) -> (0, 0)>
#map1 = affine_map<(d0, d1) -> (0, 0, 0)>
#map2 = affine_map<(d0, d1) -> (0, 0, 0, 0)>
module attributes {stable_mosaic.version = 14 : i64} {
  func.func @_agg_kernel(%arg0: i32, %arg1: i32, %arg2: memref<10000x128xf32, #tpu.memory_space<hbm>>, %arg3: memref<16x160x128xi32, #tpu.memory_space<hbm>>, %arg4: memref<2x16x160x128xi32, #tpu.memory_space<hbm>>, %arg5: memref<2x5120x128xf32, #tpu.memory_space<hbm>>, %arg6: memref<160x128xi32, #tpu.memory_space<vmem>>, %arg7: memref<160x128xi32, #tpu.memory_space<vmem>>, %arg8: memref<128x128xf32, #tpu.memory_space<vmem>>, %arg9: memref<128x128xf32, #tpu.memory_space<vmem>>, %arg10: memref<5120x128xf32, #tpu.memory_space<vmem_shared>>, %arg11: memref<!tpu.dma_semaphore, #tpu.memory_space<semaphore_mem>>) attributes {dimension_semantics = [#tpu.dimension_semantics<core_parallel>, #tpu.dimension_semantics<subcore_parallel>], iteration_bounds = array<i64: 2, 16>, scalar_prefetch = 0 : i64, scratch_operands = 6 : i64, tpu.core_type = #tpu.core_type<sc_vector_subcore>, window_params = [{transform_indices = #map}, {transform_indices = #map1}, {transform_indices = #map2}, {transform_indices = #map1}]} {
    %scan3A = arith.constant 0 : i32
    %scan3A_0 = arith.constant 0 : i32
    %scan3A_1 = arith.constant 128 : i32
    %scan3A_2 = arith.addi %scan3A_0, %scan3A_1 : i32
    %scan3A_3 = arith.constant 1 : i32
    %scan3A_4 = scf.for %scan3A_27 = %scan3A_0 to %scan3A_2 step %scan3A_3 iter_args(%scan3A_28 = %scan3A) -> (i32)  : i32 {
      %broadcast_in_dim3A = arith.constant 0.000000e+00 : f32
      %broadcast_in_dim3A_29 = vector.broadcast %broadcast_in_dim3A : f32 to vector<16xf32>
      %swap3A = arith.index_cast %scan3A_27 : i32 to index
      %swap3A_30 = arith.constant 0 : index
      %swap3A_31 = tpu.vector_load %arg9[%swap3A, %swap3A_30] {strides = array<i32>} : memref<128x128xf32, #tpu.memory_space<vmem>>, vector<1x16xf32>,
      %swap3A_32 = vector.shape_cast %swap3A_31 : vector<1x16xf32> to vector<16xf32>
      %swap3A_33 = vector.shape_cast %broadcast_in_dim3A_29 : vector<16xf32> to vector<1x16xf32>
      tpu.vector_store %arg9[%swap3A, %swap3A_30], %swap3A_33 {strides = array<i32>} : memref<128x128xf32, #tpu.memory_space<vmem>>, vector<1x16xf32>,
      %broadcast_in_dim3A_34 = arith.constant 0.000000e+00 : f32
      %broadcast_in_dim3A_35 = vector.broadcast %broadcast_in_dim3A_34 : f32 to vector<16xf32>
      %swap3A_36 = arith.index_cast %scan3A_27 : i32 to index
      %swap3A_37 = arith.constant 16 : index
      %swap3A_38 = tpu.vector_load %arg9[%swap3A_36, %swap3A_37] {strides = array<i32>} : memref<128x128xf32, #tpu.memory_space<vmem>>, vector<1x16xf32>,
      %swap3A_39 = vector.shape_cast %swap3A_38 : vector<1x16xf32> to vector<16xf32>
      %swap3A_40 = vector.shape_cast %broadcast_in_dim3A_35 : vector<16xf32> to vector<1x16xf32>
      tpu.vector_store %arg9[%swap3A_36, %swap3A_37], %swap3A_40 {strides = array<i32>} : memref<128x128xf32, #tpu.memory_space<vmem>>, vector<1x16xf32>,
      %broadcast_in_dim3A_41 = arith.constant 0.000000e+00 : f32
      %broadcast_in_dim3A_42 = vector.broadcast %broadcast_in_dim3A_41 : f32 to vector<16xf32>
      %swap3A_43 = arith.index_cast %scan3A_27 : i32 to index
      %swap3A_44 = arith.constant 32 : index
      %swap3A_45 = tpu.vector_load %arg9[%swap3A_43, %swap3A_44] {strides = array<i32>} : memref<128x128xf32, #tpu.memory_space<vmem>>, vector<1x16xf32>,
      %swap3A_46 = vector.shape_cast %swap3A_45 : vector<1x16xf32> to vector<16xf32>
      %swap3A_47 = vector.shape_cast %broadcast_in_dim3A_42 : vector<16xf32> to vector<1x16xf32>
      tpu.vector_store %arg9[%swap3A_43, %swap3A_44], %swap3A_47 {strides = array<i32>} : memref<128x128xf32, #tpu.memory_space<vmem>>, vector<1x16xf32>,
      %broadcast_in_dim3A_48 = arith.constant 0.000000e+00 : f32
      %broadcast_in_dim3A_49 = vector.broadcast %broadcast_in_dim3A_48 : f32 to vector<16xf32>
      %swap3A_50 = arith.index_cast %scan3A_27 : i32 to index
      %swap3A_51 = arith.constant 48 : index
      %swap3A_52 = tpu.vector_load %arg9[%swap3A_50, %swap3A_51] {strides = array<i32>} : memref<128x128xf32, #tpu.memory_space<vmem>>, vector<1x16xf32>,
      %swap3A_53 = vector.shape_cast %swap3A_52 : vector<1x16xf32> to vector<16xf32>
      %swap3A_54 = vector.shape_cast %broadcast_in_dim3A_49 : vector<16xf32> to vector<1x16xf32>
      tpu.vector_store %arg9[%swap3A_50, %swap3A_51], %swap3A_54 {strides = array<i32>} : memref<128x128xf32, #tpu.memory_space<vmem>>, vector<1x16xf32>,
      %broadcast_in_dim3A_55 = arith.constant 0.000000e+00 : f32
      %broadcast_in_dim3A_56 = vector.broadcast %broadcast_in_dim3A_55 : f32 to vector<16xf32>
      %swap3A_57 = arith.index_cast %scan3A_27 : i32 to index
      %swap3A_58 = arith.constant 64 : index
      %swap3A_59 = tpu.vector_load %arg9[%swap3A_57, %swap3A_58] {strides = array<i32>} : memref<128x128xf32, #tpu.memory_space<vmem>>, vector<1x16xf32>,
      %swap3A_60 = vector.shape_cast %swap3A_59 : vector<1x16xf32> to vector<16xf32>
      %swap3A_61 = vector.shape_cast %broadcast_in_dim3A_56 : vector<16xf32> to vector<1x16xf32>
      tpu.vector_store %arg9[%swap3A_57, %swap3A_58], %swap3A_61 {strides = array<i32>} : memref<128x128xf32, #tpu.memory_space<vmem>>, vector<1x16xf32>,
      %broadcast_in_dim3A_62 = arith.constant 0.000000e+00 : f32
      %broadcast_in_dim3A_63 = vector.broadcast %broadcast_in_dim3A_62 : f32 to vector<16xf32>
      %swap3A_64 = arith.index_cast %scan3A_27 : i32 to index
      %swap3A_65 = arith.constant 80 : index
      %swap3A_66 = tpu.vector_load %arg9[%swap3A_64, %swap3A_65] {strides = array<i32>} : memref<128x128xf32, #tpu.memory_space<vmem>>, vector<1x16xf32>,
      %swap3A_67 = vector.shape_cast %swap3A_66 : vector<1x16xf32> to vector<16xf32>
      %swap3A_68 = vector.shape_cast %broadcast_in_dim3A_63 : vector<16xf32> to vector<1x16xf32>
      tpu.vector_store %arg9[%swap3A_64, %swap3A_65], %swap3A_68 {strides = array<i32>} : memref<128x128xf32, #tpu.memory_space<vmem>>, vector<1x16xf32>,
      %broadcast_in_dim3A_69 = arith.constant 0.000000e+00 : f32
      %broadcast_in_dim3A_70 = vector.broadcast %broadcast_in_dim3A_69 : f32 to vector<16xf32>
      %swap3A_71 = arith.index_cast %scan3A_27 : i32 to index
      %swap3A_72 = arith.constant 96 : index
      %swap3A_73 = tpu.vector_load %arg9[%swap3A_71, %swap3A_72] {strides = array<i32>} : memref<128x128xf32, #tpu.memory_space<vmem>>, vector<1x16xf32>,
      %swap3A_74 = vector.shape_cast %swap3A_73 : vector<1x16xf32> to vector<16xf32>
      %swap3A_75 = vector.shape_cast %broadcast_in_dim3A_70 : vector<16xf32> to vector<1x16xf32>
      tpu.vector_store %arg9[%swap3A_71, %swap3A_72], %swap3A_75 {strides = array<i32>} : memref<128x128xf32, #tpu.memory_space<vmem>>, vector<1x16xf32>,
      %broadcast_in_dim3A_76 = arith.constant 0.000000e+00 : f32
      %broadcast_in_dim3A_77 = vector.broadcast %broadcast_in_dim3A_76 : f32 to vector<16xf32>
      %swap3A_78 = arith.index_cast %scan3A_27 : i32 to index
      %swap3A_79 = arith.constant 112 : index
      %swap3A_80 = tpu.vector_load %arg9[%swap3A_78, %swap3A_79] {strides = array<i32>} : memref<128x128xf32, #tpu.memory_space<vmem>>, vector<1x16xf32>,
      %swap3A_81 = vector.shape_cast %swap3A_80 : vector<1x16xf32> to vector<16xf32>
      %swap3A_82 = vector.shape_cast %broadcast_in_dim3A_77 : vector<16xf32> to vector<1x16xf32>
      tpu.vector_store %arg9[%swap3A_78, %swap3A_79], %swap3A_82 {strides = array<i32>} : memref<128x128xf32, #tpu.memory_space<vmem>>, vector<1x16xf32>,
      %scan3A_83 = arith.constant 0 : i32
      scf.yield %scan3A_83 : i32
    }
    %scan3A_5 = arith.constant 128 : i32
    %mul3A = arith.constant 320 : i32
    %mul3A_6 = arith.muli %arg1, %mul3A : i32
    %add3A = arith.constant 0 : i32
    %add3A_7 = arith.addi %mul3A_6, %add3A : i32
    "tpu.region"() ({
      %run_scoped3A = tpu.sem_alloc : memref<!tpu.dma_semaphore, #tpu.memory_space<semaphore_mem>>
      %dma_start3A = arith.constant 0 : i32
      %dma_start3A_27 = tpu.memref_slice %arg10[%add3A_7, %dma_start3A] : memref<5120x128xf32, #tpu.memory_space<vmem_shared>> -> memref<128x128xf32, #tpu.memory_space<vmem_shared>>
      %dma_start3A_28 = arith.constant 0 : i32
      %dma_start3A_29 = tpu.memref_slice %arg10[%add3A_7, %dma_start3A_28] : memref<5120x128xf32, #tpu.memory_space<vmem_shared>> -> memref<128x128xf32, #tpu.memory_space<vmem_shared>>
      tpu.enqueue_dma source(%arg9 : memref<128x128xf32, #tpu.memory_space<vmem>>) target(%dma_start3A_29 : memref<128x128xf32, #tpu.memory_space<vmem_shared>>) target_semaphore(%run_scoped3A : memref<!tpu.dma_semaphore, #tpu.memory_space<semaphore_mem>>)
      %dma_wait3A = arith.constant 0 : i32
      %dma_wait3A_30 = tpu.memref_slice %arg10[%add3A_7, %dma_wait3A] : memref<5120x128xf32, #tpu.memory_space<vmem_shared>> -> memref<128x128xf32, #tpu.memory_space<vmem_shared>>
      %dma_wait3A_31 = arith.constant 0 : i32
      %dma_wait3A_32 = tpu.memref_slice %arg10[%add3A_7, %dma_wait3A_31] : memref<5120x128xf32, #tpu.memory_space<vmem_shared>> -> memref<128x128xf32, #tpu.memory_space<vmem_shared>>
      tpu.wait_dma2 semaphore(%run_scoped3A : memref<!tpu.dma_semaphore, #tpu.memory_space<semaphore_mem>>) src(%arg9 : memref<128x128xf32, #tpu.memory_space<vmem>>) dst(%dma_wait3A_32 : memref<128x128xf32, #tpu.memory_space<vmem_shared>>)
      tpu.yield
    }) : () -> ()
    %mul3A_8 = arith.constant 320 : i32
    %mul3A_9 = arith.muli %arg1, %mul3A_8 : i32
    %add3A_10 = arith.constant 128 : i32
    %add3A_11 = arith.addi %mul3A_9, %add3A_10 : i32
    "tpu.region"() ({
      %run_scoped3A = tpu.sem_alloc : memref<!tpu.dma_semaphore, #tpu.memory_space<semaphore_mem>>
      %dma_start3A = arith.constant 0 : i32
      %dma_start3A_27 = tpu.memref_slice %arg10[%add3A_11, %dma_start3A] : memref<5120x128xf32, #tpu.memory_space<vmem_shared>> -> memref<128x128xf32, #tpu.memory_space<vmem_shared>>
      %dma_start3A_28 = arith.constant 0 : i32
      %dma_start3A_29 = tpu.memref_slice %arg10[%add3A_11, %dma_start3A_28] : memref<5120x128xf32, #tpu.memory_space<vmem_shared>> -> memref<128x128xf32, #tpu.memory_space<vmem_shared>>
      tpu.enqueue_dma source(%arg9 : memref<128x128xf32, #tpu.memory_space<vmem>>) target(%dma_start3A_29 : memref<128x128xf32, #tpu.memory_space<vmem_shared>>) target_semaphore(%run_scoped3A : memref<!tpu.dma_semaphore, #tpu.memory_space<semaphore_mem>>)
      %dma_wait3A = arith.constant 0 : i32
      %dma_wait3A_30 = tpu.memref_slice %arg10[%add3A_11, %dma_wait3A] : memref<5120x128xf32, #tpu.memory_space<vmem_shared>> -> memref<128x128xf32, #tpu.memory_space<vmem_shared>>
      %dma_wait3A_31 = arith.constant 0 : i32
      %dma_wait3A_32 = tpu.memref_slice %arg10[%add3A_11, %dma_wait3A_31] : memref<5120x128xf32, #tpu.memory_space<vmem_shared>> -> memref<128x128xf32, #tpu.memory_space<vmem_shared>>
      tpu.wait_dma2 semaphore(%run_scoped3A : memref<!tpu.dma_semaphore, #tpu.memory_space<semaphore_mem>>) src(%arg9 : memref<128x128xf32, #tpu.memory_space<vmem>>) dst(%dma_wait3A_32 : memref<128x128xf32, #tpu.memory_space<vmem_shared>>)
      tpu.yield
    }) : () -> ()
    %mul3A_12 = arith.constant 320 : i32
    %mul3A_13 = arith.muli %arg1, %mul3A_12 : i32
    %add3A_14 = arith.constant 320 : i32
    %add3A_15 = arith.addi %mul3A_13, %add3A_14 : i32
    %sub3A = arith.constant 64 : i32
    %sub3A_16 = arith.subi %add3A_15, %sub3A : i32
    "tpu.region"() ({
      %run_scoped3A = tpu.sem_alloc : memref<!tpu.dma_semaphore, #tpu.memory_space<semaphore_mem>>
      %dma_start3A = arith.constant 0 : i32
      %dma_start3A_27 = arith.constant 0 : i32
      %dma_start3A_28 = tpu.memref_slice %arg9[%dma_start3A, %dma_start3A_27] : memref<128x128xf32, #tpu.memory_space<vmem>> -> memref<64x128xf32, #tpu.memory_space<vmem>>
      %dma_start3A_29 = arith.constant 0 : i32
      %dma_start3A_30 = tpu.memref_slice %arg10[%sub3A_16, %dma_start3A_29] : memref<5120x128xf32, #tpu.memory_space<vmem_shared>> -> memref<64x128xf32, #tpu.memory_space<vmem_shared>>
      %dma_start3A_31 = arith.constant 0 : i32
      %dma_start3A_32 = tpu.memref_slice %arg10[%sub3A_16, %dma_start3A_31] : memref<5120x128xf32, #tpu.memory_space<vmem_shared>> -> memref<64x128xf32, #tpu.memory_space<vmem_shared>>
      %dma_start3A_33 = arith.constant 0 : i32
      %dma_start3A_34 = arith.constant 0 : i32
      %dma_start3A_35 = tpu.memref_slice %arg9[%dma_start3A_33, %dma_start3A_34] : memref<128x128xf32, #tpu.memory_space<vmem>> -> memref<64x128xf32, #tpu.memory_space<vmem>>
      tpu.enqueue_dma source(%dma_start3A_35 : memref<64x128xf32, #tpu.memory_space<vmem>>) target(%dma_start3A_32 : memref<64x128xf32, #tpu.memory_space<vmem_shared>>) target_semaphore(%run_scoped3A : memref<!tpu.dma_semaphore, #tpu.memory_space<semaphore_mem>>)
      %dma_wait3A = arith.constant 0 : i32
      %dma_wait3A_36 = arith.constant 0 : i32
      %dma_wait3A_37 = tpu.memref_slice %arg9[%dma_wait3A, %dma_wait3A_36] : memref<128x128xf32, #tpu.memory_space<vmem>> -> memref<64x128xf32, #tpu.memory_space<vmem>>
      %dma_wait3A_38 = arith.constant 0 : i32
      %dma_wait3A_39 = tpu.memref_slice %arg10[%sub3A_16, %dma_wait3A_38] : memref<5120x128xf32, #tpu.memory_space<vmem_shared>> -> memref<64x128xf32, #tpu.memory_space<vmem_shared>>
      %dma_wait3A_40 = arith.constant 0 : i32
      %dma_wait3A_41 = tpu.memref_slice %arg10[%sub3A_16, %dma_wait3A_40] : memref<5120x128xf32, #tpu.memory_space<vmem_shared>> -> memref<64x128xf32, #tpu.memory_space<vmem_shared>>
      %dma_wait3A_42 = arith.constant 0 : i32
      %dma_wait3A_43 = arith.constant 0 : i32
      %dma_wait3A_44 = tpu.memref_slice %arg9[%dma_wait3A_42, %dma_wait3A_43] : memref<128x128xf32, #tpu.memory_space<vmem>> -> memref<64x128xf32, #tpu.memory_space<vmem>>
      tpu.wait_dma2 semaphore(%run_scoped3A : memref<!tpu.dma_semaphore, #tpu.memory_space<semaphore_mem>>) src(%dma_wait3A_44 : memref<64x128xf32, #tpu.memory_space<vmem>>) dst(%dma_wait3A_41 : memref<64x128xf32, #tpu.memory_space<vmem_shared>>)
      tpu.yield
    }) : () -> ()
    "tpu.region"() ({
      %run_scoped3A = tpu.sem_alloc : memref<!tpu.dma_semaphore, #tpu.memory_space<semaphore_mem>>
      %dma_start3A = arith.constant 0 : i32
      %dma_start3A_27 = arith.constant 0 : i32
      %dma_start3A_28 = tpu.memref_slice %arg3[%arg1, %dma_start3A, %dma_start3A_27] : memref<16x160x128xi32, #tpu.memory_space<hbm>> -> memref<1x160x128xi32, #tpu.memory_space<hbm>>
      %dma_start3A_29 = tpu.memref_squeeze %dma_start3A_28 : memref<1x160x128xi32, #tpu.memory_space<hbm>> -> memref<160x128xi32, #tpu.memory_space<hbm>>
      %dma_start3A_30 = arith.constant 0 : i32
      %dma_start3A_31 = arith.constant 0 : i32
      %dma_start3A_32 = tpu.memref_slice %arg3[%arg1, %dma_start3A_30, %dma_start3A_31] : memref<16x160x128xi32, #tpu.memory_space<hbm>> -> memref<1x160x128xi32, #tpu.memory_space<hbm>>
      %dma_start3A_33 = tpu.memref_squeeze %dma_start3A_32 : memref<1x160x128xi32, #tpu.memory_space<hbm>> -> memref<160x128xi32, #tpu.memory_space<hbm>>
      tpu.enqueue_dma source(%dma_start3A_33 : memref<160x128xi32, #tpu.memory_space<hbm>>) target(%arg6 : memref<160x128xi32, #tpu.memory_space<vmem>>) target_semaphore(%run_scoped3A : memref<!tpu.dma_semaphore, #tpu.memory_space<semaphore_mem>>)
      %dma_wait3A = arith.constant 0 : i32
      %dma_wait3A_34 = arith.constant 0 : i32
      %dma_wait3A_35 = tpu.memref_slice %arg3[%arg1, %dma_wait3A, %dma_wait3A_34] : memref<16x160x128xi32, #tpu.memory_space<hbm>> -> memref<1x160x128xi32, #tpu.memory_space<hbm>>
      %dma_wait3A_36 = tpu.memref_squeeze %dma_wait3A_35 : memref<1x160x128xi32, #tpu.memory_space<hbm>> -> memref<160x128xi32, #tpu.memory_space<hbm>>
      %dma_wait3A_37 = arith.constant 0 : i32
      %dma_wait3A_38 = arith.constant 0 : i32
      %dma_wait3A_39 = tpu.memref_slice %arg3[%arg1, %dma_wait3A_37, %dma_wait3A_38] : memref<16x160x128xi32, #tpu.memory_space<hbm>> -> memref<1x160x128xi32, #tpu.memory_space<hbm>>
      %dma_wait3A_40 = tpu.memref_squeeze %dma_wait3A_39 : memref<1x160x128xi32, #tpu.memory_space<hbm>> -> memref<160x128xi32, #tpu.memory_space<hbm>>
      tpu.wait_dma2 semaphore(%run_scoped3A : memref<!tpu.dma_semaphore, #tpu.memory_space<semaphore_mem>>) src(%dma_wait3A_40 : memref<160x128xi32, #tpu.memory_space<hbm>>) dst(%arg6 : memref<160x128xi32, #tpu.memory_space<vmem>>)
      tpu.yield
    }) : () -> ()
    "tpu.region"() ({
      %run_scoped3A = tpu.sem_alloc : memref<!tpu.dma_semaphore, #tpu.memory_space<semaphore_mem>>
      %dma_start3A = arith.constant 0 : i32
      %dma_start3A_27 = arith.constant 0 : i32
      %dma_start3A_28 = tpu.memref_slice %arg4[%arg0, %arg1, %dma_start3A, %dma_start3A_27] : memref<2x16x160x128xi32, #tpu.memory_space<hbm>> -> memref<1x1x160x128xi32, #tpu.memory_space<hbm>>
      %dma_start3A_29 = tpu.memref_squeeze %dma_start3A_28 : memref<1x1x160x128xi32, #tpu.memory_space<hbm>> -> memref<160x128xi32, #tpu.memory_space<hbm>>
      %dma_start3A_30 = arith.constant 0 : i32
      %dma_start3A_31 = arith.constant 0 : i32
      %dma_start3A_32 = tpu.memref_slice %arg4[%arg0, %arg1, %dma_start3A_30, %dma_start3A_31] : memref<2x16x160x128xi32, #tpu.memory_space<hbm>> -> memref<1x1x160x128xi32, #tpu.memory_space<hbm>>
      %dma_start3A_33 = tpu.memref_squeeze %dma_start3A_32 : memref<1x1x160x128xi32, #tpu.memory_space<hbm>> -> memref<160x128xi32, #tpu.memory_space<hbm>>
      tpu.enqueue_dma source(%dma_start3A_33 : memref<160x128xi32, #tpu.memory_space<hbm>>) target(%arg7 : memref<160x128xi32, #tpu.memory_space<vmem>>) target_semaphore(%run_scoped3A : memref<!tpu.dma_semaphore, #tpu.memory_space<semaphore_mem>>)
      %dma_wait3A = arith.constant 0 : i32
      %dma_wait3A_34 = arith.constant 0 : i32
      %dma_wait3A_35 = tpu.memref_slice %arg4[%arg0, %arg1, %dma_wait3A, %dma_wait3A_34] : memref<2x16x160x128xi32, #tpu.memory_space<hbm>> -> memref<1x1x160x128xi32, #tpu.memory_space<hbm>>
      %dma_wait3A_36 = tpu.memref_squeeze %dma_wait3A_35 : memref<1x1x160x128xi32, #tpu.memory_space<hbm>> -> memref<160x128xi32, #tpu.memory_space<hbm>>
      %dma_wait3A_37 = arith.constant 0 : i32
      %dma_wait3A_38 = arith.constant 0 : i32
      %dma_wait3A_39 = tpu.memref_slice %arg4[%arg0, %arg1, %dma_wait3A_37, %dma_wait3A_38] : memref<2x16x160x128xi32, #tpu.memory_space<hbm>> -> memref<1x1x160x128xi32, #tpu.memory_space<hbm>>
      %dma_wait3A_40 = tpu.memref_squeeze %dma_wait3A_39 : memref<1x1x160x128xi32, #tpu.memory_space<hbm>> -> memref<160x128xi32, #tpu.memory_space<hbm>>
      tpu.wait_dma2 semaphore(%run_scoped3A : memref<!tpu.dma_semaphore, #tpu.memory_space<semaphore_mem>>) src(%dma_wait3A_40 : memref<160x128xi32, #tpu.memory_space<hbm>>) dst(%arg7 : memref<160x128xi32, #tpu.memory_space<vmem>>)
      tpu.yield
    }) : () -> ()
    %barrier3A = arith.constant 0 : index
    tpu.barrier barrier_id(%barrier3A)
    %scan3A_17 = arith.constant 0 : i32
    %scan3A_18 = arith.constant 0 : i32
    %scan3A_19 = arith.constant 160 : i32
    %scan3A_20 = arith.addi %scan3A_18, %scan3A_19 : i32
    %scan3A_21 = arith.constant 1 : i32
    %scan3A_22 = scf.for %scan3A_27 = %scan3A_18 to %scan3A_20 step %scan3A_21 iter_args(%scan3A_28 = %scan3A_17) -> (i32)  : i32 {
      %dma_start3A = arith.constant 0 : i32
      %dma_start3A_29 = tpu.memref_slice %arg6[%scan3A_27, %dma_start3A] : memref<160x128xi32, #tpu.memory_space<vmem>> -> memref<1x128xi32, #tpu.memory_space<vmem>>
      %dma_start3A_30 = tpu.memref_squeeze %dma_start3A_29 : memref<1x128xi32, #tpu.memory_space<vmem>> -> memref<128xi32, #tpu.memory_space<vmem>>
      %dma_start3A_31 = arith.constant 0 : i32
      %dma_start3A_32 = arith.constant 0 : i32
      %dma_start3A_33 = tpu.memref_slice %arg2[%dma_start3A_31, %dma_start3A_32] : memref<10000x128xf32, #tpu.memory_space<hbm>> -> memref<10000x128xf32, #tpu.memory_space<hbm>>
      tpu.enqueue_indirect_dma source(%dma_start3A_33 : memref<10000x128xf32, #tpu.memory_space<hbm>>) target(%arg8 : memref<128x128xf32, #tpu.memory_space<vmem>>) offsets(%dma_start3A_30 : memref<128xi32, #tpu.memory_space<vmem>>) semaphore(%arg11 : memref<!tpu.dma_semaphore, #tpu.memory_space<semaphore_mem>>)
      %dma_wait3A = arith.constant 0 : i32
      %dma_wait3A_34 = tpu.memref_slice %arg6[%scan3A_27, %dma_wait3A] : memref<160x128xi32, #tpu.memory_space<vmem>> -> memref<1x128xi32, #tpu.memory_space<vmem>>
      %dma_wait3A_35 = tpu.memref_squeeze %dma_wait3A_34 : memref<1x128xi32, #tpu.memory_space<vmem>> -> memref<128xi32, #tpu.memory_space<vmem>>
      %dma_wait3A_36 = arith.constant 0 : i32
      %dma_wait3A_37 = arith.constant 0 : i32
      %dma_wait3A_38 = tpu.memref_slice %arg2[%dma_wait3A_36, %dma_wait3A_37] : memref<10000x128xf32, #tpu.memory_space<hbm>> -> memref<10000x128xf32, #tpu.memory_space<hbm>>
      tpu.wait_indirect_dma semaphore(%arg11 : memref<!tpu.dma_semaphore, #tpu.memory_space<semaphore_mem>>) src(%dma_wait3A_38 : memref<10000x128xf32, #tpu.memory_space<hbm>>) dst(%arg8 : memref<128x128xf32, #tpu.memory_space<vmem>>)
      "tpu.region"() ({
        %run_scoped3A = tpu.sem_alloc : memref<!tpu.dma_semaphore, #tpu.memory_space<semaphore_mem>>
        %dma_start3A_40 = arith.constant 0 : i32
        %dma_start3A_41 = tpu.memref_slice %arg7[%scan3A_27, %dma_start3A_40] : memref<160x128xi32, #tpu.memory_space<vmem>> -> memref<1x128xi32, #tpu.memory_space<vmem>>
        %dma_start3A_42 = tpu.memref_squeeze %dma_start3A_41 : memref<1x128xi32, #tpu.memory_space<vmem>> -> memref<128xi32, #tpu.memory_space<vmem>>
        %dma_start3A_43 = arith.constant 0 : i32
        %dma_start3A_44 = arith.constant 0 : i32
        %dma_start3A_45 = tpu.memref_slice %arg10[%dma_start3A_43, %dma_start3A_44] : memref<5120x128xf32, #tpu.memory_space<vmem_shared>> -> memref<5120x128xf32, #tpu.memory_space<vmem_shared>>
        tpu.enqueue_indirect_dma source(%arg8 : memref<128x128xf32, #tpu.memory_space<vmem>>) target(%dma_start3A_45 : memref<5120x128xf32, #tpu.memory_space<vmem_shared>>) offsets(%dma_start3A_42 : memref<128xi32, #tpu.memory_space<vmem>>) semaphore(%run_scoped3A : memref<!tpu.dma_semaphore, #tpu.memory_space<semaphore_mem>>) {add = true}
        %dma_wait3A_46 = arith.constant 0 : i32
        %dma_wait3A_47 = tpu.memref_slice %arg7[%scan3A_27, %dma_wait3A_46] : memref<160x128xi32, #tpu.memory_space<vmem>> -> memref<1x128xi32, #tpu.memory_space<vmem>>
        %dma_wait3A_48 = tpu.memref_squeeze %dma_wait3A_47 : memref<1x128xi32, #tpu.memory_space<vmem>> -> memref<128xi32, #tpu.memory_space<vmem>>
        %dma_wait3A_49 = arith.constant 0 : i32
        %dma_wait3A_50 = arith.constant 0 : i32
        %dma_wait3A_51 = tpu.memref_slice %arg10[%dma_wait3A_49, %dma_wait3A_50] : memref<5120x128xf32, #tpu.memory_space<vmem_shared>> -> memref<5120x128xf32, #tpu.memory_space<vmem_shared>>
        tpu.wait_indirect_dma semaphore(%run_scoped3A : memref<!tpu.dma_semaphore, #tpu.memory_space<semaphore_mem>>) src(%arg8 : memref<128x128xf32, #tpu.memory_space<vmem>>) dst(%dma_wait3A_51 : memref<5120x128xf32, #tpu.memory_space<vmem_shared>>)
        tpu.yield
      }) : () -> ()
      %scan3A_39 = arith.constant 0 : i32
      scf.yield %scan3A_39 : i32
    }
    %scan3A_23 = arith.constant 160 : i32
    %barrier3A_24 = arith.constant 0 : index
    tpu.barrier barrier_id(%barrier3A_24)
    %mul3A_25 = arith.constant 320 : i32
    %mul3A_26 = arith.muli %arg1, %mul3A_25 : i32
    "tpu.region"() ({
      %run_scoped3A = tpu.sem_alloc : memref<!tpu.dma_semaphore, #tpu.memory_space<semaphore_mem>>
      %dma_start3A = arith.constant 0 : i32
      %dma_start3A_27 = tpu.memref_slice %arg5[%arg0, %mul3A_26, %dma_start3A] : memref<2x5120x128xf32, #tpu.memory_space<hbm>> -> memref<1x320x128xf32, #tpu.memory_space<hbm>>
      %dma_start3A_28 = tpu.memref_squeeze %dma_start3A_27 : memref<1x320x128xf32, #tpu.memory_space<hbm>> -> memref<320x128xf32, #tpu.memory_space<hbm>>
      %dma_start3A_29 = arith.constant 0 : i32
      %dma_start3A_30 = tpu.memref_slice %arg10[%mul3A_26, %dma_start3A_29] : memref<5120x128xf32, #tpu.memory_space<vmem_shared>> -> memref<320x128xf32, #tpu.memory_space<vmem_shared>>
      tpu.enqueue_dma source(%dma_start3A_30 : memref<320x128xf32, #tpu.memory_space<vmem_shared>>) target(%dma_start3A_28 : memref<320x128xf32, #tpu.memory_space<hbm>>) target_semaphore(%run_scoped3A : memref<!tpu.dma_semaphore, #tpu.memory_space<semaphore_mem>>)
      %dma_wait3A = arith.constant 0 : i32
      %dma_wait3A_31 = tpu.memref_slice %arg5[%arg0, %mul3A_26, %dma_wait3A] : memref<2x5120x128xf32, #tpu.memory_space<hbm>> -> memref<1x320x128xf32, #tpu.memory_space<hbm>>
      %dma_wait3A_32 = tpu.memref_squeeze %dma_wait3A_31 : memref<1x320x128xf32, #tpu.memory_space<hbm>> -> memref<320x128xf32, #tpu.memory_space<hbm>>
      %dma_wait3A_33 = arith.constant 0 : i32
      %dma_wait3A_34 = tpu.memref_slice %arg10[%mul3A_26, %dma_wait3A_33] : memref<5120x128xf32, #tpu.memory_space<vmem_shared>> -> memref<320x128xf32, #tpu.memory_space<vmem_shared>>
      tpu.wait_dma2 semaphore(%run_scoped3A : memref<!tpu.dma_semaphore, #tpu.memory_space<semaphore_mem>>) src(%dma_wait3A_34 : memref<320x128xf32, #tpu.memory_space<vmem_shared>>) dst(%dma_wait3A_32 : memref<320x128xf32, #tpu.memory_space<hbm>>)
      tpu.yield
    }) : () -> ()
    return
  }
}

module attributes {stable_mosaic.version = 14 : i64} {
  func.func @_tc0_body(%arg0: i32, %arg1: memref<1x1x1000xf32, #tpu.memory_space<vmem>>, %arg2: memref<1000x128xf32, #tpu.memory_space<vmem>>, %arg3: memref<128x128xf32, #tpu.memory_space<vmem>>, %arg4: memref<1000x128xf32, #tpu.memory_space<vmem>>) attributes {dimension_semantics = [#tpu.dimension_semantics<arbitrary>], iteration_bounds = array<i64: 10>, scalar_prefetch = 0 : i64, scratch_operands = 0 : i64, tpu.core_type = #tpu.core_type<tc>, window_params = [{transform_indices = @transform_0, window_bounds = array<i64: 1, 1, 1000>}, {transform_indices = @transform_1, window_bounds = array<i64: 1000, 128>}, {pipeline_mode = #tpu.pipeline_mode<synchronous>, transform_indices = @transform_2, window_bounds = array<i64: 128, 128>}, {transform_indices = @transform_3, window_bounds = array<i64: 1000, 128>}]} {
    %get3A = arith.constant 0 : index
    %get3A_0 = arith.constant 0 : index
    %get3A_1 = vector.load %arg2[%get3A, %get3A_0] : memref<1000x128xf32, #tpu.memory_space<vmem>>, vector<1000x128xf32>
    %get3A_2 = arith.constant 0 : index
    %get3A_3 = arith.constant 0 : index
    %get3A_4 = vector.load %arg3[%get3A_2, %get3A_3] : memref<128x128xf32, #tpu.memory_space<vmem>>, vector<128x128xf32>
    %dot_general3A = arith.constant dense<0.000000e+00> : vector<1000x128xf32>
    %dot_general3A_5 = tpu.matmul %get3A_1, %get3A_4, %dot_general3A {dimension_numbers = #tpu.dot_dimension_numbers<[1], [0], [0], [1], [0, 0, 1, 1], [], []>, transpose_lhs_hint = false} : vector<1000x128xf32>, vector<128x128xf32>, vector<1000x128xf32> -> vector<1000x128xf32>
    %get3A_6 = arith.constant 0 : index
    %get3A_7 = arith.constant 0 : index
    %get3A_8 = arith.constant 0 : index
    %get3A_9 = vector.load %arg1[%get3A_6, %get3A_7, %get3A_8] : memref<1x1x1000xf32, #tpu.memory_space<vmem>>, vector<1x1x1000xf32>
    %get3A_10 = vector.shape_cast %get3A_9 : vector<1x1x1000xf32> to vector<1000xf32>
    %broadcast_in_dim3A = vector.shape_cast %get3A_10 : vector<1000xf32> to vector<1000x1xf32>
    %mul3A = vector.broadcast %broadcast_in_dim3A : vector<1000x1xf32> to vector<1000x128xf32>
    %mul3A_11 = arith.mulf %mul3A, %dot_general3A_5 : vector<1000x128xf32>
    %swap3A = arith.constant 0 : index
    %swap3A_12 = arith.constant 0 : index
    %swap3A_13 = vector.load %arg4[%swap3A, %swap3A_12] : memref<1000x128xf32, #tpu.memory_space<vmem>>, vector<1000x128xf32>
    tpu.vector_store %arg4[%swap3A, %swap3A_12], %mul3A_11 {strides = array<i32>} : memref<1000x128xf32, #tpu.memory_space<vmem>>, vector<1000x128xf32>,
    return
  }
  func.func @transform_0(%arg0: i32) -> (i32, i32, i32) {
    %c0_i32 = arith.constant 0 : i32
    %c0_i32_0 = arith.constant 0 : i32
    %c0_i32_1 = arith.constant 0 : i32
    return %arg0, %c0_i32, %c0_i32_0 : i32, i32, i32
  }
  func.func @transform_1(%arg0: i32) -> (i32, i32) {
    %c0_i32 = arith.constant 0 : i32
    %c0_i32_0 = arith.constant 0 : i32
    return %arg0, %c0_i32 : i32, i32
  }
  func.func @transform_2(%arg0: i32) -> (i32, i32) {
    %c0_i32 = arith.constant 0 : i32
    %c0_i32_0 = arith.constant 0 : i32
    %c0_i32_1 = arith.constant 0 : i32
    return %c0_i32, %c0_i32_0 : i32, i32
  }
  func.func @transform_3(%arg0: i32) -> (i32, i32) {
    %c0_i32 = arith.constant 0 : i32
    %c0_i32_0 = arith.constant 0 : i32
    return %arg0, %c0_i32 : i32, i32
  }
}

module attributes {stable_mosaic.version = 14 : i64} {
  func.func @_tcprep_body(%arg0: i32, %arg1: memref<1x1000x128xf32, #tpu.memory_space<vmem>>, %arg2: memref<1x1x1000xf32, #tpu.memory_space<vmem>>) attributes {dimension_semantics = [#tpu.dimension_semantics<arbitrary>], iteration_bounds = array<i64: 10>, scalar_prefetch = 0 : i64, scratch_operands = 0 : i64, tpu.core_type = #tpu.core_type<tc>, window_params = [{transform_indices = @transform_0, window_bounds = array<i64: 1, 1000, 128>}, {transform_indices = @transform_1, window_bounds = array<i64: 1, 1, 1000>}]} {
    %get3A = arith.constant 0 : index
    %get3A_0 = arith.constant 0 : index
    %get3A_1 = arith.constant 0 : index
    %get3A_2 = vector.load %arg1[%get3A, %get3A_0, %get3A_1] : memref<1x1000x128xf32, #tpu.memory_space<vmem>>, vector<1x1000x1xf32>
    %get3A_3 = vector.shape_cast %get3A_2 : vector<1x1000x1xf32> to vector<1000xf32>
    %add3A = arith.constant 2.000000e+00 : f32
    %add3A_4 = vector.broadcast %add3A : f32 to vector<1000xf32>
    %add3A_5 = arith.addf %get3A_3, %add3A_4 : vector<1000xf32>
    %rsqrt3A = math.rsqrt %add3A_5 : vector<1000xf32>
    %swap3A = arith.constant 0 : index
    %swap3A_6 = arith.constant 0 : index
    %swap3A_7 = arith.constant 0 : index
    %swap3A_8 = vector.load %arg2[%swap3A, %swap3A_6, %swap3A_7] : memref<1x1x1000xf32, #tpu.memory_space<vmem>>, vector<1x1x1000xf32>
    %swap3A_9 = vector.shape_cast %swap3A_8 : vector<1x1x1000xf32> to vector<1000xf32>
    %swap3A_10 = vector.shape_cast %rsqrt3A : vector<1000xf32> to vector<1x1x1000xf32>
    tpu.vector_store %arg2[%swap3A, %swap3A_6, %swap3A_7], %swap3A_10 {strides = array<i32>} : memref<1x1x1000xf32, #tpu.memory_space<vmem>>, vector<1x1x1000xf32>,
    return
  }
  func.func @transform_0(%arg0: i32) -> (i32, i32, i32) {
    %jit3A = arith.constant 5 : i32
    %div3A = arith.divsi %arg0, %jit3A : i32
    %sign3A = arith.constant 0 : i32
    %sign3A_0 = arith.cmpi sgt, %arg0, %sign3A : i32
    %sign3A_1 = arith.extui %sign3A_0 : i1 to i32
    %sign3A_2 = arith.constant 0 : i32
    %sign3A_3 = arith.cmpi slt, %arg0, %sign3A_2 : i32
    %sign3A_4 = arith.extui %sign3A_3 : i1 to i32
    %sign3A_5 = arith.subi %sign3A_1, %sign3A_4 : i32
    %sign3A_6 = arith.constant 0 : i32
    %sign3A_7 = arith.cmpi sgt, %jit3A, %sign3A_6 : i32
    %sign3A_8 = arith.extui %sign3A_7 : i1 to i32
    %sign3A_9 = arith.constant 0 : i32
    %sign3A_10 = arith.cmpi slt, %jit3A, %sign3A_9 : i32
    %sign3A_11 = arith.extui %sign3A_10 : i1 to i32
    %sign3A_12 = arith.subi %sign3A_8, %sign3A_11 : i32
    %ne3A = arith.cmpi ne, %sign3A_5, %sign3A_12 : i32
    %rem3A = arith.remsi %arg0, %jit3A : i32
    %ne3A_13 = arith.constant 0 : i32
    %ne3A_14 = arith.cmpi ne, %rem3A, %ne3A_13 : i32
    %and3A = arith.andi %ne3A, %ne3A_14 : i1
    %sub3A = arith.constant 1 : i32
    %sub3A_15 = arith.subi %div3A, %sub3A : i32
    %select_n3A = arith.select %and3A, %sub3A_15, %div3A : i32
    %jit3A_16 = arith.constant 5 : i32
    %eq3A = arith.constant 0 : i32
    %eq3A_17 = arith.cmpi eq, %jit3A_16, %eq3A : i32
    %jit3A_18 = arith.constant 1 : i32
    %select_n3A_19 = arith.select %eq3A_17, %jit3A_18, %jit3A_16 : i32
    %rem3A_20 = arith.remsi %arg0, %select_n3A_19 : i32
    %ne3A_21 = arith.constant 0 : i32
    %ne3A_22 = arith.cmpi ne, %rem3A_20, %ne3A_21 : i32
    %lt3A = arith.constant 0 : i32
    %lt3A_23 = arith.cmpi slt, %rem3A_20, %lt3A : i32
    %lt3A_24 = arith.constant 0 : i32
    %lt3A_25 = arith.cmpi slt, %select_n3A_19, %lt3A_24 : i32
    %ne3A_26 = arith.xori %lt3A_23, %lt3A_25 : i1
    %and3A_27 = arith.andi %ne3A_26, %ne3A_22 : i1
    %add3A = arith.addi %rem3A_20, %select_n3A_19 : i32
    %select_n3A_28 = arith.select %and3A_27, %add3A, %rem3A_20 : i32
    %c0_i32 = arith.constant 0 : i32
    %c0_i32_29 = arith.constant 0 : i32
    return %select_n3A, %select_n3A_28, %c0_i32 : i32, i32, i32
  }
  func.func @transform_1(%arg0: i32) -> (i32, i32, i32) {
    %c0_i32 = arith.constant 0 : i32
    %c0_i32_0 = arith.constant 0 : i32
    %c0_i32_1 = arith.constant 0 : i32
    return %arg0, %c0_i32, %c0_i32_0 : i32, i32, i32
  }
}

module attributes {stable_mosaic.version = 14 : i64} {
  func.func @_tcmid_body(%arg0: i32, %arg1: memref<1x1x1000xf32, #tpu.memory_space<vmem>>, %arg2: memref<1x1000x128xf32, #tpu.memory_space<vmem>>, %arg3: memref<1000x128xf32, #tpu.memory_space<vmem>>, %arg4: memref<128x128xf32, #tpu.memory_space<vmem>>, %arg5: memref<128xf32, #tpu.memory_space<vmem>>, %arg6: memref<1000x128xf32, #tpu.memory_space<vmem>>) attributes {dimension_semantics = [#tpu.dimension_semantics<arbitrary>], iteration_bounds = array<i64: 10>, scalar_prefetch = 0 : i64, scratch_operands = 0 : i64, tpu.core_type = #tpu.core_type<tc>, window_params = [{transform_indices = @transform_0, window_bounds = array<i64: 1, 1, 1000>}, {transform_indices = @transform_1, window_bounds = array<i64: 1, 1000, 128>}, {transform_indices = @transform_2, window_bounds = array<i64: 1000, 128>}, {pipeline_mode = #tpu.pipeline_mode<synchronous>, transform_indices = @transform_3, window_bounds = array<i64: 128, 128>}, {pipeline_mode = #tpu.pipeline_mode<synchronous>, transform_indices = @transform_4, window_bounds = array<i64: 128>}, {transform_indices = @transform_5, window_bounds = array<i64: 1000, 128>}]} {
    %get3A = arith.constant 0 : index
    %get3A_0 = arith.constant 0 : index
    %get3A_1 = arith.constant 0 : index
    %get3A_2 = vector.load %arg1[%get3A, %get3A_0, %get3A_1] : memref<1x1x1000xf32, #tpu.memory_space<vmem>>, vector<1x1x1000xf32>
    %get3A_3 = vector.shape_cast %get3A_2 : vector<1x1x1000xf32> to vector<1000xf32>
    %get3A_4 = arith.constant 0 : index
    %get3A_5 = arith.constant 0 : index
    %get3A_6 = arith.constant 0 : index
    %get3A_7 = vector.load %arg2[%get3A_4, %get3A_5, %get3A_6] : memref<1x1000x128xf32, #tpu.memory_space<vmem>>, vector<1x1000x128xf32>
    %get3A_8 = vector.shape_cast %get3A_7 : vector<1x1000x128xf32> to vector<1000x128xf32>
    %get3A_9 = arith.constant 0 : index
    %get3A_10 = arith.constant 0 : index
    %get3A_11 = vector.load %arg3[%get3A_9, %get3A_10] : memref<1000x128xf32, #tpu.memory_space<vmem>>, vector<1000x128xf32>
    %mul3A = arith.constant 2.000000e+00 : f32
    %mul3A_12 = vector.broadcast %mul3A : f32 to vector<1000x128xf32>
    %mul3A_13 = arith.mulf %mul3A_12, %get3A_11 : vector<1000x128xf32>
    %add3A = arith.addf %get3A_8, %mul3A_13 : vector<1000x128xf32>
    %broadcast_in_dim3A = vector.shape_cast %get3A_3 : vector<1000xf32> to vector<1000x1xf32>
    %mul3A_14 = vector.broadcast %broadcast_in_dim3A : vector<1000x1xf32> to vector<1000x128xf32>
    %mul3A_15 = arith.mulf %mul3A_14, %add3A : vector<1000x128xf32>
    %get3A_16 = arith.constant 0 : index
    %get3A_17 = vector.load %arg5[%get3A_16] : memref<128xf32, #tpu.memory_space<vmem>>, vector<128xf32>
    %broadcast_in_dim3A_18 = vector.shape_cast %get3A_17 : vector<128xf32> to vector<1x128xf32>
    %add3A_19 = vector.broadcast %broadcast_in_dim3A_18 : vector<1x128xf32> to vector<1000x128xf32>
    %add3A_20 = arith.addf %mul3A_15, %add3A_19 : vector<1000x128xf32>
    %gt3A = arith.constant 0.000000e+00 : f32
    %gt3A_21 = vector.broadcast %gt3A : f32 to vector<1000x128xf32>
    %gt3A_22 = arith.cmpf ogt, %add3A_20, %gt3A_21 : vector<1000x128xf32>
    %mul3A_23 = arith.constant 0.00999999977 : f32
    %mul3A_24 = vector.broadcast %mul3A_23 : f32 to vector<1000x128xf32>
    %mul3A_25 = arith.mulf %mul3A_24, %add3A_20 : vector<1000x128xf32>
    %select_n3A = arith.select %gt3A_22, %add3A_20, %mul3A_25 : vector<1000x128xi1>, vector<1000x128xf32>
    %broadcast_in_dim3A_26 = vector.shape_cast %get3A_3 : vector<1000xf32> to vector<1000x1xf32>
    %get3A_27 = arith.constant 0 : index
    %get3A_28 = arith.constant 0 : index
    %get3A_29 = vector.load %arg4[%get3A_27, %get3A_28] : memref<128x128xf32, #tpu.memory_space<vmem>>, vector<128x128xf32>
    %dot_general3A = arith.constant dense<0.000000e+00> : vector<1000x128xf32>
    %dot_general3A_30 = tpu.matmul %select_n3A, %get3A_29, %dot_general3A {dimension_numbers = #tpu.dot_dimension_numbers<[1], [0], [0], [1], [0, 0, 1, 1], [], []>, transpose_lhs_hint = false} : vector<1000x128xf32>, vector<128x128xf32>, vector<1000x128xf32> -> vector<1000x128xf32>
    %mul3A_31 = vector.broadcast %broadcast_in_dim3A_26 : vector<1000x1xf32> to vector<1000x128xf32>
    %mul3A_32 = arith.mulf %mul3A_31, %dot_general3A_30 : vector<1000x128xf32>
    %swap3A = arith.constant 0 : index
    %swap3A_33 = arith.constant 0 : index
    %swap3A_34 = vector.load %arg6[%swap3A, %swap3A_33] : memref<1000x128xf32, #tpu.memory_space<vmem>>, vector<1000x128xf32>
    tpu.vector_store %arg6[%swap3A, %swap3A_33], %mul3A_32 {strides = array<i32>} : memref<1000x128xf32, #tpu.memory_space<vmem>>, vector<1000x128xf32>,
    return
  }
  func.func @transform_0(%arg0: i32) -> (i32, i32, i32) {
    %c0_i32 = arith.constant 0 : i32
    %c0_i32_0 = arith.constant 0 : i32
    %c0_i32_1 = arith.constant 0 : i32
    return %arg0, %c0_i32, %c0_i32_0 : i32, i32, i32
  }
  func.func @transform_1(%arg0: i32) -> (i32, i32, i32) {
    %jit3A = arith.constant 5 : i32
    %div3A = arith.divsi %arg0, %jit3A : i32
    %sign3A = arith.constant 0 : i32
    %sign3A_0 = arith.cmpi sgt, %arg0, %sign3A : i32
    %sign3A_1 = arith.extui %sign3A_0 : i1 to i32
    %sign3A_2 = arith.constant 0 : i32
    %sign3A_3 = arith.cmpi slt, %arg0, %sign3A_2 : i32
    %sign3A_4 = arith.extui %sign3A_3 : i1 to i32
    %sign3A_5 = arith.subi %sign3A_1, %sign3A_4 : i32
    %sign3A_6 = arith.constant 0 : i32
    %sign3A_7 = arith.cmpi sgt, %jit3A, %sign3A_6 : i32
    %sign3A_8 = arith.extui %sign3A_7 : i1 to i32
    %sign3A_9 = arith.constant 0 : i32
    %sign3A_10 = arith.cmpi slt, %jit3A, %sign3A_9 : i32
    %sign3A_11 = arith.extui %sign3A_10 : i1 to i32
    %sign3A_12 = arith.subi %sign3A_8, %sign3A_11 : i32
    %ne3A = arith.cmpi ne, %sign3A_5, %sign3A_12 : i32
    %rem3A = arith.remsi %arg0, %jit3A : i32
    %ne3A_13 = arith.constant 0 : i32
    %ne3A_14 = arith.cmpi ne, %rem3A, %ne3A_13 : i32
    %and3A = arith.andi %ne3A, %ne3A_14 : i1
    %sub3A = arith.constant 1 : i32
    %sub3A_15 = arith.subi %div3A, %sub3A : i32
    %select_n3A = arith.select %and3A, %sub3A_15, %div3A : i32
    %jit3A_16 = arith.constant 5 : i32
    %eq3A = arith.constant 0 : i32
    %eq3A_17 = arith.cmpi eq, %jit3A_16, %eq3A : i32
    %jit3A_18 = arith.constant 1 : i32
    %select_n3A_19 = arith.select %eq3A_17, %jit3A_18, %jit3A_16 : i32
    %rem3A_20 = arith.remsi %arg0, %select_n3A_19 : i32
    %ne3A_21 = arith.constant 0 : i32
    %ne3A_22 = arith.cmpi ne, %rem3A_20, %ne3A_21 : i32
    %lt3A = arith.constant 0 : i32
    %lt3A_23 = arith.cmpi slt, %rem3A_20, %lt3A : i32
    %lt3A_24 = arith.constant 0 : i32
    %lt3A_25 = arith.cmpi slt, %select_n3A_19, %lt3A_24 : i32
    %ne3A_26 = arith.xori %lt3A_23, %lt3A_25 : i1
    %and3A_27 = arith.andi %ne3A_26, %ne3A_22 : i1
    %add3A = arith.addi %rem3A_20, %select_n3A_19 : i32
    %select_n3A_28 = arith.select %and3A_27, %add3A, %rem3A_20 : i32
    %c0_i32 = arith.constant 0 : i32
    %c0_i32_29 = arith.constant 0 : i32
    return %select_n3A, %select_n3A_28, %c0_i32 : i32, i32, i32
  }
  func.func @transform_2(%arg0: i32) -> (i32, i32) {
    %c0_i32 = arith.constant 0 : i32
    %c0_i32_0 = arith.constant 0 : i32
    return %arg0, %c0_i32 : i32, i32
  }
  func.func @transform_3(%arg0: i32) -> (i32, i32) {
    %c0_i32 = arith.constant 0 : i32
    %c0_i32_0 = arith.constant 0 : i32
    %c0_i32_1 = arith.constant 0 : i32
    return %c0_i32, %c0_i32_0 : i32, i32
  }
  func.func @transform_4(%arg0: i32) -> i32 {
    %c0_i32 = arith.constant 0 : i32
    %c0_i32_0 = arith.constant 0 : i32
    return %c0_i32 : i32
  }
  func.func @transform_5(%arg0: i32) -> (i32, i32) {
    %c0_i32 = arith.constant 0 : i32
    %c0_i32_0 = arith.constant 0 : i32
    return %arg0, %c0_i32 : i32, i32
  }
}

module attributes {stable_mosaic.version = 14 : i64} {
  func.func @_tcfin_body(%arg0: i32, %arg1: memref<1x1x1000xf32, #tpu.memory_space<vmem>>, %arg2: memref<1x1000x128xf32, #tpu.memory_space<vmem>>, %arg3: memref<1000x128xf32, #tpu.memory_space<vmem>>, %arg4: memref<128xf32, #tpu.memory_space<vmem>>, %arg5: memref<1000x128xf32, #tpu.memory_space<vmem>>) attributes {dimension_semantics = [#tpu.dimension_semantics<arbitrary>], iteration_bounds = array<i64: 10>, scalar_prefetch = 0 : i64, scratch_operands = 0 : i64, tpu.core_type = #tpu.core_type<tc>, window_params = [{transform_indices = @transform_0, window_bounds = array<i64: 1, 1, 1000>}, {transform_indices = @transform_1, window_bounds = array<i64: 1, 1000, 128>}, {transform_indices = @transform_2, window_bounds = array<i64: 1000, 128>}, {pipeline_mode = #tpu.pipeline_mode<synchronous>, transform_indices = @transform_3, window_bounds = array<i64: 128>}, {transform_indices = @transform_4, window_bounds = array<i64: 1000, 128>}]} {
    %get3A = arith.constant 0 : index
    %get3A_0 = arith.constant 0 : index
    %get3A_1 = arith.constant 0 : index
    %get3A_2 = vector.load %arg1[%get3A, %get3A_0, %get3A_1] : memref<1x1x1000xf32, #tpu.memory_space<vmem>>, vector<1x1x1000xf32>
    %get3A_3 = vector.shape_cast %get3A_2 : vector<1x1x1000xf32> to vector<1000xf32>
    %get3A_4 = arith.constant 0 : index
    %get3A_5 = arith.constant 0 : index
    %get3A_6 = arith.constant 0 : index
    %get3A_7 = vector.load %arg2[%get3A_4, %get3A_5, %get3A_6] : memref<1x1000x128xf32, #tpu.memory_space<vmem>>, vector<1x1000x128xf32>
    %get3A_8 = vector.shape_cast %get3A_7 : vector<1x1000x128xf32> to vector<1000x128xf32>
    %get3A_9 = arith.constant 0 : index
    %get3A_10 = arith.constant 0 : index
    %get3A_11 = vector.load %arg3[%get3A_9, %get3A_10] : memref<1000x128xf32, #tpu.memory_space<vmem>>, vector<1000x128xf32>
    %mul3A = arith.constant 2.000000e+00 : f32
    %mul3A_12 = vector.broadcast %mul3A : f32 to vector<1000x128xf32>
    %mul3A_13 = arith.mulf %mul3A_12, %get3A_11 : vector<1000x128xf32>
    %add3A = arith.addf %get3A_8, %mul3A_13 : vector<1000x128xf32>
    %broadcast_in_dim3A = vector.shape_cast %get3A_3 : vector<1000xf32> to vector<1000x1xf32>
    %mul3A_14 = vector.broadcast %broadcast_in_dim3A : vector<1000x1xf32> to vector<1000x128xf32>
    %mul3A_15 = arith.mulf %mul3A_14, %add3A : vector<1000x128xf32>
    %get3A_16 = arith.constant 0 : index
    %get3A_17 = vector.load %arg4[%get3A_16] : memref<128xf32, #tpu.memory_space<vmem>>, vector<128xf32>
    %broadcast_in_dim3A_18 = vector.shape_cast %get3A_17 : vector<128xf32> to vector<1x128xf32>
    %add3A_19 = vector.broadcast %broadcast_in_dim3A_18 : vector<1x128xf32> to vector<1000x128xf32>
    %add3A_20 = arith.addf %mul3A_15, %add3A_19 : vector<1000x128xf32>
    %gt3A = arith.constant 0.000000e+00 : f32
    %gt3A_21 = vector.broadcast %gt3A : f32 to vector<1000x128xf32>
    %gt3A_22 = arith.cmpf ogt, %add3A_20, %gt3A_21 : vector<1000x128xf32>
    %mul3A_23 = arith.constant 0.00999999977 : f32
    %mul3A_24 = vector.broadcast %mul3A_23 : f32 to vector<1000x128xf32>
    %mul3A_25 = arith.mulf %mul3A_24, %add3A_20 : vector<1000x128xf32>
    %select_n3A = arith.select %gt3A_22, %add3A_20, %mul3A_25 : vector<1000x128xi1>, vector<1000x128xf32>
    %swap3A = arith.constant 0 : index
    %swap3A_26 = arith.constant 0 : index
    %swap3A_27 = vector.load %arg5[%swap3A, %swap3A_26] : memref<1000x128xf32, #tpu.memory_space<vmem>>, vector<1000x128xf32>
    tpu.vector_store %arg5[%swap3A, %swap3A_26], %select_n3A {strides = array<i32>} : memref<1000x128xf32, #tpu.memory_space<vmem>>, vector<1000x128xf32>,
    return
  }
  func.func @transform_0(%arg0: i32) -> (i32, i32, i32) {
    %c0_i32 = arith.constant 0 : i32
    %c0_i32_0 = arith.constant 0 : i32
    %c0_i32_1 = arith.constant 0 : i32
    return %arg0, %c0_i32, %c0_i32_0 : i32, i32, i32
  }
  func.func @transform_1(%arg0: i32) -> (i32, i32, i32) {
    %jit3A = arith.constant 5 : i32
    %div3A = arith.divsi %arg0, %jit3A : i32
    %sign3A = arith.constant 0 : i32
    %sign3A_0 = arith.cmpi sgt, %arg0, %sign3A : i32
    %sign3A_1 = arith.extui %sign3A_0 : i1 to i32
    %sign3A_2 = arith.constant 0 : i32
    %sign3A_3 = arith.cmpi slt, %arg0, %sign3A_2 : i32
    %sign3A_4 = arith.extui %sign3A_3 : i1 to i32
    %sign3A_5 = arith.subi %sign3A_1, %sign3A_4 : i32
    %sign3A_6 = arith.constant 0 : i32
    %sign3A_7 = arith.cmpi sgt, %jit3A, %sign3A_6 : i32
    %sign3A_8 = arith.extui %sign3A_7 : i1 to i32
    %sign3A_9 = arith.constant 0 : i32
    %sign3A_10 = arith.cmpi slt, %jit3A, %sign3A_9 : i32
    %sign3A_11 = arith.extui %sign3A_10 : i1 to i32
    %sign3A_12 = arith.subi %sign3A_8, %sign3A_11 : i32
    %ne3A = arith.cmpi ne, %sign3A_5, %sign3A_12 : i32
    %rem3A = arith.remsi %arg0, %jit3A : i32
    %ne3A_13 = arith.constant 0 : i32
    %ne3A_14 = arith.cmpi ne, %rem3A, %ne3A_13 : i32
    %and3A = arith.andi %ne3A, %ne3A_14 : i1
    %sub3A = arith.constant 1 : i32
    %sub3A_15 = arith.subi %div3A, %sub3A : i32
    %select_n3A = arith.select %and3A, %sub3A_15, %div3A : i32
    %jit3A_16 = arith.constant 5 : i32
    %eq3A = arith.constant 0 : i32
    %eq3A_17 = arith.cmpi eq, %jit3A_16, %eq3A : i32
    %jit3A_18 = arith.constant 1 : i32
    %select_n3A_19 = arith.select %eq3A_17, %jit3A_18, %jit3A_16 : i32
    %rem3A_20 = arith.remsi %arg0, %select_n3A_19 : i32
    %ne3A_21 = arith.constant 0 : i32
    %ne3A_22 = arith.cmpi ne, %rem3A_20, %ne3A_21 : i32
    %lt3A = arith.constant 0 : i32
    %lt3A_23 = arith.cmpi slt, %rem3A_20, %lt3A : i32
    %lt3A_24 = arith.constant 0 : i32
    %lt3A_25 = arith.cmpi slt, %select_n3A_19, %lt3A_24 : i32
    %ne3A_26 = arith.xori %lt3A_23, %lt3A_25 : i1
    %and3A_27 = arith.andi %ne3A_26, %ne3A_22 : i1
    %add3A = arith.addi %rem3A_20, %select_n3A_19 : i32
    %select_n3A_28 = arith.select %and3A_27, %add3A, %rem3A_20 : i32
    %c0_i32 = arith.constant 0 : i32
    %c0_i32_29 = arith.constant 0 : i32
    return %select_n3A, %select_n3A_28, %c0_i32 : i32, i32, i32
  }
  func.func @transform_2(%arg0: i32) -> (i32, i32) {
    %c0_i32 = arith.constant 0 : i32
    %c0_i32_0 = arith.constant 0 : i32
    return %arg0, %c0_i32 : i32, i32
  }
  func.func @transform_3(%arg0: i32) -> i32 {
    %c0_i32 = arith.constant 0 : i32
    %c0_i32_0 = arith.constant 0 : i32
    return %c0_i32 : i32
  }
  func.func @transform_4(%arg0: i32) -> (i32, i32) {
    %c0_i32 = arith.constant 0 : i32
    %c0_i32_0 = arith.constant 0 : i32
    return %arg0, %c0_i32 : i32, i32
  }
}

</mosaic_0001>

<sc_bundles>
// kernel: kernel.11.cloned.1.call-start
scs
__scs_entry_jumppad:
0x0: {  	(pc) =	sbr.rel $0x88, $3  }
0x1: {  	(tag) =	ssettag $0x0;
	lr =	simm.s32 $0x1  }
0x2: {  	[smem:$0x3F99] =	sst lr;
	_ =	strace $0xD0000000  }
0x3: {  	_ = 	snop  }
0x4: {  	_ = 	snop  }
0x5: {  	_ = 	snop  }
0x6: {  	_ = 	snop  }
0x7: {  	_ = 	snop  }
__scs_overlays_trampoline_lowered:
0x8: {  	[smem:$0x3FA8] =	sst s0  }
0x9: {  	[smem:$0x3FA9] =	sst s1  }
0xa: {  	[smem:$0x3FAA] =	sst s2  }
0xb: {  	[smem:$0x3FAB] =	sst s3  }
0xc: {  	[smem:$0x3FAC] =	sst s4  }
0xd: {  	[smem:$0x3FAD] =	sst s5  }
0xe: {  	[smem:$0x3FAE] =	sst s6  }
0xf: {  	[smem:$0x3FAF] =	sst s7  }
0x10: {  	[smem:$0x3FB0] =	sst s8  }
0x11: {  	[smem:$0x3FB1] =	sst s9;
	s0 =	simm.s32 @!p0 $0x0  }
0x12: {  	s1 =	sld [smem:$0x3F97];
	s0 =	simm.s32 @p0 $0x1  }
0x13: {  	[smem:$0x3FB2] =	sst s0;
	s0 =	simm.s32 @!p1 $0x0  }
0x14: {  	s2 =	sld [smem:$0x3F96];
	s0 =	simm.s32 @p1 $0x1  }
0x15: {  	[smem:$0x3FB3] =	sst s0;
	s0 =	simm.s32 @!p2 $0x0  }
0x16: {  	s3 =	sld [smem:$0x3FDB];
	s0 =	simm.s32 @p2 $0x1  }
0x17: {  	s4 =	simm.s32 $0x1BF5;
	[smem:$0x3FB5] =	sst s0  }
0x18: {  	s0 =	sld [smem:$0x3F98];
	_ =	swait.ge [sflag:s4], $0x0  }
0x19: {  	s7 =	sld [smem:$0x3F99]  }
0x1a: {  	s8 =	sadd.s32 $0xFFFFE003, lr  }
0x1b: {  	s9 =	sadd.s32 $0xFFFFFEF7, lr;
	s5 =	simm.s32 $0xFFFFFFFF;
	p2 =	slt.u32 s8, $0xFFFFF086  }
0x1c: {  	p1 =	slt.u32 s9, $0xF7A;
	s5 =	simm.s32 @!p2 $0x0  }
0x1d: {  	s5 =	simm.s32 @p1 $0x1;
	p0 =	seq.s32 s7, s2  }
0x1e: {  	s7 =	smul.u32 @!p0 $0xF7A, s2;
	p2 =	seq.s32 @!p0 s5, $0x0  }
0x1f: {  	s9 =	smul.u32 $0xF7A, s1;
	s8 =	simm.s32 @!p0 $0x1BF5;
	p2 =	por !p2, p0  }
0x20: {  	[sflag:s8] =	ssyncset.s32 @!p0 $0xFFFFF086;
	s6 =	sadd.s32 @!p0 s3, s7;
	s7 =	simm.s32 @!p0 $0x108  }
0x21: {  	s3 =	sadd.s32 s3, s9;
	s6 =	sadd.s32 @!p0 $0x88, s6;
	s7 =	simm.s32 @p2 $0x1082  }
0x22: {  	[simem:s7], [sflag:s8] =	dma.local @!p0 [hbm:s6], $0xF7A  }
0x23: {  	s9 =	sor.u32 $0xD0000000, s2;
	s6 =	simm.s32 $0x108;
	_ =	swait.ge @!p0 [sflag:s8], $0x0  }
0x24: {  	s3 =	sadd.s32 $0x88, s3;
	s6 =	simm.s32 @!p1 $0x1082;
	[sflag:s4] =	ssyncset.s32 $0xFFFFF086  }
0x25: {  	[simem:s6], [sflag:s4] =	dma.local [hbm:s3], $0xF7A  }
0x26: {  	[smem:$0x3F99] =	sst s1;
	(tag) =	ssettag s2;
	_ =	strace s9  }
0x27: {  	s1 =	sld [smem:$0x3FA9]  }
0x28: {  	s2 =	sld [smem:$0x3FAA]  }
0x29: {  	s4 =	sld [smem:$0x3FAC]  }
0x2a: {  	p0 =	seq.s32 s5, $0x0;
	s5 =	sld [smem:$0x3FAD]  }
0x2b: {  	s6 =	sld [smem:$0x3FAE]  }
0x2c: {  	s7 =	sld [smem:$0x3FAF]  }
0x2d: {  	s3 =	simm.s32 $0x108;
	s8 =	sld [smem:$0x3FB0]  }
0x2e: {  	s3 =	simm.s32 @!p0 $0x1082;
	s9 =	sld [smem:$0x3FB1]  }
0x2f: {  	lr =	sadd.s32 s0, s3;
	s0 =	sld [smem:$0x3FA8]  }
0x30: {  	s3 =	sld [smem:$0x3FAB]  }
0x31: {  	[smem:$0x3FB4] =	sst s10  }
0x32: {  	s10 =	sld [smem:$0x3FB2];
	_ =	sdelay $0x3  }
0x33: {  	p0 =	seq.s32 s10, $0x1;
	s10 =	sld [smem:$0x3FB4];
	_ =	sdelay $0x3  }
0x34: {  	[smem:$0x3FB4] =	sst s10  }
0x35: {  	s10 =	sld [smem:$0x3FB3];
	_ =	sdelay $0x3  }
0x36: {  	p1 =	seq.s32 s10, $0x1;
	s10 =	sld [smem:$0x3FB4];
	_ =	sdelay $0x3  }
0x37: {  	[smem:$0x3FB4] =	sst s10  }
0x38: {  	s10 =	sld [smem:$0x3FB5]  }
0x39: {  	_ = 	snop;
	(pc) =	sbr.ind lr, $3  }
0x3a: {  	_ = 	snop  }
0x3b: {  	_ = 	snop  }
0x3c: {  	p2 =	seq.s32 s10, $0x1;
	s10 =	sld [smem:$0x3FB4]  }
0x3d: {  	_ =	shalt  }
0x3e: {  	_ =	shalt  }
0x3f: {  	_ =	shalt  }
0x40: {  	_ =	shalt  }
0x41: {  	_ =	shalt  }
0x42: {  	_ =	shalt  }
0x43: {  	_ =	shalt  }
0x44: {  	_ =	shalt  }
0x45: {  	_ =	shalt  }
0x46: {  	_ =	shalt  }
0x47: {  	_ =	shalt  }
0x48: {  	_ =	shalt  }
0x49: {  	_ =	shalt  }
0x4a: {  	_ =	shalt  }
0x4b: {  	_ =	shalt  }
0x4c: {  	_ =	shalt  }
0x4d: {  	_ =	shalt  }
0x4e: {  	_ =	shalt  }
0x4f: {  	_ =	shalt  }
0x50: {  	_ =	shalt  }
0x51: {  	_ =	shalt  }
0x52: {  	_ =	shalt  }
0x53: {  	_ =	shalt  }
0x54: {  	_ =	shalt  }
0x55: {  	_ =	shalt  }
0x56: {  	_ =	shalt  }
0x57: {  	_ =	shalt  }
0x58: {  	_ =	shalt  }
0x59: {  	_ =	shalt  }
0x5a: {  	_ =	shalt  }
0x5b: {  	_ =	shalt  }
0x5c: {  	_ =	shalt  }
0x5d: {  	_ =	shalt  }
0x5e: {  	_ =	shalt  }
0x5f: {  	_ =	shalt  }
0x60: {  	_ =	shalt  }
0x61: {  	_ =	shalt  }
0x62: {  	_ =	shalt  }
0x63: {  	_ =	shalt  }
0x64: {  	_ =	shalt  }
0x65: {  	_ =	shalt  }
0x66: {  	_ =	shalt  }
0x67: {  	_ =	shalt  }
0x68: {  	_ =	shalt  }
0x69: {  	_ =	shalt  }
0x6a: {  	_ =	shalt  }
0x6b: {  	_ =	shalt  }
0x6c: {  	_ =	shalt  }
0x6d: {  	_ =	shalt  }
0x6e: {  	_ =	shalt  }
0x6f: {  	_ =	shalt  }
0x70: {  	_ =	shalt  }
0x71: {  	_ =	shalt  }
0x72: {  	_ =	shalt  }
0x73: {  	_ =	shalt  }
0x74: {  	_ =	shalt  }
0x75: {  	_ =	shalt  }
0x76: {  	_ =	shalt  }
0x77: {  	_ =	shalt  }
0x78: {  	_ =	shalt  }
0x79: {  	_ =	shalt  }
0x7a: {  	_ =	shalt  }
0x7b: {  	_ =	shalt  }
0x7c: {  	_ =	shalt  }
0x7d: {  	_ =	shalt  }
0x7e: {  	_ =	shalt  }
0x7f: {  	_ =	shalt  }
0x80: {  	_ =	shalt  }
0x81: {  	_ =	shalt  }
0x82: {  	_ =	shalt  }
0x83: {  	_ =	shalt  }
0x84: {  	_ =	shalt  }
0x85: {  	_ =	shalt  }
0x86: {  	_ =	shalt  }
0x87: {  	_ =	shalt  }
.Lfunc_end0:
.L_simem_size_0:
called_computation_lowered:
.L_overlay_start_0:
0x88: {  	s2 =	sld [smem:$0x3FD9]  }
0x89: {  	s3 =	sld [smem:$0x3FFE];
	_ =	sdelay $0x1  }
0x8a: {  	s1 =	srdreg.scid  }
0x8b: {  	s0 =	sand.u32 $0x1, s1  }
0x8c: {  	s17 =	sshll.u32 s0, $0xA;
	s2 =	sadd.s32 s3, s2  }
0x8d: {  	s2 =	sadd.s32 s2, s17  }
0x8e: {  	[smem:$0x3FC0] =	sst s2  }
0x8f: {  	_ = 	snop  }
0x90: {  	s2 =	sld [smem:$0x3FD0];
	(tm) =	ssettm $0x1  }
0x91: {  	s18 =	sld [smem:$0x3FFB];
	_ =	sdelay $0x3  }
0x92: {  	_ =	strace s18  }
0x93: {  	s3 =	sld [smem:$0x3FFC];
	_ =	sdelay $0x3  }
0x94: {  	_ =	strace s3  }
0x95: {  	s3 =	sld [smem:$0x3FFD];
	_ =	sdelay $0x3  }
0x96: {  	_ =	strace s3  }
0x97: {  	_ =	strace $0x8FFFFFFF  }
0x98: {  	s19 =	sld [smem:$0x3FDB];
	_ =	sdelay $0x1  }
0x99: {  	s4 =	simm.s32 $_scs_section_size  }
0x9a: {  	s5 =	simm.s32 $_size__tile_overlayer_lowered;
	s6 =	simm.s32 $_tile_overlayer_lowered  }
0x9b: {  	s22 =	simm.s32 $0x1BFF;
	s21 =	sshll.u32 s6, $0x1;
	s3 =	sadd.s32 s4, s19  }
0x9c: {  	s7 =	simm.s32 $0x0;
	s20 =	sshll.u32 s5, $0x1;
	s5 =	sadd.s32 s21, s3  }
0x9d: {  	[timem:s7], [sflag:s22] =	dma.local [hbm:s5], s20  }
0x9e: {  	_ =	swait.ge [sflag:s22], s20  }
0x9f: {  	s4 =	ssub.s32 $0x0, s20;
	[sflag:s22] =	ssyncset.done $0x0  }
0xa0: {  	[sflag:s22] =	ssyncadd.s32 s4;
	_ =	sdelay $0x1  }
0xa1: {  	s23 =	simm.s32 $0x1B8B  }
0xa2: {  	_ =	swait.ge [sflag:s23], $0x1  }
0xa3: {  	[sflag:s23] =	ssyncset.done $0x0  }
0xa4: {  	s25 =	simm.s32 $0x1B8E;
	s24 =	sld [smem:$0x3FFE];
	[sflag:s23] =	ssyncadd.s32 $0xFFFFFFFF  }
0xa5: {  	s26 =	simm.s32 $execute0_lowered;
	[smem:$0x3FD2] =	sst s25  }
0xa6: {  	s5 =	sshll.u32 s26, $0x1;
	_ =	strace $0x80000046;
	[dreg:$0x1] =	wrdreg $0xFFFFFFFF  }
0xa7: {  	s28 =	simm.s32 $_size_execute0_lowered;
	s3 =	sadd.s32 s3, s5;
	[dreg:$0x0] =	wrdreg $0x0  }
0xa8: {  	s5 =	sshll.u32 s28, $0x1;
	[dreg:$0x2] =	wrdreg s3  }
0xa9: {  	[dreg:$0x3] =	wrdreg s5  }
0xaa: {  	[dreg:$0x4] =	wrdreg $0xC0  }
0xab: {  	_ =	task [dreg:s7], $0x5FFFF  }
0xac: {  	[dreg:$0x1] =	wrdreg $0xFFFFFFFF  }
0xad: {  	[dreg:$0x0] =	wrdreg $0x60  }
0xae: {  	[dreg:$0x2] =	wrdreg s24  }
0xaf: {  	[dreg:$0x3] =	wrdreg s2  }
0xb0: {  	[dreg:$0x4] =	wrdreg $0x120000  }
0xb1: {  	[dreg:$0x5] =	wrdreg $0x9  }
0xb2: {  	_ =	task.clear_ibuf [dreg:s7], $0x6FFFF;
	_ =	strace $0x90000046  }
0xb3: {  	s29 =	simm.s32 $0x9;
	_ =	strace $0x80000048  }
0xb4: {  	_ =	swait.ge [sflag:s29], $0x1  }
0xb5: {  	[sflag:s29] =	ssyncadd.s32 $0xFFFFFFFF  }
0xb6: {  	_ =	strace $0x90000048  }
0xb7: {  	_ =	sfence  }
0xb8: {  	s30 =	sld [smem:$0x0];
	_ =	sdelay $0x2  }
0xb9: {  	s31 =	sshll.u32 s1, $0xD;
	s1 =	sshrl.u32 s1, $0x2  }
0xba: {  	s3 =	sand.u32 $0x4000, s31;
	s1 =	sadd.s32 s1, s30  }
0xbb: {  	s0 =	sor.u32 s3, s0;
	s1 =	sshll.u32 s1, $0x11  }
0xbc: {  	s0 =	sor.u32 s1, s0  }
0xbd: {  	s0 =	sadd.s32 $0x8F2B, s0  }
0xbe: {  	[sflag:s0] =	ssyncadd.remote.s32 $0x1  }
0xbf: {  	_ =	sfence.sel $0xFFFF  }
0xc0: {  	[dreg:$0x0] =	wrdreg $0xFFFFFFFF;
	(pc) =	sbr.abs _section_cstart, $3  }
0xc1: {  	[dreg:$0x1] =	wrdreg $0xFFFFFFFF  }
0xc2: {  	_ =	task.clear_ibuf [dreg:s7], $0x2FFFF;
	_ =	strace $0x9FFFFFFF  }
0xc3: {  	(tm) =	ssettm $0x7FFFFFFF  }
tec
execute0_lowered:
.L_overlay_start_1:
0x0: {  	(tag) =	ssettag $0x1  }
0x1: {  	s4 =	rddreg [dreg:$0x0]  }
0x2: {  	s0 =	stileid.u32;
	s1 =	srdreg.scid  }
0x3: {  	s8 =	rddreg [dreg:$0x1];
	s5 =	smul.u32 $0x5000, s0  }
0x4: {  	s2 =	rddreg [dreg:$0x2];
	s3 =	simm.s32 $0x0;
	s9 =	smul.u32 $0xA000, s0  }
0x5: {  	s6 =	sand.u32 $0x1, s1;
	s1 =	rddreg [dreg:$0x3];
	s26 =	smul.u32 $0x28000, s0  }
0x6: {  	s15 =	simm.s32 $0x80;
	[smem:$0x7FF] =	sst s3;
	s7 =	smul.u32 $0xA0000, s6  }
0x7: {  	s17 =	sshll.u32 s0, $0x6;
	s11 =	smul.u32 $0x50000, s6;
	_ =	strace $0x80000047  }
0x8: {  	s29 =	ssub.s32 $0x2, s6;
	s16 =	smul.u32 $0x1388, s6;
	s17 =	sor.u32 $0x1C01, s17  }
0x9: {  	s10 =	sshrl.u32 s5, $0x3;
	s30 =	sshrl.u32 s29, $0x1;
	s31 =	sshrl.u32 s26, $0x2  }
0xa: {  	s12 =	sadd.s32 s10, s4;
	s7 =	sadd.s32 s9, s7;
	s5 =	sadd.s32 s5, s11  }
0xb: {  	s14 =	ssub.s32 s29, s30;
	s8 =	sadd.s32 s8, s10;
	v0 =	vmov s16;
	s16 =	simm.s32 $0xA000  }
0xc: {  	s7 =	sshrl.u32 s7, $0x3;
	s5 =	sshrl.u32 s5, $0x3;
	s11 =	smax.u32 s14, $0x1  }
0xd: {  	s14 =	simm.s32 $0x5000;
	s28 =	sadd.s32 s7, s4;
	s13 =	sadd.s32 s5, s4  }
0xe: {  	s4 =	sadd.s32 s31, s2;
	s7 =	sadd.s32 $0x3A00, s12;
	s12 =	simm.s32 $0xE000  }
0xf: {  	s5 =	sadd.s32 $0x4000, s4;
	s6 =	sadd.s32 $0x8000, s4;
	s9 =	sadd.s32 $0x35A00, s13  }
0x10: {  	v1 =	vimm.f32 $1.000000000e+00;
	v2 =	vimm.f32 $0.0e+00;
	s10 =	sadd.s32 $0xDA00, s28;
	s13 =	simm.s32 $0x1;
	s18 =	sshrl.u32 s4, $0x3  }
.LBB2_1:
0x11: {  	s19 =	simm.s32 $0x0;
	s20 =	simm.s32 $0x200  }
.LBB2_2:
0x12: {  	p0 =	sne.s32 s20, $0xFE00;
	[tilespmem:s19+$0xE070] =	vst v2  }
0x13: {  	[tilespmem:s19+$0xA000] =	vst v1  }
0x14: {  	[tilespmem:s19+$0xE000] =	vst v2  }
0x15: {  	[tilespmem:s19+$0xA010] =	vst v1  }
0x16: {  	[tilespmem:s19+$0xE010] =	vst v2  }
0x17: {  	[tilespmem:s19+$0xA020] =	vst v1  }
0x18: {  	[tilespmem:s19+$0xE020] =	vst v2  }
0x19: {  	[tilespmem:s19+$0xA030] =	vst v1  }
0x1a: {  	[tilespmem:s19+$0xE030] =	vst v2  }
0x1b: {  	[tilespmem:s19+$0xA040] =	vst v1  }
0x1c: {  	[tilespmem:s19+$0xE040] =	vst v2  }
.Ltmp0:
0x1d: {  	[tilespmem:s19+$0xA050] =	vst v1;
	(pc) =	sbr.rel @p0 .LBB2_2-.Ltmp0, $4  }
0x1e: {  	[tilespmem:s19+$0xE050] =	vst v2  }
0x1f: {  	[tilespmem:s19+$0xA060] =	vst v1  }
0x20: {  	[tilespmem:s19+$0xE060] =	vst v2  }
0x21: {  	[tilespmem:s19+$0xA070] =	vst v1;
	s19 =	sshra.s32 s20, $0x2;
	s20 =	sadd.s32 $0x200, s20  }
0x22: {  	[tilespmem:s19+$0xE070] =	vst v2  }
0x23: {  	[tilespmem:s19+$0xA000] =	vst v1  }
0x24: {  	[tilespmem:s19+$0xE000] =	vst v2  }
0x25: {  	[tilespmem:s19+$0xA010] =	vst v1  }
0x26: {  	[tilespmem:s19+$0xE010] =	vst v2  }
0x27: {  	[tilespmem:s19+$0xA020] =	vst v1  }
0x28: {  	[tilespmem:s19+$0xE020] =	vst v2  }
0x29: {  	[tilespmem:s19+$0xA030] =	vst v1  }
0x2a: {  	[tilespmem:s19+$0xE030] =	vst v2  }
0x2b: {  	[tilespmem:s19+$0xA040] =	vst v1  }
0x2c: {  	[tilespmem:s19+$0xE040] =	vst v2  }
0x2d: {  	[tilespmem:s19+$0xA050] =	vst v1  }
0x2e: {  	[tilespmem:s19+$0xE050] =	vst v2  }
0x2f: {  	[tilespmem:s19+$0xA060] =	vst v1  }
0x30: {  	[tilespmem:s19+$0xE060] =	vst v2  }
0x31: {  	[tilespmem:s19+$0xA070] =	vst v1  }
0x32: {  	[spmem:s4] =	stream.linear.scatter [tilespmem:s12], [sflag:$0x1], $0x4000, $0x38;
	[tilespmem:$0x1C000] =	vst v63  }
0x33: {  	_ =	swait.ge [sflag:s13], $0x4000  }
0x34: {  	[sflag:s13] =	ssyncset.done $0x0  }
0x35: {  	[sflag:s13] =	ssyncadd.s32 $0xFFFFC000  }
0x36: {  	[spmem:s5] =	stream.linear.scatter [tilespmem:s12], [sflag:$0x1], $0x4000, $0x38;
	[tilespmem:$0x1C000] =	vst v63  }
0x37: {  	_ =	swait.ge [sflag:s13], $0x4000  }
0x38: {  	[sflag:s13] =	ssyncset.done $0x0  }
0x39: {  	[sflag:s13] =	ssyncadd.s32 $0xFFFFC000  }
0x3a: {  	[spmem:s6] =	stream.linear.scatter [tilespmem:s12], [sflag:$0x1], $0x2000, $0x38;
	[tilespmem:$0x1C000] =	vst v63  }
0x3b: {  	_ =	swait.ge [sflag:s13], $0x2000  }
0x3c: {  	[sflag:s13] =	ssyncset.done $0x0  }
0x3d: {  	s31 =	simm.s32 $0x0;
	[sflag:s13] =	ssyncadd.s32 $0xFFFFE000  }
0x3e: {  	[tilespmem:s31], [sflag:$0x1] =	stream.linear.gather [hbm4b:s7+s31], $0x5000, $0x38;
	[tilespmem:$0x1C000] =	vst v63  }
0x3f: {  	_ =	swait.ge [sflag:s13], $0x5000  }
0x40: {  	[sflag:s13] =	ssyncset.done $0x0  }
0x41: {  	[sflag:s13] =	ssyncadd.s32 $0xFFFFB000  }
0x42: {  	[tilespmem:s14], [sflag:$0x1] =	stream.linear.gather [hbm4b:s8+s31], $0x5000, $0x38;
	[tilespmem:$0x1C000] =	vst v63  }
0x43: {  	_ =	swait.ge [sflag:s13], $0x5000  }
0x44: {  	[sflag:s13] =	ssyncset.done $0x0  }
0x45: {  	s19 =	simm.s32 $0x0;
	[sflag:s13] =	ssyncadd.s32 $0xFFFFB000  }
0x46: {  	v3 =	vld [tilespmem:s19+$0x0]  }
0x47: {  	v5 =	vld [tilespmem:s19+$0x10]  }
0x48: {  	v10 =	vld [tilespmem:s19+$0x20]  }
0x49: {  	v6 =	vld [tilespmem:s19+$0x5000]  }
0x4a: {  	v8 =	vld [tilespmem:s19+$0x5010]  }
0x4b: {  	v13 =	vld [tilespmem:s19+$0x30]  }
0x4c: {  	v14 =	vld [tilespmem:s19+$0x5020]  }
0x4d: {  	v15 =	vld [tilespmem:s19+$0x5030]  }
0x4e: {  	v4 =	vld [tilespmem:s19+$0x40];
	v9 =	vsub.s32 v6, v0  }
0x4f: {  	v7 =	vld [tilespmem:s19+$0x5040];
	vm1 =	vne.s32 v3, v6;
	v11 =	vsub.s32 v8, v0;
	vm0 =	vlt.u32 v9, $0x1388  }
0x50: {  	vm2 =	vne.s32 v5, v8;
	v6 =	vld [tilespmem:s19+$0x5050];
	vm0 =	vmand vm1, vm0;
	vm1 =	vlt.u32 v11, $0x1388  }
0x51: {  	v12 =	vsub.s32 v14, v0;
	v8 =	vnsel vm0, $0x13C0, v9;
	vm0 =	vmand vm2, vm1;
	v9 =	vld [tilespmem:s19+$0x50]  }
0x52: {  	v3 =	vld [tilespmem:s19+$0x60];
	vm1 =	vlt.u32 v12, $0x1388;
	vm2 =	vne.s32 v10, v14;
	v10 =	vsub.s32 v15, v0  }
0x53: {  	s20 =	simm.s32 $0x200;
	vm3 =	vne.s32 v13, v15;
	v5 =	vld [tilespmem:s19+$0x5060];
	vm1 =	vmand vm2, vm1;
	vm2 =	vlt.u32 v10, $0x1388  }
.LBB2_4:
0x54: {  	p0 =	sne.s32 s20, $0x13E00;
	v11 =	vnsel vm0, $0x13C0, v11;
	v12 =	vnsel vm1, $0x13C0, v12;
	vm0 =	vmand vm3, vm2;
	v13 =	vld [tilespmem:s19+$0x5070]  }
0x55: {  	s21 =	sshra.s32 s20, $0x2;
	v14 =	vsub.s32 v7, v0;
	vm1 =	vne.s32 v4, v7;
	v4 =	vsub.s32 v6, v0;
	v7 =	vld [tilespmem:s19+$0x70]  }
0x56: {  	vm2 =	vlt.u32 v14, $0x1388;
	v15 =	vld [tilespmem:s21+$0x0];
	[tilespmem:s19+$0x5000] =	vst v8;
	vm3 =	vlt.u32 v4, $0x1388;
	vm4 =	vne.s32 v9, v6  }
0x57: {  	v8 =	vnsel vm0, $0x13C0, v10;
	vm0 =	vmand vm1, vm2;
	v6 =	vld [tilespmem:s21+$0x10];
	[tilespmem:s19+$0x5010] =	vst v11;
	vm1 =	vmand vm4, vm3  }
0x58: {  	v9 =	vnsel vm0, $0x13C0, v14;
	v10 =	vld [tilespmem:s21+$0x20];
	[tilespmem:s19+$0x5020] =	vst v12;
	v4 =	vnsel vm1, $0x13C0, v4;
	v11 =	vsub.s32 v5, v0  }
0x59: {  	vm1 =	vne.s32 v3, v5;
	v12 =	vld [tilespmem:s21+$0x5000];
	[tilespmem:s19+$0x5030] =	vst v8;
	vm0 =	vlt.u32 v11, $0x1388;
	v3 =	vsub.s32 v13, v0  }
0x5a: {  	v5 =	vld [tilespmem:s21+$0x5010];
	[tilespmem:s19+$0x5040] =	vst v9;
	vm0 =	vmand vm1, vm0;
	vm1 =	vlt.u32 v3, $0x1388;
	vm2 =	vne.s32 v7, v13  }
0x5b: {  	v13 =	vld [tilespmem:s21+$0x30];
	[tilespmem:s19+$0x5050] =	vst v4;
	v4 =	vnsel vm0, $0x13C0, v11;
	vm0 =	vmand vm2, vm1  }
0x5c: {  	v14 =	vld [tilespmem:s21+$0x5020];
	[tilespmem:s19+$0x5060] =	vst v4;
	v3 =	vnsel vm0, $0x13C0, v3  }
0x5d: {  	v16 =	vld [tilespmem:s21+$0x5030];
	[tilespmem:s19+$0x5070] =	vst v3;
	s19 =	smov.u32 s21  }
0x5e: {  	v3 =	vsub.s32 v12, v0;
	v4 =	vld [tilespmem:s19+$0x40]  }
.Ltmp1:
0x5f: {  	vm1 =	vne.s32 v15, v12;
	vm0 =	vlt.u32 v3, $0x1388;
	v11 =	vsub.s32 v5, v0;
	v7 =	vld [tilespmem:s19+$0x5040];
	(pc) =	sbr.rel @p0 .LBB2_4-.Ltmp1, $4  }
0x60: {  	vm2 =	vne.s32 v6, v5;
	vm0 =	vmand vm1, vm0;
	vm1 =	vlt.u32 v11, $0x1388;
	v6 =	vld [tilespmem:s19+$0x5050]  }
0x61: {  	v8 =	vnsel vm0, $0x13C0, v3;
	vm0 =	vmand vm2, vm1;
	v12 =	vsub.s32 v14, v0;
	v9 =	vld [tilespmem:s19+$0x50]  }
0x62: {  	vm2 =	vne.s32 v10, v14;
	vm1 =	vlt.u32 v12, $0x1388;
	v10 =	vsub.s32 v16, v0;
	v3 =	vld [tilespmem:s19+$0x60]  }
0x63: {  	s20 =	sadd.s32 $0x200, s20;
	vm3 =	vne.s32 v13, v16;
	vm1 =	vmand vm2, vm1;
	vm2 =	vlt.u32 v10, $0x1388;
	v5 =	vld [tilespmem:s19+$0x5060]  }
0x64: {  	v11 =	vnsel vm0, $0x13C0, v11;
	v12 =	vnsel vm1, $0x13C0, v12;
	vm13 =	vmand vm3, vm2;
	v13 =	vld [tilespmem:s19+$0x5070]  }
0x65: {  	v14 =	vsub.s32 v7, v0;
	vm14 =	vne.s32 v4, v7;
	v59 =	vld [tilespmem:s19+$0x70];
	v58 =	vsub.s32 v6, v0  }
0x66: {  	[tilespmem:s19+$0x5000] =	vst v8;
	vm15 =	vlt.u32 v14, $0x1388;
	vm8 =	vlt.u32 v58, $0x1388;
	vm4 =	vne.s32 v9, v6  }
0x67: {  	[tilespmem:s19+$0x5010] =	vst v11;
	v60 =	vnsel vm13, $0x13C0, v10;
	vm9 =	vmand vm14, vm15;
	vm10 =	vmand vm4, vm8  }
0x68: {  	[tilespmem:s19+$0x5020] =	vst v12;
	v61 =	vnsel vm9, $0x13C0, v14;
	v4 =	vnsel vm10, $0x13C0, v58;
	v62 =	vsub.s32 v5, v0  }
0x69: {  	[tilespmem:s19+$0x5030] =	vst v60;
	vm12 =	vne.s32 v3, v5;
	vm11 =	vlt.u32 v62, $0x1388;
	v3 =	vsub.s32 v13, v0  }
0x6a: {  	[tilespmem:s19+$0x5040] =	vst v61;
	vm14 =	vne.s32 v59, v13;
	vm0 =	vmand vm12, vm11;
	vm13 =	vlt.u32 v3, $0x1388  }
0x6b: {  	[tilespmem:s19+$0x5050] =	vst v4;
	v63 =	vnsel vm0, $0x13C0, v62;
	vm15 =	vmand vm14, vm13  }
0x6c: {  	[tilespmem:s19+$0x5060] =	vst v63;
	v3 =	vnsel vm15, $0x13C0, v3  }
0x6d: {  	s30 =	simm.s32 $0x0;
	[tilespmem:s19+$0x5070] =	vst v3  }
0x6e: {  	[hbm4b:s9+s30] =	stream.linear.scatter [tilespmem:s14], [sflag:$0x1], $0x5000, $0x38;
	[tilespmem:$0x1C000] =	vst v63  }
0x6f: {  	_ =	swait.ge [sflag:s13], $0x5000  }
0x70: {  	[sflag:s13] =	ssyncset.done $0x0  }
0x71: {  	[sflag:s13] =	ssyncadd.s32 $0xFFFFB000  }
0x72: {  	s31 =	simm.s32 $0x5000;
	[bflag:$0x0] =	sbarrier.arrive $0xFFFF  }
0x73: {  	[spmem:s2] =	stream.indirect.scatter.add.f32 [tilespmem:s16], [sflag:$0x1], $0x80, s31, s15, $0xb8;
	[tilespmem:$0x1C000] =	vst v63  }
0x74: {  	s19 =	simm.s32 $0x200;
	_ =	swait.ge [sflag:s13], $0x4000  }
.LBB2_6:
0x75: {  	s20 =	sshra.s32 s19, $0x2;
	[sflag:s13] =	ssyncset.done $0x0;
	p0 =	sne.s32 s19, $0x13E00  }
.Ltmp2:
0x76: {  	s20 =	sadd.s32 $0x5000, s20;
	[sflag:s13] =	ssyncadd.s32 $0xFFFFC000;
	(pc) =	sbr.rel @p0 .LBB2_6-.Ltmp2, $3  }
0x77: {  	[spmem:s2] =	stream.indirect.scatter.add.f32 [tilespmem:s16], [sflag:$0x1], $0x80, s20, s15, $0xb8;
	[tilespmem:$0x1C000] =	vst v63  }
0x78: {  	s19 =	sadd.s32 $0x200, s19;
	_ =	sdelay $0x1  }
0x79: {  	_ =	swait.ge [sflag:s13], $0x4000  }
0x7a: {  	[sflag:s13] =	ssyncset.done $0x0;
	s3 =	sadd.s32 $0x1, s3  }
0x7b: {  	[sflag:s13] =	ssyncadd.s32 $0xFFFFC000;
	p0 =	sne.s32 s3, s11  }
.Ltmp3:
0x7c: {  	[bflag:$0x0] =	sbarrier.arrive $0xFFFF;
	(pc) =	sbr.rel @p0 .LBB2_1-.Ltmp3, $4  }
0x7d: {  	[hbm:s10], [sflag:s17] =	dma.local [spmem:s18], $0x1400  }
0x7e: {  	_ =	swait.ge [sflag:s13], $0x1400  }
0x7f: {  	[sflag:s13] =	ssyncset.done $0x0  }
0x80: {  	[sflag:s13] =	ssyncadd.s32 $0xFFFFEC00  }
0x81: {  	_ =	sfence.sel $0x180000  }
0x82: {  	[bflag:$0x0] =	sbarrier.arrive $0xFFFF  }
0x83: {  	p0 =	sne.s32 s0, $0x0;
	_ =	strace $0x90000047  }
0x84: {  	s0 =	sadd.s32 @!p0 $0x100000, s1;
	[bflag:$0x2] =	sbarrier.arrive $0xFFFF  }
0x85: {  	[sflag:s0] =	ssyncadd.tile.s32 @!p0 $0x1;
	_ =	shalt  }
.Lfunc_end2:
_tile_overlayer_lowered:
.L_overlay_start_2:
0x86: {  	(tag) =	ssettag $0x2  }
0x87: {  	s0 =	rddreg [dreg:$0x0];
	s2 =	stileid.u32  }
0x88: {  	s1 =	rddreg [dreg:$0x1];
	p0 =	sne.s32 s2, $0x0  }
0x89: {  	s3 =	rddreg [dreg:$0x2];
	[bflag:$0x3] =	sbarrier.arrive $0xFFFF;
	s2 =	simm.s32 @!p0 $0x1C01  }
0x8a: {  	[timem:s3], [sflag:s2] =	dma.local @!p0 [hbm:s0], s1  }
0x8b: {  	s0 =	simm.s32 @!p0 $0x1  }
0x8c: {  	_ =	swait.ge @!p0 [sflag:s0], s1  }
0x8d: {  	s1 =	ssub.s32 @!p0 $0x0, s1;
	[sflag:s0] =	ssyncset.done @!p0 $0x0  }
0x8e: {  	[sflag:s0] =	ssyncadd.s32 @!p0 s1  }
0x8f: {  	[bflag:$0x3] =	sbarrier.arrive $0xFFFF  }
0x90: {  	_ =	shalt  }

// kernel: kernel.14.cloned.1.call-start
scs
__scs_entry_jumppad:
0x0: {  	(pc) =	sbr.rel $0x88, $3  }
0x1: {  	(tag) =	ssettag $0x0;
	lr =	simm.s32 $0x1  }
0x2: {  	[smem:$0x3F99] =	sst lr;
	_ =	strace $0xD0000000  }
0x3: {  	_ = 	snop  }
0x4: {  	_ = 	snop  }
0x5: {  	_ = 	snop  }
0x6: {  	_ = 	snop  }
0x7: {  	_ = 	snop  }
__scs_overlays_trampoline_lowered:
0x8: {  	[smem:$0x3FA8] =	sst s0  }
0x9: {  	[smem:$0x3FA9] =	sst s1  }
0xa: {  	[smem:$0x3FAA] =	sst s2  }
0xb: {  	[smem:$0x3FAB] =	sst s3  }
0xc: {  	[smem:$0x3FAC] =	sst s4  }
0xd: {  	[smem:$0x3FAD] =	sst s5  }
0xe: {  	[smem:$0x3FAE] =	sst s6  }
0xf: {  	[smem:$0x3FAF] =	sst s7  }
0x10: {  	[smem:$0x3FB0] =	sst s8  }
0x11: {  	[smem:$0x3FB1] =	sst s9;
	s0 =	simm.s32 @!p0 $0x0  }
0x12: {  	s1 =	sld [smem:$0x3F97];
	s0 =	simm.s32 @p0 $0x1  }
0x13: {  	[smem:$0x3FB2] =	sst s0;
	s0 =	simm.s32 @!p1 $0x0  }
0x14: {  	s2 =	sld [smem:$0x3F96];
	s0 =	simm.s32 @p1 $0x1  }
0x15: {  	[smem:$0x3FB3] =	sst s0;
	s0 =	simm.s32 @!p2 $0x0  }
0x16: {  	s3 =	sld [smem:$0x3FDB];
	s0 =	simm.s32 @p2 $0x1  }
0x17: {  	s4 =	simm.s32 $0x1BF5;
	[smem:$0x3FB5] =	sst s0  }
0x18: {  	s0 =	sld [smem:$0x3F98];
	_ =	swait.ge [sflag:s4], $0x0  }
0x19: {  	s7 =	sld [smem:$0x3F99]  }
0x1a: {  	s8 =	sadd.s32 $0xFFFFE003, lr  }
0x1b: {  	s9 =	sadd.s32 $0xFFFFFEF7, lr;
	s5 =	simm.s32 $0xFFFFFFFF;
	p2 =	slt.u32 s8, $0xFFFFF086  }
0x1c: {  	p1 =	slt.u32 s9, $0xF7A;
	s5 =	simm.s32 @!p2 $0x0  }
0x1d: {  	s5 =	simm.s32 @p1 $0x1;
	p0 =	seq.s32 s7, s2  }
0x1e: {  	s7 =	smul.u32 @!p0 $0xF7A, s2;
	p2 =	seq.s32 @!p0 s5, $0x0  }
0x1f: {  	s9 =	smul.u32 $0xF7A, s1;
	s8 =	simm.s32 @!p0 $0x1BF5;
	p2 =	por !p2, p0  }
0x20: {  	[sflag:s8] =	ssyncset.s32 @!p0 $0xFFFFF086;
	s6 =	sadd.s32 @!p0 s3, s7;
	s7 =	simm.s32 @!p0 $0x108  }
0x21: {  	s3 =	sadd.s32 s3, s9;
	s6 =	sadd.s32 @!p0 $0x88, s6;
	s7 =	simm.s32 @p2 $0x1082  }
0x22: {  	[simem:s7], [sflag:s8] =	dma.local @!p0 [hbm:s6], $0xF7A  }
0x23: {  	s9 =	sor.u32 $0xD0000000, s2;
	s6 =	simm.s32 $0x108;
	_ =	swait.ge @!p0 [sflag:s8], $0x0  }
0x24: {  	s3 =	sadd.s32 $0x88, s3;
	s6 =	simm.s32 @!p1 $0x1082;
	[sflag:s4] =	ssyncset.s32 $0xFFFFF086  }
0x25: {  	[simem:s6], [sflag:s4] =	dma.local [hbm:s3], $0xF7A  }
0x26: {  	[smem:$0x3F99] =	sst s1;
	(tag) =	ssettag s2;
	_ =	strace s9  }
0x27: {  	s1 =	sld [smem:$0x3FA9]  }
0x28: {  	s2 =	sld [smem:$0x3FAA]  }
0x29: {  	s4 =	sld [smem:$0x3FAC]  }
0x2a: {  	p0 =	seq.s32 s5, $0x0;
	s5 =	sld [smem:$0x3FAD]  }
0x2b: {  	s6 =	sld [smem:$0x3FAE]  }
0x2c: {  	s7 =	sld [smem:$0x3FAF]  }
0x2d: {  	s3 =	simm.s32 $0x108;
	s8 =	sld [smem:$0x3FB0]  }
0x2e: {  	s3 =	simm.s32 @!p0 $0x1082;
	s9 =	sld [smem:$0x3FB1]  }
0x2f: {  	lr =	sadd.s32 s0, s3;
	s0 =	sld [smem:$0x3FA8]  }
0x30: {  	s3 =	sld [smem:$0x3FAB]  }
0x31: {  	[smem:$0x3FB4] =	sst s10  }
0x32: {  	s10 =	sld [smem:$0x3FB2];
	_ =	sdelay $0x3  }
0x33: {  	p0 =	seq.s32 s10, $0x1;
	s10 =	sld [smem:$0x3FB4];
	_ =	sdelay $0x3  }
0x34: {  	[smem:$0x3FB4] =	sst s10  }
0x35: {  	s10 =	sld [smem:$0x3FB3];
	_ =	sdelay $0x3  }
0x36: {  	p1 =	seq.s32 s10, $0x1;
	s10 =	sld [smem:$0x3FB4];
	_ =	sdelay $0x3  }
0x37: {  	[smem:$0x3FB4] =	sst s10  }
0x38: {  	s10 =	sld [smem:$0x3FB5]  }
0x39: {  	_ = 	snop;
	(pc) =	sbr.ind lr, $3  }
0x3a: {  	_ = 	snop  }
0x3b: {  	_ = 	snop  }
0x3c: {  	p2 =	seq.s32 s10, $0x1;
	s10 =	sld [smem:$0x3FB4]  }
0x3d: {  	_ =	shalt  }
0x3e: {  	_ =	shalt  }
0x3f: {  	_ =	shalt  }
0x40: {  	_ =	shalt  }
0x41: {  	_ =	shalt  }
0x42: {  	_ =	shalt  }
0x43: {  	_ =	shalt  }
0x44: {  	_ =	shalt  }
0x45: {  	_ =	shalt  }
0x46: {  	_ =	shalt  }
0x47: {  	_ =	shalt  }
0x48: {  	_ =	shalt  }
0x49: {  	_ =	shalt  }
0x4a: {  	_ =	shalt  }
0x4b: {  	_ =	shalt  }
0x4c: {  	_ =	shalt  }
0x4d: {  	_ =	shalt  }
0x4e: {  	_ =	shalt  }
0x4f: {  	_ =	shalt  }
0x50: {  	_ =	shalt  }
0x51: {  	_ =	shalt  }
0x52: {  	_ =	shalt  }
0x53: {  	_ =	shalt  }
0x54: {  	_ =	shalt  }
0x55: {  	_ =	shalt  }
0x56: {  	_ =	shalt  }
0x57: {  	_ =	shalt  }
0x58: {  	_ =	shalt  }
0x59: {  	_ =	shalt  }
0x5a: {  	_ =	shalt  }
0x5b: {  	_ =	shalt  }
0x5c: {  	_ =	shalt  }
0x5d: {  	_ =	shalt  }
0x5e: {  	_ =	shalt  }
0x5f: {  	_ =	shalt  }
0x60: {  	_ =	shalt  }
0x61: {  	_ =	shalt  }
0x62: {  	_ =	shalt  }
0x63: {  	_ =	shalt  }
0x64: {  	_ =	shalt  }
0x65: {  	_ =	shalt  }
0x66: {  	_ =	shalt  }
0x67: {  	_ =	shalt  }
0x68: {  	_ =	shalt  }
0x69: {  	_ =	shalt  }
0x6a: {  	_ =	shalt  }
0x6b: {  	_ =	shalt  }
0x6c: {  	_ =	shalt  }
0x6d: {  	_ =	shalt  }
0x6e: {  	_ =	shalt  }
0x6f: {  	_ =	shalt  }
0x70: {  	_ =	shalt  }
0x71: {  	_ =	shalt  }
0x72: {  	_ =	shalt  }
0x73: {  	_ =	shalt  }
0x74: {  	_ =	shalt  }
0x75: {  	_ =	shalt  }
0x76: {  	_ =	shalt  }
0x77: {  	_ =	shalt  }
0x78: {  	_ =	shalt  }
0x79: {  	_ =	shalt  }
0x7a: {  	_ =	shalt  }
0x7b: {  	_ =	shalt  }
0x7c: {  	_ =	shalt  }
0x7d: {  	_ =	shalt  }
0x7e: {  	_ =	shalt  }
0x7f: {  	_ =	shalt  }
0x80: {  	_ =	shalt  }
0x81: {  	_ =	shalt  }
0x82: {  	_ =	shalt  }
0x83: {  	_ =	shalt  }
0x84: {  	_ =	shalt  }
0x85: {  	_ =	shalt  }
0x86: {  	_ =	shalt  }
0x87: {  	_ =	shalt  }
.Lfunc_end0:
.L_simem_size_0:
called_computation.1_lowered:
.L_overlay_start_0:
0x88: {  	s2 =	sld [smem:$0x3FD9]  }
0x89: {  	s3 =	sld [smem:$0x3FFE];
	_ =	sdelay $0x1  }
0x8a: {  	s1 =	srdreg.scid  }
0x8b: {  	s0 =	sand.u32 $0x1, s1  }
0x8c: {  	s17 =	sshll.u32 s0, $0xA;
	s2 =	sadd.s32 s3, s2  }
0x8d: {  	s2 =	sadd.s32 s2, s17  }
0x8e: {  	[smem:$0x3FC0] =	sst s2  }
0x8f: {  	_ = 	snop  }
0x90: {  	s2 =	sld [smem:$0x3FD0];
	(tm) =	ssettm $0x1  }
0x91: {  	s18 =	sld [smem:$0x3FFB];
	_ =	sdelay $0x3  }
0x92: {  	_ =	strace s18  }
0x93: {  	s3 =	sld [smem:$0x3FFC];
	_ =	sdelay $0x3  }
0x94: {  	_ =	strace s3  }
0x95: {  	s3 =	sld [smem:$0x3FFD];
	_ =	sdelay $0x3  }
0x96: {  	_ =	strace s3  }
0x97: {  	_ =	strace $0x8FFFFFFF  }
0x98: {  	s19 =	sld [smem:$0x3FDB];
	_ =	sdelay $0x1  }
0x99: {  	s4 =	simm.s32 $_scs_section_size  }
0x9a: {  	s5 =	simm.s32 $_size__tile_overlayer_lowered;
	s6 =	simm.s32 $_tile_overlayer_lowered  }
0x9b: {  	s22 =	simm.s32 $0x1BFF;
	s21 =	sshll.u32 s6, $0x1;
	s3 =	sadd.s32 s4, s19  }
0x9c: {  	s7 =	simm.s32 $0x0;
	s20 =	sshll.u32 s5, $0x1;
	s5 =	sadd.s32 s21, s3  }
0x9d: {  	[timem:s7], [sflag:s22] =	dma.local [hbm:s5], s20  }
0x9e: {  	_ =	swait.ge [sflag:s22], s20  }
0x9f: {  	s4 =	ssub.s32 $0x0, s20;
	[sflag:s22] =	ssyncset.done $0x0  }
0xa0: {  	[sflag:s22] =	ssyncadd.s32 s4;
	_ =	sdelay $0x1  }
0xa1: {  	s23 =	simm.s32 $0x1B8B  }
0xa2: {  	_ =	swait.ge [sflag:s23], $0x1  }
0xa3: {  	[sflag:s23] =	ssyncset.done $0x0  }
0xa4: {  	s25 =	simm.s32 $0x1B8E;
	s24 =	sld [smem:$0x3FFE];
	[sflag:s23] =	ssyncadd.s32 $0xFFFFFFFF  }
0xa5: {  	s26 =	simm.s32 $execute0_lowered;
	[smem:$0x3FD2] =	sst s25  }
0xa6: {  	s5 =	sshll.u32 s26, $0x1;
	_ =	strace $0x80000049;
	[dreg:$0x1] =	wrdreg $0xFFFFFFFF  }
0xa7: {  	s28 =	simm.s32 $_size_execute0_lowered;
	s3 =	sadd.s32 s3, s5;
	[dreg:$0x0] =	wrdreg $0x0  }
0xa8: {  	s5 =	sshll.u32 s28, $0x1;
	[dreg:$0x2] =	wrdreg s3  }
0xa9: {  	[dreg:$0x3] =	wrdreg s5  }
0xaa: {  	[dreg:$0x4] =	wrdreg $0xC0  }
0xab: {  	_ =	task [dreg:s7], $0x5FFFF  }
0xac: {  	[dreg:$0x1] =	wrdreg $0xFFFFFFFF  }
0xad: {  	[dreg:$0x0] =	wrdreg $0x60  }
0xae: {  	[dreg:$0x2] =	wrdreg s2  }
0xaf: {  	[dreg:$0x3] =	wrdreg s24  }
0xb0: {  	[dreg:$0x4] =	wrdreg $0x120000  }
0xb1: {  	[dreg:$0x5] =	wrdreg $0x9  }
0xb2: {  	_ =	task.clear_ibuf [dreg:s7], $0x6FFFF;
	_ =	strace $0x90000049  }
0xb3: {  	s29 =	simm.s32 $0x9;
	_ =	strace $0x8000004B  }
0xb4: {  	_ =	swait.ge [sflag:s29], $0x1  }
0xb5: {  	[sflag:s29] =	ssyncadd.s32 $0xFFFFFFFF  }
0xb6: {  	_ =	strace $0x9000004B  }
0xb7: {  	_ =	sfence  }
0xb8: {  	s30 =	sld [smem:$0x0];
	_ =	sdelay $0x2  }
0xb9: {  	s31 =	sshll.u32 s1, $0xD;
	s1 =	sshrl.u32 s1, $0x2  }
0xba: {  	s3 =	sand.u32 $0x4000, s31;
	s1 =	sadd.s32 s1, s30  }
0xbb: {  	s0 =	sor.u32 s3, s0;
	s1 =	sshll.u32 s1, $0x11  }
0xbc: {  	s0 =	sor.u32 s1, s0  }
0xbd: {  	s0 =	sadd.s32 $0x8F2B, s0  }
0xbe: {  	[sflag:s0] =	ssyncadd.remote.s32 $0x1  }
0xbf: {  	_ =	sfence.sel $0xFFFF  }
0xc0: {  	[dreg:$0x0] =	wrdreg $0xFFFFFFFF;
	(pc) =	sbr.abs _section_cstart, $3  }
0xc1: {  	[dreg:$0x1] =	wrdreg $0xFFFFFFFF  }
0xc2: {  	_ =	task.clear_ibuf [dreg:s7], $0x2FFFF;
	_ =	strace $0x9FFFFFFF  }
0xc3: {  	(tm) =	ssettm $0x7FFFFFFF  }
tec
execute0_lowered:
.L_overlay_start_1:
0x0: {  	(tag) =	ssettag $0x1  }
0x1: {  	s2 =	rddreg [dreg:$0x0]  }
0x2: {  	s5 =	rddreg [dreg:$0x1]  }
0x3: {  	s3 =	rddreg [dreg:$0x2]  }
0x4: {  	s0 =	rddreg [dreg:$0x3]  }
0x5: {  	s1 =	stileid.u32;
	s6 =	srdreg.scid;
	s4 =	simm.s32 $0x0  }
0x6: {  	s14 =	simm.s32 $0x5000;
	s15 =	simm.s32 $0x80;
	s7 =	smul.u32 $0x5000, s1  }
0x7: {  	s16 =	simm.s32 $0xA000;
	s17 =	simm.s32 $0x1;
	s26 =	smul.u32 $0xA000, s1  }
0x8: {  	s6 =	sand.u32 $0x1, s6;
	[smem:$0x7FF] =	sst s4;
	s11 =	smul.u32 $0x28000, s1  }
0x9: {  	s18 =	sshll.u32 s1, $0x6;
	s8 =	smul.u32 $0x50000, s6;
	_ =	strace $0x8000004A  }
0xa: {  	s9 =	smul.u32 $0xA0000, s6;
	s6 =	ssub.s32 $0x2, s6;
	s18 =	sor.u32 $0x1C02, s18  }
0xb: {  	s10 =	sshrl.u32 s7, $0x3;
	s29 =	sshrl.u32 s6, $0x1;
	s30 =	sshrl.u32 s11, $0x2  }
0xc: {  	s7 =	sadd.s32 s7, s8;
	s10 =	sadd.s32 s10, s5;
	s28 =	sadd.s32 s26, s9  }
0xd: {  	s13 =	ssub.s32 s6, s29;
	s7 =	sshrl.u32 s7, $0x3;
	s8 =	sadd.s32 $0x3A00, s10  }
0xe: {  	s11 =	smax.u32 s13, $0x1;
	s12 =	sadd.s32 s7, s5;
	s7 =	sshrl.u32 s28, $0x3  }
0xf: {  	s13 =	simm.s32 $0x2;
	s31 =	sadd.s32 s7, s5;
	s5 =	sadd.s32 s30, s3  }
0x10: {  	s9 =	sadd.s32 $0x35A00, s12;
	s12 =	simm.s32 $0xE000;
	s6 =	sadd.s32 $0x4000, s5  }
0x11: {  	v0 =	vimm.f32 $0.0e+00;
	s7 =	sadd.s32 $0x8000, s5;
	s10 =	sadd.s32 $0xDA00, s31;
	s19 =	sshrl.u32 s5, $0x3  }
.LBB2_1:
0x12: {  	s20 =	simm.s32 $0x0;
	s21 =	simm.s32 $0x200  }
.LBB2_2:
0x13: {  	p0 =	sne.s32 s21, $0xFE00;
	[tilespmem:s20+$0xE070] =	vst v0  }
0x14: {  	[tilespmem:s20+$0xE000] =	vst v0  }
0x15: {  	[tilespmem:s20+$0xE010] =	vst v0  }
.Ltmp0:
0x16: {  	[tilespmem:s20+$0xE020] =	vst v0;
	(pc) =	sbr.rel @p0 .LBB2_2-.Ltmp0, $4  }
0x17: {  	[tilespmem:s20+$0xE030] =	vst v0  }
0x18: {  	[tilespmem:s20+$0xE040] =	vst v0  }
0x19: {  	[tilespmem:s20+$0xE050] =	vst v0  }
0x1a: {  	[tilespmem:s20+$0xE060] =	vst v0;
	s20 =	sshra.s32 s21, $0x2;
	s21 =	sadd.s32 $0x200, s21  }
0x1b: {  	[tilespmem:s20+$0xE070] =	vst v0  }
0x1c: {  	[tilespmem:s20+$0xE000] =	vst v0  }
0x1d: {  	[tilespmem:s20+$0xE010] =	vst v0  }
0x1e: {  	[tilespmem:s20+$0xE020] =	vst v0  }
0x1f: {  	[tilespmem:s20+$0xE030] =	vst v0  }
0x20: {  	[tilespmem:s20+$0xE040] =	vst v0  }
0x21: {  	[tilespmem:s20+$0xE050] =	vst v0  }
0x22: {  	[tilespmem:s20+$0xE060] =	vst v0  }
0x23: {  	[spmem:s5] =	stream.linear.scatter [tilespmem:s12], [sflag:$0x2], $0x4000, $0x38;
	[tilespmem:$0x1C000] =	vst v63  }
0x24: {  	_ =	swait.ge [sflag:s13], $0x4000  }
0x25: {  	[sflag:s13] =	ssyncset.done $0x0  }
0x26: {  	[sflag:s13] =	ssyncadd.s32 $0xFFFFC000  }
0x27: {  	[spmem:s6] =	stream.linear.scatter [tilespmem:s12], [sflag:$0x2], $0x4000, $0x38;
	[tilespmem:$0x1C000] =	vst v63  }
0x28: {  	_ =	swait.ge [sflag:s13], $0x4000  }
0x29: {  	[sflag:s13] =	ssyncset.done $0x0  }
0x2a: {  	[sflag:s13] =	ssyncadd.s32 $0xFFFFC000  }
0x2b: {  	[spmem:s7] =	stream.linear.scatter [tilespmem:s12], [sflag:$0x2], $0x2000, $0x38;
	[tilespmem:$0x1C000] =	vst v63  }
0x2c: {  	_ =	swait.ge [sflag:s13], $0x2000  }
0x2d: {  	[sflag:s13] =	ssyncset.done $0x0  }
0x2e: {  	s29 =	simm.s32 $0x0;
	[sflag:s13] =	ssyncadd.s32 $0xFFFFE000  }
0x2f: {  	[tilespmem:s29], [sflag:$0x2] =	stream.linear.gather [hbm4b:s8+s29], $0x5000, $0x38;
	[tilespmem:$0x1C000] =	vst v63  }
0x30: {  	_ =	swait.ge [sflag:s13], $0x5000  }
0x31: {  	[sflag:s13] =	ssyncset.done $0x0  }
0x32: {  	[sflag:s13] =	ssyncadd.s32 $0xFFFFB000  }
0x33: {  	[tilespmem:s14], [sflag:$0x2] =	stream.linear.gather [hbm4b:s9+s29], $0x5000, $0x38;
	[tilespmem:$0x1C000] =	vst v63  }
0x34: {  	_ =	swait.ge [sflag:s13], $0x5000  }
0x35: {  	[sflag:s13] =	ssyncset.done $0x0  }
0x36: {  	[sflag:s13] =	ssyncadd.s32 $0xFFFFB000  }
0x37: {  	s30 =	simm.s32 $0x0;
	[bflag:$0x0] =	sbarrier.arrive $0xFFFF  }
0x38: {  	[tilespmem:s16], [sflag:$0x1] =	stream.indirect.gather [hbm4b:s2+s15], $0x80, s30, s15, $0xb8;
	[tilespmem:$0x1C000] =	vst v63  }
0x39: {  	_ =	swait.ge [sflag:s17], $0x4000  }
0x3a: {  	[sflag:s17] =	ssyncset.done $0x0  }
0x3b: {  	s31 =	simm.s32 $0x5000;
	[sflag:s17] =	ssyncadd.s32 $0xFFFFC000  }
0x3c: {  	[spmem:s3] =	stream.indirect.scatter.add.f32 [tilespmem:s16], [sflag:$0x2], $0x80, s31, s15, $0xb8;
	[tilespmem:$0x1C000] =	vst v63  }
0x3d: {  	_ =	swait.ge [sflag:s13], $0x4000  }
0x3e: {  	s20 =	simm.s32 $0x200;
	s21 =	simm.s32 $0x400;
	[sflag:s13] =	ssyncset.done $0x0  }
.LBB2_4:
0x3f: {  	s22 =	sshra.s32 s20, $0x2  }
0x40: {  	[sflag:s13] =	ssyncadd.s32 $0xFFFFC000;
	s20 =	smov.u32 s21;
	s23 =	sadd.s32 $0x200, s21  }
0x41: {  	[tilespmem:s16], [sflag:$0x1] =	stream.indirect.gather [hbm4b:s2+s15], $0x80, s22, s15, $0xb8;
	[tilespmem:$0x1C000] =	vst v63  }
0x42: {  	p0 =	sne.s32 s21, $0x13E00;
	_ =	swait.ge [sflag:s17], $0x4000  }
.Ltmp1:
0x43: {  	[sflag:s17] =	ssyncset.done $0x0;
	(pc) =	sbr.rel @p0 .LBB2_4-.Ltmp1, $4  }
0x44: {  	s21 =	sadd.s32 $0x5000, s22;
	[sflag:s17] =	ssyncadd.s32 $0xFFFFC000  }
0x45: {  	[spmem:s3] =	stream.indirect.scatter.add.f32 [tilespmem:s16], [sflag:$0x2], $0x80, s21, s15, $0xb8;
	[tilespmem:$0x1C000] =	vst v63  }
0x46: {  	_ =	swait.ge [sflag:s13], $0x4000  }
0x47: {  	s21 =	smov.u32 s23;
	[sflag:s13] =	ssyncset.done $0x0  }
0x48: {  	s20 =	sshra.s32 s20, $0x2;
	[sflag:s13] =	ssyncadd.s32 $0xFFFFC000  }
0x49: {  	[tilespmem:s16], [sflag:$0x1] =	stream.indirect.gather [hbm4b:s2+s15], $0x80, s20, s15, $0xb8;
	[tilespmem:$0x1C000] =	vst v63  }
0x4a: {  	_ =	swait.ge [sflag:s17], $0x4000  }
0x4b: {  	[sflag:s17] =	ssyncset.done $0x0  }
0x4c: {  	s20 =	sadd.s32 $0x5000, s20;
	[sflag:s17] =	ssyncadd.s32 $0xFFFFC000  }
0x4d: {  	[spmem:s3] =	stream.indirect.scatter.add.f32 [tilespmem:s16], [sflag:$0x2], $0x80, s20, s15, $0xb8;
	[tilespmem:$0x1C000] =	vst v63  }
0x4e: {  	_ =	swait.ge [sflag:s13], $0x4000  }
0x4f: {  	s4 =	sadd.s32 $0x1, s4;
	[sflag:s13] =	ssyncset.done $0x0  }
0x50: {  	p0 =	sne.s32 s4, s11;
	[sflag:s13] =	ssyncadd.s32 $0xFFFFC000  }
.Ltmp2:
0x51: {  	[bflag:$0x0] =	sbarrier.arrive $0xFFFF;
	(pc) =	sbr.rel @p0 .LBB2_1-.Ltmp2, $4  }
0x52: {  	[hbm:s10], [sflag:s18] =	dma.local [spmem:s19], $0x1400  }
0x53: {  	_ =	swait.ge [sflag:s13], $0x1400  }
0x54: {  	[sflag:s13] =	ssyncset.done $0x0  }
0x55: {  	[sflag:s13] =	ssyncadd.s32 $0xFFFFEC00  }
0x56: {  	_ =	sfence.sel $0x180000  }
0x57: {  	[bflag:$0x0] =	sbarrier.arrive $0xFFFF  }
0x58: {  	p0 =	sne.s32 s1, $0x0;
	_ =	strace $0x9000004A  }
0x59: {  	s0 =	sadd.s32 @!p0 $0x100000, s0;
	[bflag:$0x2] =	sbarrier.arrive $0xFFFF  }
0x5a: {  	[sflag:s0] =	ssyncadd.tile.s32 @!p0 $0x1;
	_ =	shalt  }
.Lfunc_end2:
_tile_overlayer_lowered:
.L_overlay_start_2:
0x5b: {  	(tag) =	ssettag $0x2  }
0x5c: {  	s0 =	rddreg [dreg:$0x0];
	s2 =	stileid.u32  }
0x5d: {  	s1 =	rddreg [dreg:$0x1];
	p0 =	sne.s32 s2, $0x0  }
0x5e: {  	s3 =	rddreg [dreg:$0x2];
	[bflag:$0x3] =	sbarrier.arrive $0xFFFF;
	s2 =	simm.s32 @!p0 $0x1C02  }
0x5f: {  	[timem:s3], [sflag:s2] =	dma.local @!p0 [hbm:s0], s1  }
0x60: {  	s0 =	simm.s32 @!p0 $0x2  }
0x61: {  	_ =	swait.ge @!p0 [sflag:s0], s1  }
0x62: {  	s1 =	ssub.s32 @!p0 $0x0, s1;
	[sflag:s0] =	ssyncset.done @!p0 $0x0  }
0x63: {  	[sflag:s0] =	ssyncadd.s32 @!p0 s1  }
0x64: {  	[bflag:$0x3] =	sbarrier.arrive $0xFFFF  }
0x65: {  	_ =	shalt  }

// kernel: kernel.17.cloned.1.call-start
scs
__scs_entry_jumppad:
0x0: {  	(pc) =	sbr.rel $0x88, $3  }
0x1: {  	(tag) =	ssettag $0x0;
	lr =	simm.s32 $0x1  }
0x2: {  	[smem:$0x3F99] =	sst lr;
	_ =	strace $0xD0000000  }
0x3: {  	_ = 	snop  }
0x4: {  	_ = 	snop  }
0x5: {  	_ = 	snop  }
0x6: {  	_ = 	snop  }
0x7: {  	_ = 	snop  }
__scs_overlays_trampoline_lowered:
0x8: {  	[smem:$0x3FA8] =	sst s0  }
0x9: {  	[smem:$0x3FA9] =	sst s1  }
0xa: {  	[smem:$0x3FAA] =	sst s2  }
0xb: {  	[smem:$0x3FAB] =	sst s3  }
0xc: {  	[smem:$0x3FAC] =	sst s4  }
0xd: {  	[smem:$0x3FAD] =	sst s5  }
0xe: {  	[smem:$0x3FAE] =	sst s6  }
0xf: {  	[smem:$0x3FAF] =	sst s7  }
0x10: {  	[smem:$0x3FB0] =	sst s8  }
0x11: {  	[smem:$0x3FB1] =	sst s9;
	s0 =	simm.s32 @!p0 $0x0  }
0x12: {  	s1 =	sld [smem:$0x3F97];
	s0 =	simm.s32 @p0 $0x1  }
0x13: {  	[smem:$0x3FB2] =	sst s0;
	s0 =	simm.s32 @!p1 $0x0  }
0x14: {  	s2 =	sld [smem:$0x3F96];
	s0 =	simm.s32 @p1 $0x1  }
0x15: {  	[smem:$0x3FB3] =	sst s0;
	s0 =	simm.s32 @!p2 $0x0  }
0x16: {  	s3 =	sld [smem:$0x3FDB];
	s0 =	simm.s32 @p2 $0x1  }
0x17: {  	s4 =	simm.s32 $0x1BF5;
	[smem:$0x3FB5] =	sst s0  }
0x18: {  	s0 =	sld [smem:$0x3F98];
	_ =	swait.ge [sflag:s4], $0x0  }
0x19: {  	s7 =	sld [smem:$0x3F99]  }
0x1a: {  	s8 =	sadd.s32 $0xFFFFE003, lr  }
0x1b: {  	s9 =	sadd.s32 $0xFFFFFEF7, lr;
	s5 =	simm.s32 $0xFFFFFFFF;
	p2 =	slt.u32 s8, $0xFFFFF086  }
0x1c: {  	p1 =	slt.u32 s9, $0xF7A;
	s5 =	simm.s32 @!p2 $0x0  }
0x1d: {  	s5 =	simm.s32 @p1 $0x1;
	p0 =	seq.s32 s7, s2  }
0x1e: {  	s7 =	smul.u32 @!p0 $0xF7A, s2;
	p2 =	seq.s32 @!p0 s5, $0x0  }
0x1f: {  	s9 =	smul.u32 $0xF7A, s1;
	s8 =	simm.s32 @!p0 $0x1BF5;
	p2 =	por !p2, p0  }
0x20: {  	[sflag:s8] =	ssyncset.s32 @!p0 $0xFFFFF086;
	s6 =	sadd.s32 @!p0 s3, s7;
	s7 =	simm.s32 @!p0 $0x108  }
0x21: {  	s3 =	sadd.s32 s3, s9;
	s6 =	sadd.s32 @!p0 $0x88, s6;
	s7 =	simm.s32 @p2 $0x1082  }
0x22: {  	[simem:s7], [sflag:s8] =	dma.local @!p0 [hbm:s6], $0xF7A  }
0x23: {  	s9 =	sor.u32 $0xD0000000, s2;
	s6 =	simm.s32 $0x108;
	_ =	swait.ge @!p0 [sflag:s8], $0x0  }
0x24: {  	s3 =	sadd.s32 $0x88, s3;
	s6 =	simm.s32 @!p1 $0x1082;
	[sflag:s4] =	ssyncset.s32 $0xFFFFF086  }
0x25: {  	[simem:s6], [sflag:s4] =	dma.local [hbm:s3], $0xF7A  }
0x26: {  	[smem:$0x3F99] =	sst s1;
	(tag) =	ssettag s2;
	_ =	strace s9  }
0x27: {  	s1 =	sld [smem:$0x3FA9]  }
0x28: {  	s2 =	sld [smem:$0x3FAA]  }
0x29: {  	s4 =	sld [smem:$0x3FAC]  }
0x2a: {  	p0 =	seq.s32 s5, $0x0;
	s5 =	sld [smem:$0x3FAD]  }
0x2b: {  	s6 =	sld [smem:$0x3FAE]  }
0x2c: {  	s7 =	sld [smem:$0x3FAF]  }
0x2d: {  	s3 =	simm.s32 $0x108;
	s8 =	sld [smem:$0x3FB0]  }
0x2e: {  	s3 =	simm.s32 @!p0 $0x1082;
	s9 =	sld [smem:$0x3FB1]  }
0x2f: {  	lr =	sadd.s32 s0, s3;
	s0 =	sld [smem:$0x3FA8]  }
0x30: {  	s3 =	sld [smem:$0x3FAB]  }
0x31: {  	[smem:$0x3FB4] =	sst s10  }
0x32: {  	s10 =	sld [smem:$0x3FB2];
	_ =	sdelay $0x3  }
0x33: {  	p0 =	seq.s32 s10, $0x1;
	s10 =	sld [smem:$0x3FB4];
	_ =	sdelay $0x3  }
0x34: {  	[smem:$0x3FB4] =	sst s10  }
0x35: {  	s10 =	sld [smem:$0x3FB3];
	_ =	sdelay $0x3  }
0x36: {  	p1 =	seq.s32 s10, $0x1;
	s10 =	sld [smem:$0x3FB4];
	_ =	sdelay $0x3  }
0x37: {  	[smem:$0x3FB4] =	sst s10  }
0x38: {  	s10 =	sld [smem:$0x3FB5]  }
0x39: {  	_ = 	snop;
	(pc) =	sbr.ind lr, $3  }
0x3a: {  	_ = 	snop  }
0x3b: {  	_ = 	snop  }
0x3c: {  	p2 =	seq.s32 s10, $0x1;
	s10 =	sld [smem:$0x3FB4]  }
0x3d: {  	_ =	shalt  }
0x3e: {  	_ =	shalt  }
0x3f: {  	_ =	shalt  }
0x40: {  	_ =	shalt  }
0x41: {  	_ =	shalt  }
0x42: {  	_ =	shalt  }
0x43: {  	_ =	shalt  }
0x44: {  	_ =	shalt  }
0x45: {  	_ =	shalt  }
0x46: {  	_ =	shalt  }
0x47: {  	_ =	shalt  }
0x48: {  	_ =	shalt  }
0x49: {  	_ =	shalt  }
0x4a: {  	_ =	shalt  }
0x4b: {  	_ =	shalt  }
0x4c: {  	_ =	shalt  }
0x4d: {  	_ =	shalt  }
0x4e: {  	_ =	shalt  }
0x4f: {  	_ =	shalt  }
0x50: {  	_ =	shalt  }
0x51: {  	_ =	shalt  }
0x52: {  	_ =	shalt  }
0x53: {  	_ =	shalt  }
0x54: {  	_ =	shalt  }
0x55: {  	_ =	shalt  }
0x56: {  	_ =	shalt  }
0x57: {  	_ =	shalt  }
0x58: {  	_ =	shalt  }
0x59: {  	_ =	shalt  }
0x5a: {  	_ =	shalt  }
0x5b: {  	_ =	shalt  }
0x5c: {  	_ =	shalt  }
0x5d: {  	_ =	shalt  }
0x5e: {  	_ =	shalt  }
0x5f: {  	_ =	shalt  }
0x60: {  	_ =	shalt  }
0x61: {  	_ =	shalt  }
0x62: {  	_ =	shalt  }
0x63: {  	_ =	shalt  }
0x64: {  	_ =	shalt  }
0x65: {  	_ =	shalt  }
0x66: {  	_ =	shalt  }
0x67: {  	_ =	shalt  }
0x68: {  	_ =	shalt  }
0x69: {  	_ =	shalt  }
0x6a: {  	_ =	shalt  }
0x6b: {  	_ =	shalt  }
0x6c: {  	_ =	shalt  }
0x6d: {  	_ =	shalt  }
0x6e: {  	_ =	shalt  }
0x6f: {  	_ =	shalt  }
0x70: {  	_ =	shalt  }
0x71: {  	_ =	shalt  }
0x72: {  	_ =	shalt  }
0x73: {  	_ =	shalt  }
0x74: {  	_ =	shalt  }
0x75: {  	_ =	shalt  }
0x76: {  	_ =	shalt  }
0x77: {  	_ =	shalt  }
0x78: {  	_ =	shalt  }
0x79: {  	_ =	shalt  }
0x7a: {  	_ =	shalt  }
0x7b: {  	_ =	shalt  }
0x7c: {  	_ =	shalt  }
0x7d: {  	_ =	shalt  }
0x7e: {  	_ =	shalt  }
0x7f: {  	_ =	shalt  }
0x80: {  	_ =	shalt  }
0x81: {  	_ =	shalt  }
0x82: {  	_ =	shalt  }
0x83: {  	_ =	shalt  }
0x84: {  	_ =	shalt  }
0x85: {  	_ =	shalt  }
0x86: {  	_ =	shalt  }
0x87: {  	_ =	shalt  }
.Lfunc_end0:
.L_simem_size_0:
called_computation.2_lowered:
.L_overlay_start_0:
0x88: {  	s2 =	sld [smem:$0x3FD9]  }
0x89: {  	s3 =	sld [smem:$0x3FFE];
	_ =	sdelay $0x1  }
0x8a: {  	s1 =	srdreg.scid  }
0x8b: {  	s0 =	sand.u32 $0x1, s1  }
0x8c: {  	s17 =	sshll.u32 s0, $0xA;
	s2 =	sadd.s32 s3, s2  }
0x8d: {  	s2 =	sadd.s32 s2, s17  }
0x8e: {  	[smem:$0x3FC0] =	sst s2  }
0x8f: {  	_ = 	snop  }
0x90: {  	s2 =	sld [smem:$0x3FD0];
	(tm) =	ssettm $0x1  }
0x91: {  	s18 =	sld [smem:$0x3FFB];
	_ =	sdelay $0x3  }
0x92: {  	_ =	strace s18  }
0x93: {  	s3 =	sld [smem:$0x3FFC];
	_ =	sdelay $0x3  }
0x94: {  	_ =	strace s3  }
0x95: {  	s3 =	sld [smem:$0x3FFD];
	_ =	sdelay $0x3  }
0x96: {  	_ =	strace s3  }
0x97: {  	_ =	strace $0x8FFFFFFF  }
0x98: {  	s19 =	sld [smem:$0x3FDB];
	_ =	sdelay $0x1  }
0x99: {  	s4 =	simm.s32 $_scs_section_size  }
0x9a: {  	s5 =	simm.s32 $_size__tile_overlayer_lowered;
	s6 =	simm.s32 $_tile_overlayer_lowered  }
0x9b: {  	s22 =	simm.s32 $0x1BFF;
	s21 =	sshll.u32 s6, $0x1;
	s3 =	sadd.s32 s4, s19  }
0x9c: {  	s7 =	simm.s32 $0x0;
	s20 =	sshll.u32 s5, $0x1;
	s5 =	sadd.s32 s21, s3  }
0x9d: {  	[timem:s7], [sflag:s22] =	dma.local [hbm:s5], s20  }
0x9e: {  	_ =	swait.ge [sflag:s22], s20  }
0x9f: {  	s4 =	ssub.s32 $0x0, s20;
	[sflag:s22] =	ssyncset.done $0x0  }
0xa0: {  	[sflag:s22] =	ssyncadd.s32 s4;
	_ =	sdelay $0x1  }
0xa1: {  	s23 =	simm.s32 $0x1B8B  }
0xa2: {  	_ =	swait.ge [sflag:s23], $0x1  }
0xa3: {  	[sflag:s23] =	ssyncset.done $0x0  }
0xa4: {  	s25 =	simm.s32 $0x1B8E;
	s24 =	sld [smem:$0x3FFE];
	[sflag:s23] =	ssyncadd.s32 $0xFFFFFFFF  }
0xa5: {  	s26 =	simm.s32 $execute0_lowered;
	[smem:$0x3FD2] =	sst s25  }
0xa6: {  	s5 =	sshll.u32 s26, $0x1;
	_ =	strace $0x8000004C;
	[dreg:$0x1] =	wrdreg $0xFFFFFFFF  }
0xa7: {  	s28 =	simm.s32 $_size_execute0_lowered;
	s3 =	sadd.s32 s3, s5;
	[dreg:$0x0] =	wrdreg $0x0  }
0xa8: {  	s5 =	sshll.u32 s28, $0x1;
	[dreg:$0x2] =	wrdreg s3  }
0xa9: {  	[dreg:$0x3] =	wrdreg s5  }
0xaa: {  	[dreg:$0x4] =	wrdreg $0xC0  }
0xab: {  	_ =	task [dreg:s7], $0x5FFFF  }
0xac: {  	[dreg:$0x1] =	wrdreg $0xFFFFFFFF  }
0xad: {  	[dreg:$0x0] =	wrdreg $0x60  }
0xae: {  	[dreg:$0x2] =	wrdreg s2  }
0xaf: {  	[dreg:$0x3] =	wrdreg s24  }
0xb0: {  	[dreg:$0x4] =	wrdreg $0x120000  }
0xb1: {  	[dreg:$0x5] =	wrdreg $0x9  }
0xb2: {  	_ =	task.clear_ibuf [dreg:s7], $0x6FFFF;
	_ =	strace $0x9000004C  }
0xb3: {  	s29 =	simm.s32 $0x9;
	_ =	strace $0x8000004E  }
0xb4: {  	_ =	swait.ge [sflag:s29], $0x1  }
0xb5: {  	[sflag:s29] =	ssyncadd.s32 $0xFFFFFFFF  }
0xb6: {  	_ =	strace $0x9000004E  }
0xb7: {  	_ =	sfence  }
0xb8: {  	s30 =	sld [smem:$0x0];
	_ =	sdelay $0x2  }
0xb9: {  	s31 =	sshll.u32 s1, $0xD;
	s1 =	sshrl.u32 s1, $0x2  }
0xba: {  	s3 =	sand.u32 $0x4000, s31;
	s1 =	sadd.s32 s1, s30  }
0xbb: {  	s0 =	sor.u32 s3, s0;
	s1 =	sshll.u32 s1, $0x11  }
0xbc: {  	s0 =	sor.u32 s1, s0  }
0xbd: {  	s0 =	sadd.s32 $0x8F2B, s0  }
0xbe: {  	[sflag:s0] =	ssyncadd.remote.s32 $0x1  }
0xbf: {  	_ =	sfence.sel $0xFFFF  }
0xc0: {  	[dreg:$0x0] =	wrdreg $0xFFFFFFFF;
	(pc) =	sbr.abs _section_cstart, $3  }
0xc1: {  	[dreg:$0x1] =	wrdreg $0xFFFFFFFF  }
0xc2: {  	_ =	task.clear_ibuf [dreg:s7], $0x2FFFF;
	_ =	strace $0x9FFFFFFF  }
0xc3: {  	(tm) =	ssettm $0x7FFFFFFF  }
tec
execute0_lowered:
.L_overlay_start_1:
0x0: {  	(tag) =	ssettag $0x1  }
0x1: {  	s2 =	rddreg [dreg:$0x0]  }
0x2: {  	s5 =	rddreg [dreg:$0x1]  }
0x3: {  	s3 =	rddreg [dreg:$0x2]  }
0x4: {  	s0 =	rddreg [dreg:$0x3]  }
0x5: {  	s1 =	stileid.u32;
	s6 =	srdreg.scid;
	s4 =	simm.s32 $0x0  }
0x6: {  	s14 =	simm.s32 $0x5000;
	s15 =	simm.s32 $0x80;
	s7 =	smul.u32 $0x5000, s1  }
0x7: {  	s16 =	simm.s32 $0xA000;
	s17 =	simm.s32 $0x1;
	s26 =	smul.u32 $0xA000, s1  }
0x8: {  	s6 =	sand.u32 $0x1, s6;
	[smem:$0x7FF] =	sst s4;
	s11 =	smul.u32 $0x28000, s1  }
0x9: {  	s18 =	sshll.u32 s1, $0x6;
	s8 =	smul.u32 $0x50000, s6;
	_ =	strace $0x8000004D  }
0xa: {  	s9 =	smul.u32 $0xA0000, s6;
	s6 =	ssub.s32 $0x2, s6;
	s18 =	sor.u32 $0x1C02, s18  }
0xb: {  	s10 =	sshrl.u32 s7, $0x3;
	s29 =	sshrl.u32 s6, $0x1;
	s30 =	sshrl.u32 s11, $0x2  }
0xc: {  	s7 =	sadd.s32 s7, s8;
	s10 =	sadd.s32 s10, s5;
	s28 =	sadd.s32 s26, s9  }
0xd: {  	s13 =	ssub.s32 s6, s29;
	s7 =	sshrl.u32 s7, $0x3;
	s8 =	sadd.s32 $0x3A00, s10  }
0xe: {  	s11 =	smax.u32 s13, $0x1;
	s12 =	sadd.s32 s7, s5;
	s7 =	sshrl.u32 s28, $0x3  }
0xf: {  	s13 =	simm.s32 $0x2;
	s31 =	sadd.s32 s7, s5;
	s5 =	sadd.s32 s30, s3  }
0x10: {  	s9 =	sadd.s32 $0x35A00, s12;
	s12 =	simm.s32 $0xE000;
	s6 =	sadd.s32 $0x4000, s5  }
0x11: {  	v0 =	vimm.f32 $0.0e+00;
	s7 =	sadd.s32 $0x8000, s5;
	s10 =	sadd.s32 $0xDA00, s31;
	s19 =	sshrl.u32 s5, $0x3  }
.LBB2_1:
0x12: {  	s20 =	simm.s32 $0x0;
	s21 =	simm.s32 $0x200  }
.LBB2_2:
0x13: {  	p0 =	sne.s32 s21, $0xFE00;
	[tilespmem:s20+$0xE070] =	vst v0  }
0x14: {  	[tilespmem:s20+$0xE000] =	vst v0  }
0x15: {  	[tilespmem:s20+$0xE010] =	vst v0  }
.Ltmp0:
0x16: {  	[tilespmem:s20+$0xE020] =	vst v0;
	(pc) =	sbr.rel @p0 .LBB2_2-.Ltmp0, $4  }
0x17: {  	[tilespmem:s20+$0xE030] =	vst v0  }
0x18: {  	[tilespmem:s20+$0xE040] =	vst v0  }
0x19: {  	[tilespmem:s20+$0xE050] =	vst v0  }
0x1a: {  	[tilespmem:s20+$0xE060] =	vst v0;
	s20 =	sshra.s32 s21, $0x2;
	s21 =	sadd.s32 $0x200, s21  }
0x1b: {  	[tilespmem:s20+$0xE070] =	vst v0  }
0x1c: {  	[tilespmem:s20+$0xE000] =	vst v0  }
0x1d: {  	[tilespmem:s20+$0xE010] =	vst v0  }
0x1e: {  	[tilespmem:s20+$0xE020] =	vst v0  }
0x1f: {  	[tilespmem:s20+$0xE030] =	vst v0  }
0x20: {  	[tilespmem:s20+$0xE040] =	vst v0  }
0x21: {  	[tilespmem:s20+$0xE050] =	vst v0  }
0x22: {  	[tilespmem:s20+$0xE060] =	vst v0  }
0x23: {  	[spmem:s5] =	stream.linear.scatter [tilespmem:s12], [sflag:$0x2], $0x4000, $0x38;
	[tilespmem:$0x1C000] =	vst v63  }
0x24: {  	_ =	swait.ge [sflag:s13], $0x4000  }
0x25: {  	[sflag:s13] =	ssyncset.done $0x0  }
0x26: {  	[sflag:s13] =	ssyncadd.s32 $0xFFFFC000  }
0x27: {  	[spmem:s6] =	stream.linear.scatter [tilespmem:s12], [sflag:$0x2], $0x4000, $0x38;
	[tilespmem:$0x1C000] =	vst v63  }
0x28: {  	_ =	swait.ge [sflag:s13], $0x4000  }
0x29: {  	[sflag:s13] =	ssyncset.done $0x0  }
0x2a: {  	[sflag:s13] =	ssyncadd.s32 $0xFFFFC000  }
0x2b: {  	[spmem:s7] =	stream.linear.scatter [tilespmem:s12], [sflag:$0x2], $0x2000, $0x38;
	[tilespmem:$0x1C000] =	vst v63  }
0x2c: {  	_ =	swait.ge [sflag:s13], $0x2000  }
0x2d: {  	[sflag:s13] =	ssyncset.done $0x0  }
0x2e: {  	s29 =	simm.s32 $0x0;
	[sflag:s13] =	ssyncadd.s32 $0xFFFFE000  }
0x2f: {  	[tilespmem:s29], [sflag:$0x2] =	stream.linear.gather [hbm4b:s8+s29], $0x5000, $0x38;
	[tilespmem:$0x1C000] =	vst v63  }
0x30: {  	_ =	swait.ge [sflag:s13], $0x5000  }
0x31: {  	[sflag:s13] =	ssyncset.done $0x0  }
0x32: {  	[sflag:s13] =	ssyncadd.s32 $0xFFFFB000  }
0x33: {  	[tilespmem:s14], [sflag:$0x2] =	stream.linear.gather [hbm4b:s9+s29], $0x5000, $0x38;
	[tilespmem:$0x1C000] =	vst v63  }
0x34: {  	_ =	swait.ge [sflag:s13], $0x5000  }
0x35: {  	[sflag:s13] =	ssyncset.done $0x0  }
0x36: {  	[sflag:s13] =	ssyncadd.s32 $0xFFFFB000  }
0x37: {  	s30 =	simm.s32 $0x0;
	[bflag:$0x0] =	sbarrier.arrive $0xFFFF  }
0x38: {  	[tilespmem:s16], [sflag:$0x1] =	stream.indirect.gather [hbm4b:s2+s15], $0x80, s30, s15, $0xb8;
	[tilespmem:$0x1C000] =	vst v63  }
0x39: {  	_ =	swait.ge [sflag:s17], $0x4000  }
0x3a: {  	[sflag:s17] =	ssyncset.done $0x0  }
0x3b: {  	s31 =	simm.s32 $0x5000;
	[sflag:s17] =	ssyncadd.s32 $0xFFFFC000  }
0x3c: {  	[spmem:s3] =	stream.indirect.scatter.add.f32 [tilespmem:s16], [sflag:$0x2], $0x80, s31, s15, $0xb8;
	[tilespmem:$0x1C000] =	vst v63  }
0x3d: {  	_ =	swait.ge [sflag:s13], $0x4000  }
0x3e: {  	s20 =	simm.s32 $0x200;
	s21 =	simm.s32 $0x400;
	[sflag:s13] =	ssyncset.done $0x0  }
.LBB2_4:
0x3f: {  	s22 =	sshra.s32 s20, $0x2  }
0x40: {  	[sflag:s13] =	ssyncadd.s32 $0xFFFFC000;
	s20 =	smov.u32 s21;
	s23 =	sadd.s32 $0x200, s21  }
0x41: {  	[tilespmem:s16], [sflag:$0x1] =	stream.indirect.gather [hbm4b:s2+s15], $0x80, s22, s15, $0xb8;
	[tilespmem:$0x1C000] =	vst v63  }
0x42: {  	p0 =	sne.s32 s21, $0x13E00;
	_ =	swait.ge [sflag:s17], $0x4000  }
.Ltmp1:
0x43: {  	[sflag:s17] =	ssyncset.done $0x0;
	(pc) =	sbr.rel @p0 .LBB2_4-.Ltmp1, $4  }
0x44: {  	s21 =	sadd.s32 $0x5000, s22;
	[sflag:s17] =	ssyncadd.s32 $0xFFFFC000  }
0x45: {  	[spmem:s3] =	stream.indirect.scatter.add.f32 [tilespmem:s16], [sflag:$0x2], $0x80, s21, s15, $0xb8;
	[tilespmem:$0x1C000] =	vst v63  }
0x46: {  	_ =	swait.ge [sflag:s13], $0x4000  }
0x47: {  	s21 =	smov.u32 s23;
	[sflag:s13] =	ssyncset.done $0x0  }
0x48: {  	s20 =	sshra.s32 s20, $0x2;
	[sflag:s13] =	ssyncadd.s32 $0xFFFFC000  }
0x49: {  	[tilespmem:s16], [sflag:$0x1] =	stream.indirect.gather [hbm4b:s2+s15], $0x80, s20, s15, $0xb8;
	[tilespmem:$0x1C000] =	vst v63  }
0x4a: {  	_ =	swait.ge [sflag:s17], $0x4000  }
0x4b: {  	[sflag:s17] =	ssyncset.done $0x0  }
0x4c: {  	s20 =	sadd.s32 $0x5000, s20;
	[sflag:s17] =	ssyncadd.s32 $0xFFFFC000  }
0x4d: {  	[spmem:s3] =	stream.indirect.scatter.add.f32 [tilespmem:s16], [sflag:$0x2], $0x80, s20, s15, $0xb8;
	[tilespmem:$0x1C000] =	vst v63  }
0x4e: {  	_ =	swait.ge [sflag:s13], $0x4000  }
0x4f: {  	s4 =	sadd.s32 $0x1, s4;
	[sflag:s13] =	ssyncset.done $0x0  }
0x50: {  	p0 =	sne.s32 s4, s11;
	[sflag:s13] =	ssyncadd.s32 $0xFFFFC000  }
.Ltmp2:
0x51: {  	[bflag:$0x0] =	sbarrier.arrive $0xFFFF;
	(pc) =	sbr.rel @p0 .LBB2_1-.Ltmp2, $4  }
0x52: {  	[hbm:s10], [sflag:s18] =	dma.local [spmem:s19], $0x1400  }
0x53: {  	_ =	swait.ge [sflag:s13], $0x1400  }
0x54: {  	[sflag:s13] =	ssyncset.done $0x0  }
0x55: {  	[sflag:s13] =	ssyncadd.s32 $0xFFFFEC00  }
0x56: {  	_ =	sfence.sel $0x180000  }
0x57: {  	[bflag:$0x0] =	sbarrier.arrive $0xFFFF  }
0x58: {  	p0 =	sne.s32 s1, $0x0;
	_ =	strace $0x9000004D  }
0x59: {  	s0 =	sadd.s32 @!p0 $0x100000, s0;
	[bflag:$0x2] =	sbarrier.arrive $0xFFFF  }
0x5a: {  	[sflag:s0] =	ssyncadd.tile.s32 @!p0 $0x1;
	_ =	shalt  }
.Lfunc_end2:
_tile_overlayer_lowered:
.L_overlay_start_2:
0x5b: {  	(tag) =	ssettag $0x2  }
0x5c: {  	s0 =	rddreg [dreg:$0x0];
	s2 =	stileid.u32  }
0x5d: {  	s1 =	rddreg [dreg:$0x1];
	p0 =	sne.s32 s2, $0x0  }
0x5e: {  	s3 =	rddreg [dreg:$0x2];
	[bflag:$0x3] =	sbarrier.arrive $0xFFFF;
	s2 =	simm.s32 @!p0 $0x1C02  }
0x5f: {  	[timem:s3], [sflag:s2] =	dma.local @!p0 [hbm:s0], s1  }
0x60: {  	s0 =	simm.s32 @!p0 $0x2  }
0x61: {  	_ =	swait.ge @!p0 [sflag:s0], s1  }
0x62: {  	s1 =	ssub.s32 @!p0 $0x0, s1;
	[sflag:s0] =	ssyncset.done @!p0 $0x0  }
0x63: {  	[sflag:s0] =	ssyncadd.s32 @!p0 s1  }
0x64: {  	[bflag:$0x3] =	sbarrier.arrive $0xFFFF  }
0x65: {  	_ =	shalt  }

// kernel: kernel.20.cloned.1.call-start
scs
__scs_entry_jumppad:
0x0: {  	(pc) =	sbr.rel $0x88, $3  }
0x1: {  	(tag) =	ssettag $0x0;
	lr =	simm.s32 $0x1  }
0x2: {  	[smem:$0x3F99] =	sst lr;
	_ =	strace $0xD0000000  }
0x3: {  	_ = 	snop  }
0x4: {  	_ = 	snop  }
0x5: {  	_ = 	snop  }
0x6: {  	_ = 	snop  }
0x7: {  	_ = 	snop  }
__scs_overlays_trampoline_lowered:
0x8: {  	[smem:$0x3FA8] =	sst s0  }
0x9: {  	[smem:$0x3FA9] =	sst s1  }
0xa: {  	[smem:$0x3FAA] =	sst s2  }
0xb: {  	[smem:$0x3FAB] =	sst s3  }
0xc: {  	[smem:$0x3FAC] =	sst s4  }
0xd: {  	[smem:$0x3FAD] =	sst s5  }
0xe: {  	[smem:$0x3FAE] =	sst s6  }
0xf: {  	[smem:$0x3FAF] =	sst s7  }
0x10: {  	[smem:$0x3FB0] =	sst s8  }
0x11: {  	[smem:$0x3FB1] =	sst s9;
	s0 =	simm.s32 @!p0 $0x0  }
0x12: {  	s1 =	sld [smem:$0x3F97];
	s0 =	simm.s32 @p0 $0x1  }
0x13: {  	[smem:$0x3FB2] =	sst s0;
	s0 =	simm.s32 @!p1 $0x0  }
0x14: {  	s2 =	sld [smem:$0x3F96];
	s0 =	simm.s32 @p1 $0x1  }
0x15: {  	[smem:$0x3FB3] =	sst s0;
	s0 =	simm.s32 @!p2 $0x0  }
0x16: {  	s3 =	sld [smem:$0x3FDB];
	s0 =	simm.s32 @p2 $0x1  }
0x17: {  	s4 =	simm.s32 $0x1BF5;
	[smem:$0x3FB5] =	sst s0  }
0x18: {  	s0 =	sld [smem:$0x3F98];
	_ =	swait.ge [sflag:s4], $0x0  }
0x19: {  	s7 =	sld [smem:$0x3F99]  }
0x1a: {  	s8 =	sadd.s32 $0xFFFFE003, lr  }
0x1b: {  	s9 =	sadd.s32 $0xFFFFFEF7, lr;
	s5 =	simm.s32 $0xFFFFFFFF;
	p2 =	slt.u32 s8, $0xFFFFF086  }
0x1c: {  	p1 =	slt.u32 s9, $0xF7A;
	s5 =	simm.s32 @!p2 $0x0  }
0x1d: {  	s5 =	simm.s32 @p1 $0x1;
	p0 =	seq.s32 s7, s2  }
0x1e: {  	s7 =	smul.u32 @!p0 $0xF7A, s2;
	p2 =	seq.s32 @!p0 s5, $0x0  }
0x1f: {  	s9 =	smul.u32 $0xF7A, s1;
	s8 =	simm.s32 @!p0 $0x1BF5;
	p2 =	por !p2, p0  }
0x20: {  	[sflag:s8] =	ssyncset.s32 @!p0 $0xFFFFF086;
	s6 =	sadd.s32 @!p0 s3, s7;
	s7 =	simm.s32 @!p0 $0x108  }
0x21: {  	s3 =	sadd.s32 s3, s9;
	s6 =	sadd.s32 @!p0 $0x88, s6;
	s7 =	simm.s32 @p2 $0x1082  }
0x22: {  	[simem:s7], [sflag:s8] =	dma.local @!p0 [hbm:s6], $0xF7A  }
0x23: {  	s9 =	sor.u32 $0xD0000000, s2;
	s6 =	simm.s32 $0x108;
	_ =	swait.ge @!p0 [sflag:s8], $0x0  }
0x24: {  	s3 =	sadd.s32 $0x88, s3;
	s6 =	simm.s32 @!p1 $0x1082;
	[sflag:s4] =	ssyncset.s32 $0xFFFFF086  }
0x25: {  	[simem:s6], [sflag:s4] =	dma.local [hbm:s3], $0xF7A  }
0x26: {  	[smem:$0x3F99] =	sst s1;
	(tag) =	ssettag s2;
	_ =	strace s9  }
0x27: {  	s1 =	sld [smem:$0x3FA9]  }
0x28: {  	s2 =	sld [smem:$0x3FAA]  }
0x29: {  	s4 =	sld [smem:$0x3FAC]  }
0x2a: {  	p0 =	seq.s32 s5, $0x0;
	s5 =	sld [smem:$0x3FAD]  }
0x2b: {  	s6 =	sld [smem:$0x3FAE]  }
0x2c: {  	s7 =	sld [smem:$0x3FAF]  }
0x2d: {  	s3 =	simm.s32 $0x108;
	s8 =	sld [smem:$0x3FB0]  }
0x2e: {  	s3 =	simm.s32 @!p0 $0x1082;
	s9 =	sld [smem:$0x3FB1]  }
0x2f: {  	lr =	sadd.s32 s0, s3;
	s0 =	sld [smem:$0x3FA8]  }
0x30: {  	s3 =	sld [smem:$0x3FAB]  }
0x31: {  	[smem:$0x3FB4] =	sst s10  }
0x32: {  	s10 =	sld [smem:$0x3FB2];
	_ =	sdelay $0x3  }
0x33: {  	p0 =	seq.s32 s10, $0x1;
	s10 =	sld [smem:$0x3FB4];
	_ =	sdelay $0x3  }
0x34: {  	[smem:$0x3FB4] =	sst s10  }
0x35: {  	s10 =	sld [smem:$0x3FB3];
	_ =	sdelay $0x3  }
0x36: {  	p1 =	seq.s32 s10, $0x1;
	s10 =	sld [smem:$0x3FB4];
	_ =	sdelay $0x3  }
0x37: {  	[smem:$0x3FB4] =	sst s10  }
0x38: {  	s10 =	sld [smem:$0x3FB5]  }
0x39: {  	_ = 	snop;
	(pc) =	sbr.ind lr, $3  }
0x3a: {  	_ = 	snop  }
0x3b: {  	_ = 	snop  }
0x3c: {  	p2 =	seq.s32 s10, $0x1;
	s10 =	sld [smem:$0x3FB4]  }
0x3d: {  	_ =	shalt  }
0x3e: {  	_ =	shalt  }
0x3f: {  	_ =	shalt  }
0x40: {  	_ =	shalt  }
0x41: {  	_ =	shalt  }
0x42: {  	_ =	shalt  }
0x43: {  	_ =	shalt  }
0x44: {  	_ =	shalt  }
0x45: {  	_ =	shalt  }
0x46: {  	_ =	shalt  }
0x47: {  	_ =	shalt  }
0x48: {  	_ =	shalt  }
0x49: {  	_ =	shalt  }
0x4a: {  	_ =	shalt  }
0x4b: {  	_ =	shalt  }
0x4c: {  	_ =	shalt  }
0x4d: {  	_ =	shalt  }
0x4e: {  	_ =	shalt  }
0x4f: {  	_ =	shalt  }
0x50: {  	_ =	shalt  }
0x51: {  	_ =	shalt  }
0x52: {  	_ =	shalt  }
0x53: {  	_ =	shalt  }
0x54: {  	_ =	shalt  }
0x55: {  	_ =	shalt  }
0x56: {  	_ =	shalt  }
0x57: {  	_ =	shalt  }
0x58: {  	_ =	shalt  }
0x59: {  	_ =	shalt  }
0x5a: {  	_ =	shalt  }
0x5b: {  	_ =	shalt  }
0x5c: {  	_ =	shalt  }
0x5d: {  	_ =	shalt  }
0x5e: {  	_ =	shalt  }
0x5f: {  	_ =	shalt  }
0x60: {  	_ =	shalt  }
0x61: {  	_ =	shalt  }
0x62: {  	_ =	shalt  }
0x63: {  	_ =	shalt  }
0x64: {  	_ =	shalt  }
0x65: {  	_ =	shalt  }
0x66: {  	_ =	shalt  }
0x67: {  	_ =	shalt  }
0x68: {  	_ =	shalt  }
0x69: {  	_ =	shalt  }
0x6a: {  	_ =	shalt  }
0x6b: {  	_ =	shalt  }
0x6c: {  	_ =	shalt  }
0x6d: {  	_ =	shalt  }
0x6e: {  	_ =	shalt  }
0x6f: {  	_ =	shalt  }
0x70: {  	_ =	shalt  }
0x71: {  	_ =	shalt  }
0x72: {  	_ =	shalt  }
0x73: {  	_ =	shalt  }
0x74: {  	_ =	shalt  }
0x75: {  	_ =	shalt  }
0x76: {  	_ =	shalt  }
0x77: {  	_ =	shalt  }
0x78: {  	_ =	shalt  }
0x79: {  	_ =	shalt  }
0x7a: {  	_ =	shalt  }
0x7b: {  	_ =	shalt  }
0x7c: {  	_ =	shalt  }
0x7d: {  	_ =	shalt  }
0x7e: {  	_ =	shalt  }
0x7f: {  	_ =	shalt  }
0x80: {  	_ =	shalt  }
0x81: {  	_ =	shalt  }
0x82: {  	_ =	shalt  }
0x83: {  	_ =	shalt  }
0x84: {  	_ =	shalt  }
0x85: {  	_ =	shalt  }
0x86: {  	_ =	shalt  }
0x87: {  	_ =	shalt  }
.Lfunc_end0:
.L_simem_size_0:
called_computation.3_lowered:
.L_overlay_start_0:
0x88: {  	s2 =	sld [smem:$0x3FD9]  }
0x89: {  	s3 =	sld [smem:$0x3FFE];
	_ =	sdelay $0x1  }
0x8a: {  	s1 =	srdreg.scid  }
0x8b: {  	s0 =	sand.u32 $0x1, s1  }
0x8c: {  	s17 =	sshll.u32 s0, $0xA;
	s2 =	sadd.s32 s3, s2  }
0x8d: {  	s2 =	sadd.s32 s2, s17  }
0x8e: {  	[smem:$0x3FC0] =	sst s2  }
0x8f: {  	_ = 	snop  }
0x90: {  	s2 =	sld [smem:$0x3FD0];
	(tm) =	ssettm $0x1  }
0x91: {  	s18 =	sld [smem:$0x3FFB];
	_ =	sdelay $0x3  }
0x92: {  	_ =	strace s18  }
0x93: {  	s3 =	sld [smem:$0x3FFC];
	_ =	sdelay $0x3  }
0x94: {  	_ =	strace s3  }
0x95: {  	s3 =	sld [smem:$0x3FFD];
	_ =	sdelay $0x3  }
0x96: {  	_ =	strace s3  }
0x97: {  	_ =	strace $0x8FFFFFFF  }
0x98: {  	s19 =	sld [smem:$0x3FDB];
	_ =	sdelay $0x1  }
0x99: {  	s4 =	simm.s32 $_scs_section_size  }
0x9a: {  	s5 =	simm.s32 $_size__tile_overlayer_lowered;
	s6 =	simm.s32 $_tile_overlayer_lowered  }
0x9b: {  	s22 =	simm.s32 $0x1BFF;
	s21 =	sshll.u32 s6, $0x1;
	s3 =	sadd.s32 s4, s19  }
0x9c: {  	s7 =	simm.s32 $0x0;
	s20 =	sshll.u32 s5, $0x1;
	s5 =	sadd.s32 s21, s3  }
0x9d: {  	[timem:s7], [sflag:s22] =	dma.local [hbm:s5], s20  }
0x9e: {  	_ =	swait.ge [sflag:s22], s20  }
0x9f: {  	s4 =	ssub.s32 $0x0, s20;
	[sflag:s22] =	ssyncset.done $0x0  }
0xa0: {  	[sflag:s22] =	ssyncadd.s32 s4;
	_ =	sdelay $0x1  }
0xa1: {  	s23 =	simm.s32 $0x1B8B  }
0xa2: {  	_ =	swait.ge [sflag:s23], $0x1  }
0xa3: {  	[sflag:s23] =	ssyncset.done $0x0  }
0xa4: {  	s25 =	simm.s32 $0x1B8E;
	s24 =	sld [smem:$0x3FFE];
	[sflag:s23] =	ssyncadd.s32 $0xFFFFFFFF  }
0xa5: {  	s26 =	simm.s32 $execute0_lowered;
	[smem:$0x3FD2] =	sst s25  }
0xa6: {  	s5 =	sshll.u32 s26, $0x1;
	_ =	strace $0x8000004F;
	[dreg:$0x1] =	wrdreg $0xFFFFFFFF  }
0xa7: {  	s28 =	simm.s32 $_size_execute0_lowered;
	s3 =	sadd.s32 s3, s5;
	[dreg:$0x0] =	wrdreg $0x0  }
0xa8: {  	s5 =	sshll.u32 s28, $0x1;
	[dreg:$0x2] =	wrdreg s3  }
0xa9: {  	[dreg:$0x3] =	wrdreg s5  }
0xaa: {  	[dreg:$0x4] =	wrdreg $0xC0  }
0xab: {  	_ =	task [dreg:s7], $0x5FFFF  }
0xac: {  	[dreg:$0x1] =	wrdreg $0xFFFFFFFF  }
0xad: {  	[dreg:$0x0] =	wrdreg $0x60  }
0xae: {  	[dreg:$0x2] =	wrdreg s2  }
0xaf: {  	[dreg:$0x3] =	wrdreg s24  }
0xb0: {  	[dreg:$0x4] =	wrdreg $0x120000  }
0xb1: {  	[dreg:$0x5] =	wrdreg $0x9  }
0xb2: {  	_ =	task.clear_ibuf [dreg:s7], $0x6FFFF;
	_ =	strace $0x9000004F  }
0xb3: {  	s29 =	simm.s32 $0x9;
	_ =	strace $0x80000051  }
0xb4: {  	_ =	swait.ge [sflag:s29], $0x1  }
0xb5: {  	[sflag:s29] =	ssyncadd.s32 $0xFFFFFFFF  }
0xb6: {  	_ =	strace $0x90000051  }
0xb7: {  	_ =	sfence  }
0xb8: {  	s30 =	sld [smem:$0x0];
	_ =	sdelay $0x2  }
0xb9: {  	s31 =	sshll.u32 s1, $0xD;
	s1 =	sshrl.u32 s1, $0x2  }
0xba: {  	s3 =	sand.u32 $0x4000, s31;
	s1 =	sadd.s32 s1, s30  }
0xbb: {  	s0 =	sor.u32 s3, s0;
	s1 =	sshll.u32 s1, $0x11  }
0xbc: {  	s0 =	sor.u32 s1, s0  }
0xbd: {  	s0 =	sadd.s32 $0x8F2B, s0  }
0xbe: {  	[sflag:s0] =	ssyncadd.remote.s32 $0x1  }
0xbf: {  	_ =	sfence.sel $0xFFFF  }
0xc0: {  	[dreg:$0x0] =	wrdreg $0xFFFFFFFF;
	(pc) =	sbr.abs _section_cstart, $3  }
0xc1: {  	[dreg:$0x1] =	wrdreg $0xFFFFFFFF  }
0xc2: {  	_ =	task.clear_ibuf [dreg:s7], $0x2FFFF;
	_ =	strace $0x9FFFFFFF  }
0xc3: {  	(tm) =	ssettm $0x7FFFFFFF  }
tec
execute0_lowered:
.L_overlay_start_1:
0x0: {  	(tag) =	ssettag $0x1  }
0x1: {  	s2 =	rddreg [dreg:$0x0]  }
0x2: {  	s5 =	rddreg [dreg:$0x1]  }
0x3: {  	s3 =	rddreg [dreg:$0x2]  }
0x4: {  	s0 =	rddreg [dreg:$0x3]  }
0x5: {  	s1 =	stileid.u32;
	s6 =	srdreg.scid;
	s4 =	simm.s32 $0x0  }
0x6: {  	s14 =	simm.s32 $0x5000;
	s15 =	simm.s32 $0x80;
	s7 =	smul.u32 $0x5000, s1  }
0x7: {  	s16 =	simm.s32 $0xA000;
	s17 =	simm.s32 $0x1;
	s26 =	smul.u32 $0xA000, s1  }
0x8: {  	s6 =	sand.u32 $0x1, s6;
	[smem:$0x7FF] =	sst s4;
	s11 =	smul.u32 $0x28000, s1  }
0x9: {  	s18 =	sshll.u32 s1, $0x6;
	s8 =	smul.u32 $0x50000, s6;
	_ =	strace $0x80000050  }
0xa: {  	s9 =	smul.u32 $0xA0000, s6;
	s6 =	ssub.s32 $0x2, s6;
	s18 =	sor.u32 $0x1C02, s18  }
0xb: {  	s10 =	sshrl.u32 s7, $0x3;
	s29 =	sshrl.u32 s6, $0x1;
	s30 =	sshrl.u32 s11, $0x2  }
0xc: {  	s7 =	sadd.s32 s7, s8;
	s10 =	sadd.s32 s10, s5;
	s28 =	sadd.s32 s26, s9  }
0xd: {  	s13 =	ssub.s32 s6, s29;
	s7 =	sshrl.u32 s7, $0x3;
	s8 =	sadd.s32 $0x3A00, s10  }
0xe: {  	s11 =	smax.u32 s13, $0x1;
	s12 =	sadd.s32 s7, s5;
	s7 =	sshrl.u32 s28, $0x3  }
0xf: {  	s13 =	simm.s32 $0x2;
	s31 =	sadd.s32 s7, s5;
	s5 =	sadd.s32 s30, s3  }
0x10: {  	s9 =	sadd.s32 $0x35A00, s12;
	s12 =	simm.s32 $0xE000;
	s6 =	sadd.s32 $0x4000, s5  }
0x11: {  	v0 =	vimm.f32 $0.0e+00;
	s7 =	sadd.s32 $0x8000, s5;
	s10 =	sadd.s32 $0xDA00, s31;
	s19 =	sshrl.u32 s5, $0x3  }
.LBB2_1:
0x12: {  	s20 =	simm.s32 $0x0;
	s21 =	simm.s32 $0x200  }
.LBB2_2:
0x13: {  	p0 =	sne.s32 s21, $0xFE00;
	[tilespmem:s20+$0xE070] =	vst v0  }
0x14: {  	[tilespmem:s20+$0xE000] =	vst v0  }
0x15: {  	[tilespmem:s20+$0xE010] =	vst v0  }
.Ltmp0:
0x16: {  	[tilespmem:s20+$0xE020] =	vst v0;
	(pc) =	sbr.rel @p0 .LBB2_2-.Ltmp0, $4  }
0x17: {  	[tilespmem:s20+$0xE030] =	vst v0  }
0x18: {  	[tilespmem:s20+$0xE040] =	vst v0  }
0x19: {  	[tilespmem:s20+$0xE050] =	vst v0  }
0x1a: {  	[tilespmem:s20+$0xE060] =	vst v0;
	s20 =	sshra.s32 s21, $0x2;
	s21 =	sadd.s32 $0x200, s21  }
0x1b: {  	[tilespmem:s20+$0xE070] =	vst v0  }
0x1c: {  	[tilespmem:s20+$0xE000] =	vst v0  }
0x1d: {  	[tilespmem:s20+$0xE010] =	vst v0  }
0x1e: {  	[tilespmem:s20+$0xE020] =	vst v0  }
0x1f: {  	[tilespmem:s20+$0xE030] =	vst v0  }
0x20: {  	[tilespmem:s20+$0xE040] =	vst v0  }
0x21: {  	[tilespmem:s20+$0xE050] =	vst v0  }
0x22: {  	[tilespmem:s20+$0xE060] =	vst v0  }
0x23: {  	[spmem:s5] =	stream.linear.scatter [tilespmem:s12], [sflag:$0x2], $0x4000, $0x38;
	[tilespmem:$0x1C000] =	vst v63  }
0x24: {  	_ =	swait.ge [sflag:s13], $0x4000  }
0x25: {  	[sflag:s13] =	ssyncset.done $0x0  }
0x26: {  	[sflag:s13] =	ssyncadd.s32 $0xFFFFC000  }
0x27: {  	[spmem:s6] =	stream.linear.scatter [tilespmem:s12], [sflag:$0x2], $0x4000, $0x38;
	[tilespmem:$0x1C000] =	vst v63  }
0x28: {  	_ =	swait.ge [sflag:s13], $0x4000  }
0x29: {  	[sflag:s13] =	ssyncset.done $0x0  }
0x2a: {  	[sflag:s13] =	ssyncadd.s32 $0xFFFFC000  }
0x2b: {  	[spmem:s7] =	stream.linear.scatter [tilespmem:s12], [sflag:$0x2], $0x2000, $0x38;
	[tilespmem:$0x1C000] =	vst v63  }
0x2c: {  	_ =	swait.ge [sflag:s13], $0x2000  }
0x2d: {  	[sflag:s13] =	ssyncset.done $0x0  }
0x2e: {  	s29 =	simm.s32 $0x0;
	[sflag:s13] =	ssyncadd.s32 $0xFFFFE000  }
0x2f: {  	[tilespmem:s29], [sflag:$0x2] =	stream.linear.gather [hbm4b:s8+s29], $0x5000, $0x38;
	[tilespmem:$0x1C000] =	vst v63  }
0x30: {  	_ =	swait.ge [sflag:s13], $0x5000  }
0x31: {  	[sflag:s13] =	ssyncset.done $0x0  }
0x32: {  	[sflag:s13] =	ssyncadd.s32 $0xFFFFB000  }
0x33: {  	[tilespmem:s14], [sflag:$0x2] =	stream.linear.gather [hbm4b:s9+s29], $0x5000, $0x38;
	[tilespmem:$0x1C000] =	vst v63  }
0x34: {  	_ =	swait.ge [sflag:s13], $0x5000  }
0x35: {  	[sflag:s13] =	ssyncset.done $0x0  }
0x36: {  	[sflag:s13] =	ssyncadd.s32 $0xFFFFB000  }
0x37: {  	s30 =	simm.s32 $0x0;
	[bflag:$0x0] =	sbarrier.arrive $0xFFFF  }
0x38: {  	[tilespmem:s16], [sflag:$0x1] =	stream.indirect.gather [hbm4b:s2+s15], $0x80, s30, s15, $0xb8;
	[tilespmem:$0x1C000] =	vst v63  }
0x39: {  	_ =	swait.ge [sflag:s17], $0x4000  }
0x3a: {  	[sflag:s17] =	ssyncset.done $0x0  }
0x3b: {  	s31 =	simm.s32 $0x5000;
	[sflag:s17] =	ssyncadd.s32 $0xFFFFC000  }
0x3c: {  	[spmem:s3] =	stream.indirect.scatter.add.f32 [tilespmem:s16], [sflag:$0x2], $0x80, s31, s15, $0xb8;
	[tilespmem:$0x1C000] =	vst v63  }
0x3d: {  	_ =	swait.ge [sflag:s13], $0x4000  }
0x3e: {  	s20 =	simm.s32 $0x200;
	s21 =	simm.s32 $0x400;
	[sflag:s13] =	ssyncset.done $0x0  }
.LBB2_4:
0x3f: {  	s22 =	sshra.s32 s20, $0x2  }
0x40: {  	[sflag:s13] =	ssyncadd.s32 $0xFFFFC000;
	s20 =	smov.u32 s21;
	s23 =	sadd.s32 $0x200, s21  }
0x41: {  	[tilespmem:s16], [sflag:$0x1] =	stream.indirect.gather [hbm4b:s2+s15], $0x80, s22, s15, $0xb8;
	[tilespmem:$0x1C000] =	vst v63  }
0x42: {  	p0 =	sne.s32 s21, $0x13E00;
	_ =	swait.ge [sflag:s17], $0x4000  }
.Ltmp1:
0x43: {  	[sflag:s17] =	ssyncset.done $0x0;
	(pc) =	sbr.rel @p0 .LBB2_4-.Ltmp1, $4  }
0x44: {  	s21 =	sadd.s32 $0x5000, s22;
	[sflag:s17] =	ssyncadd.s32 $0xFFFFC000  }
0x45: {  	[spmem:s3] =	stream.indirect.scatter.add.f32 [tilespmem:s16], [sflag:$0x2], $0x80, s21, s15, $0xb8;
	[tilespmem:$0x1C000] =	vst v63  }
0x46: {  	_ =	swait.ge [sflag:s13], $0x4000  }
0x47: {  	s21 =	smov.u32 s23;
	[sflag:s13] =	ssyncset.done $0x0  }
0x48: {  	s20 =	sshra.s32 s20, $0x2;
	[sflag:s13] =	ssyncadd.s32 $0xFFFFC000  }
0x49: {  	[tilespmem:s16], [sflag:$0x1] =	stream.indirect.gather [hbm4b:s2+s15], $0x80, s20, s15, $0xb8;
	[tilespmem:$0x1C000] =	vst v63  }
0x4a: {  	_ =	swait.ge [sflag:s17], $0x4000  }
0x4b: {  	[sflag:s17] =	ssyncset.done $0x0  }
0x4c: {  	s20 =	sadd.s32 $0x5000, s20;
	[sflag:s17] =	ssyncadd.s32 $0xFFFFC000  }
0x4d: {  	[spmem:s3] =	stream.indirect.scatter.add.f32 [tilespmem:s16], [sflag:$0x2], $0x80, s20, s15, $0xb8;
	[tilespmem:$0x1C000] =	vst v63  }
0x4e: {  	_ =	swait.ge [sflag:s13], $0x4000  }
0x4f: {  	s4 =	sadd.s32 $0x1, s4;
	[sflag:s13] =	ssyncset.done $0x0  }
0x50: {  	p0 =	sne.s32 s4, s11;
	[sflag:s13] =	ssyncadd.s32 $0xFFFFC000  }
.Ltmp2:
0x51: {  	[bflag:$0x0] =	sbarrier.arrive $0xFFFF;
	(pc) =	sbr.rel @p0 .LBB2_1-.Ltmp2, $4  }
0x52: {  	[hbm:s10], [sflag:s18] =	dma.local [spmem:s19], $0x1400  }
0x53: {  	_ =	swait.ge [sflag:s13], $0x1400  }
0x54: {  	[sflag:s13] =	ssyncset.done $0x0  }
0x55: {  	[sflag:s13] =	ssyncadd.s32 $0xFFFFEC00  }
0x56: {  	_ =	sfence.sel $0x180000  }
0x57: {  	[bflag:$0x0] =	sbarrier.arrive $0xFFFF  }
0x58: {  	p0 =	sne.s32 s1, $0x0;
	_ =	strace $0x90000050  }
0x59: {  	s0 =	sadd.s32 @!p0 $0x100000, s0;
	[bflag:$0x2] =	sbarrier.arrive $0xFFFF  }
0x5a: {  	[sflag:s0] =	ssyncadd.tile.s32 @!p0 $0x1;
	_ =	shalt  }
.Lfunc_end2:
_tile_overlayer_lowered:
.L_overlay_start_2:
0x5b: {  	(tag) =	ssettag $0x2  }
0x5c: {  	s0 =	rddreg [dreg:$0x0];
	s2 =	stileid.u32  }
0x5d: {  	s1 =	rddreg [dreg:$0x1];
	p0 =	sne.s32 s2, $0x0  }
0x5e: {  	s3 =	rddreg [dreg:$0x2];
	[bflag:$0x3] =	sbarrier.arrive $0xFFFF;
	s2 =	simm.s32 @!p0 $0x1C02  }
0x5f: {  	[timem:s3], [sflag:s2] =	dma.local @!p0 [hbm:s0], s1  }
0x60: {  	s0 =	simm.s32 @!p0 $0x2  }
0x61: {  	_ =	swait.ge @!p0 [sflag:s0], s1  }
0x62: {  	s1 =	ssub.s32 @!p0 $0x0, s1;
	[sflag:s0] =	ssyncset.done @!p0 $0x0  }
0x63: {  	[sflag:s0] =	ssyncadd.s32 @!p0 s1  }
0x64: {  	[bflag:$0x3] =	sbarrier.arrive $0xFFFF  }
0x65: {  	_ =	shalt  }

</sc_bundles>
